<compile_context>
chip_gen: v7x
topology: tpu7x:2x2x1
jax: 0.10.2.dev20260603
libtpu: 0.0.44.dev20260713+nightly
codegen_flags: <defaults>
</compile_context>

<pallas_src>
import functools

import jax
import jax.numpy as jnp
from jax import lax
from jax.experimental import pallas as pl
from jax.experimental.pallas import tpu as pltpu
from jax.experimental.pallas import tpu_sc as plsc

N_SITES = 256
BATCH = 512
D = 512
L = 16
NBUF = 8


def _make_kernel():
    info = plsc.get_sparse_core_info()
    nc, ns = info.num_cores, info.num_subcores
    nw = nc * ns
    spw = BATCH // nw
    rows_w = spw * N_SITES
    nchunks = rows_w // L
    nsteps = nchunks // NBUF
    mesh = plsc.VectorSubcoreMesh(core_axis_name="c", subcore_axis_name="s")

    @functools.partial(
        pl.kernel,
        mesh=mesh,
        compiler_params=pltpu.CompilerParams(needs_layout_passes=False),
        out_type=jax.ShapeDtypeStruct((BATCH * N_SITES, D), jnp.float32),
        scratch_types=[
            pltpu.VMEM((spw, N_SITES), jnp.int32),
            pltpu.VMEM((N_SITES,), jnp.int32),
            pltpu.VMEM((3 * L,), jnp.int32),
            pltpu.VMEM((rows_w,), jnp.int32),
        ] + [pltpu.VMEM((L, D), jnp.float32)] * NBUF
          + [pltpu.SemaphoreType.DMA] * (2 * NBUF),
    )
    def k(x_hbm, table_hbm, out_hbm, xa_v, csu_v, off_v, idx_v,
          b0, b1, b2, b3, b4, b5, b6, b7,
          g0, g1, g2, g3, g4, g5, g6, g7,
          s0, s1, s2, s3, s4, s5, s6, s7):
        bufs = (b0, b1, b2, b3, b4, b5, b6, b7)
        gsems = (g0, g1, g2, g3, g4, g5, g6, g7)
        ssems = (s0, s1, s2, s3, s4, s5, s6, s7)
        wid = lax.axis_index("s") * nc + lax.axis_index("c")
        iota = lax.iota(jnp.int32, L)
        pltpu.sync_copy(x_hbm.at[pl.ds(wid * spw, spw)], xa_v)

        def compute(s, carry):
            for c in range(N_SITES // L):
                xc = xa_v[s, pl.ds(c * L, L)]
                csu_v[pl.ds(c * L, L)] = jnp.cumsum((xc == 1).astype(jnp.int32))
            counts = plsc.load_gather(csu_v, [iota * L + (L - 1)])
            incl = jnp.cumsum(counts)
            off_v[pl.ds(0, L)] = incl
            tot = plsc.load_gather(off_v, [jnp.full((L,), L - 1, jnp.int32)])
            excl = incl - counts
            off_v[pl.ds(L, L)] = excl
            off_v[pl.ds(2 * L, L)] = tot + iota * L - excl
            sp = jnp.full((L,), s * N_SITES, jnp.int32)
            for c in range(N_SITES // L):
                xc = xa_v[s, pl.ds(c * L, L)]
                m_up = xc == 1
                m_dn = jnp.logical_not(m_up)
                ids = c * L + iota
                cu = csu_v[pl.ds(c * L, L)]
                cd = (iota + 1) - cu
                uo = plsc.load_gather(off_v, [jnp.full((L,), L + c, jnp.int32)])
                do = plsc.load_gather(off_v,
                                      [jnp.full((L,), 2 * L + c, jnp.int32)])
                pu = jnp.where(m_up, uo + cu - 1, 0)
                pd = jnp.where(m_dn, do + cd - 1, 0)
                plsc.store_scatter(idx_v, [sp + pu], ids, mask=m_up)
                plsc.store_scatter(idx_v, [sp + pd], ids + N_SITES, mask=m_dn)
            return carry

        compute(0, 0)

        out_base = wid * rows_w

        def ivec_for(t):
            iv = idx_v[pl.ds(t * L, L)]
            return jnp.where(iv >= 0,
                             jnp.where(iv < 2 * N_SITES, iv, 0), 0)

        def issue_gather(t, j):
            pltpu.async_copy(table_hbm.at[ivec_for(t)], bufs[j], gsems[j])

        def wait_gather(j):
            pltpu.make_async_copy(table_hbm.at[iota], bufs[j], gsems[j]).wait()

        for j in range(NBUF):
            issue_gather(j, j)

        def step(i, carry):
            t0 = i * NBUF
            for j in range(NBUF):
                wait_gather(j)
                pltpu.async_copy(
                    bufs[j], out_hbm.at[pl.ds(out_base + (t0 + j) * L, L)],
                    ssems[j])

            @pl.when(jnp.logical_and(i % 2 == 0, i < 2 * (spw - 1)))
            def _():
                compute(i // 2 + 1, 0)

            for j in range(NBUF):
                pltpu.make_async_copy(
                    bufs[j], out_hbm.at[pl.ds(0, L)], ssems[j]).wait()

                @pl.when(i < nsteps - 1)
                def _():
                    issue_gather(t0 + NBUF + j, j)
            return carry

        lax.fori_loop(0, nsteps, step, 0)

    return k


_sc_gather = _make_kernel()


@jax.jit
def kernel(x, orbitals_mf, orbitals_hf):
    table = jnp.concatenate((orbitals_mf, orbitals_hf), axis=1)
    out = _sc_gather(x, table)
    return out.reshape(BATCH, N_SITES, D)

# --- scband reference (transcript-rebuilt; emitter-appended) ---
"""Pipeline reference for scband-orbitals-36077725287042 (READ-ONLY COPY).

The authoritative reference and input builder live on the scoring server;
editing this copy changes nothing except your own understanding.
"""

import jax, jax.numpy as jnp
import numpy as np

N_SITES = 256
N_ELECS = 256
N_HID = 256
BATCH = 512


def setup_inputs(seed: int = 0) -> dict:
    key = jax.random.key(seed)
    k1, k2 = jax.random.split(key, 2)
    # spin configurations: each site is +1 (up) or -1 (down), full filling
    r = jax.random.randint(k1, (BATCH, N_SITES), 0, 2)
    x = (2 * r - 1).astype(jnp.int32)
    # MFinit='random' -> normal(0.1) init, shape (2*N_sites, n_elecs)
    orbitals_mf = (jax.random.normal(k2, (2 * N_SITES, N_ELECS), dtype=jnp.float32) * 0.1)
    # orbitals_hf initialized to zeros, shape (2*N_sites, n_hid)
    orbitals_hf = jnp.zeros((2 * N_SITES, N_HID), dtype=jnp.float32)
    return {"x": x, "orbitals_mf": orbitals_mf, "orbitals_hf": orbitals_hf}


def reference(x, orbitals_mf, orbitals_hf):
    orbitals_full = jnp.concatenate((orbitals_mf, orbitals_hf), axis=1)

    def compute_orbital_selection(xi):
        spin_up = (xi == 1)
        spin_dn = (xi == -1)
        x_flat = jnp.concatenate([spin_up, spin_dn])
        mask = x_flat.astype(jnp.int32)
        _, idx = jax.lax.top_k(mask, N_SITES)
        return jnp.take(orbitals_full, idx, axis=0)

    orbitals_selected = jax.vmap(compute_orbital_selection)(x)
    return orbitals_selected

if __name__ == "__main__":
    import jax
    _d = setup_inputs()
    print(jax.jit(kernel)(*tuple(_d.values())))

</pallas_src>

<mosaic_0001>
#map = affine_map<(d0, d1) -> (0, 0)>
module attributes {stable_mosaic.version = 14 : i64} {
  func.func @k(%arg0: i32, %arg1: i32, %arg2: memref<512x256xi32, #tpu.memory_space<hbm>>, %arg3: memref<512x512xf32, #tpu.memory_space<hbm>>, %arg4: memref<131072x512xf32, #tpu.memory_space<hbm>>, %arg5: memref<16x256xi32, #tpu.memory_space<vmem>>, %arg6: memref<256xi32, #tpu.memory_space<vmem>>, %arg7: memref<48xi32, #tpu.memory_space<vmem>>, %arg8: memref<4096xi32, #tpu.memory_space<vmem>>, %arg9: memref<16x512xf32, #tpu.memory_space<vmem>>, %arg10: memref<16x512xf32, #tpu.memory_space<vmem>>, %arg11: memref<16x512xf32, #tpu.memory_space<vmem>>, %arg12: memref<16x512xf32, #tpu.memory_space<vmem>>, %arg13: memref<16x512xf32, #tpu.memory_space<vmem>>, %arg14: memref<16x512xf32, #tpu.memory_space<vmem>>, %arg15: memref<16x512xf32, #tpu.memory_space<vmem>>, %arg16: memref<16x512xf32, #tpu.memory_space<vmem>>, %arg17: memref<!tpu.dma_semaphore, #tpu.memory_space<semaphore_mem>>, %arg18: memref<!tpu.dma_semaphore, #tpu.memory_space<semaphore_mem>>, %arg19: memref<!tpu.dma_semaphore, #tpu.memory_space<semaphore_mem>>, %arg20: memref<!tpu.dma_semaphore, #tpu.memory_space<semaphore_mem>>, %arg21: memref<!tpu.dma_semaphore, #tpu.memory_space<semaphore_mem>>, %arg22: memref<!tpu.dma_semaphore, #tpu.memory_space<semaphore_mem>>, %arg23: memref<!tpu.dma_semaphore, #tpu.memory_space<semaphore_mem>>, %arg24: memref<!tpu.dma_semaphore, #tpu.memory_space<semaphore_mem>>, %arg25: memref<!tpu.dma_semaphore, #tpu.memory_space<semaphore_mem>>, %arg26: memref<!tpu.dma_semaphore, #tpu.memory_space<semaphore_mem>>, %arg27: memref<!tpu.dma_semaphore, #tpu.memory_space<semaphore_mem>>, %arg28: memref<!tpu.dma_semaphore, #tpu.memory_space<semaphore_mem>>, %arg29: memref<!tpu.dma_semaphore, #tpu.memory_space<semaphore_mem>>, %arg30: memref<!tpu.dma_semaphore, #tpu.memory_space<semaphore_mem>>, %arg31: memref<!tpu.dma_semaphore, #tpu.memory_space<semaphore_mem>>, %arg32: memref<!tpu.dma_semaphore, #tpu.memory_space<semaphore_mem>>) attributes {dimension_semantics = [#tpu.dimension_semantics<core_parallel>, #tpu.dimension_semantics<subcore_parallel>], iteration_bounds = array<i64: 2, 16>, scalar_prefetch = 0 : i64, scratch_operands = 28 : i64, tpu.core_type = #tpu.core_type<sc_vector_subcore>, window_params = [{transform_indices = #map}, {transform_indices = #map}, {transform_indices = #map}]} {
    %mul3A = arith.constant 2 : i32
    %mul3A_0 = arith.muli %arg1, %mul3A : i32
    %add3A = arith.addi %mul3A_0, %arg0 : i32
    %iota3A = tpu.iota {dimensions = array<i32: 0>} : vector<16xi32>
    %mul3A_1 = arith.constant 16 : i32
    %mul3A_2 = arith.muli %add3A, %mul3A_1 : i32
    "tpu.region"() ({
      %run_scoped3A = tpu.sem_alloc : memref<!tpu.dma_semaphore, #tpu.memory_space<semaphore_mem>>
      %dma_start3A_1055 = arith.constant 0 : i32
      %dma_start3A_1056 = tpu.memref_slice %arg2[%mul3A_2, %dma_start3A_1055] : memref<512x256xi32, #tpu.memory_space<hbm>> -> memref<16x256xi32, #tpu.memory_space<hbm>>
      %dma_start3A_1057 = arith.constant 0 : i32
      %dma_start3A_1058 = tpu.memref_slice %arg2[%mul3A_2, %dma_start3A_1057] : memref<512x256xi32, #tpu.memory_space<hbm>> -> memref<16x256xi32, #tpu.memory_space<hbm>>
      tpu.enqueue_dma source(%dma_start3A_1058 : memref<16x256xi32, #tpu.memory_space<hbm>>) target(%arg5 : memref<16x256xi32, #tpu.memory_space<vmem>>) target_semaphore(%run_scoped3A : memref<!tpu.dma_semaphore, #tpu.memory_space<semaphore_mem>>)
      %dma_wait3A = arith.constant 0 : i32
      %dma_wait3A_1059 = tpu.memref_slice %arg2[%mul3A_2, %dma_wait3A] : memref<512x256xi32, #tpu.memory_space<hbm>> -> memref<16x256xi32, #tpu.memory_space<hbm>>
      %dma_wait3A_1060 = arith.constant 0 : i32
      %dma_wait3A_1061 = tpu.memref_slice %arg2[%mul3A_2, %dma_wait3A_1060] : memref<512x256xi32, #tpu.memory_space<hbm>> -> memref<16x256xi32, #tpu.memory_space<hbm>>
      tpu.wait_dma2 semaphore(%run_scoped3A : memref<!tpu.dma_semaphore, #tpu.memory_space<semaphore_mem>>) src(%dma_wait3A_1061 : memref<16x256xi32, #tpu.memory_space<hbm>>) dst(%arg5 : memref<16x256xi32, #tpu.memory_space<vmem>>)
      tpu.yield
    }) : () -> ()
    %get3A = arith.constant 0 : i32
    %get3A_3 = arith.index_cast %get3A : i32 to index
    %get3A_4 = arith.constant 0 : index
    %get3A_5 = tpu.vector_load %arg5[%get3A_3, %get3A_4] {strides = array<i32>} : memref<16x256xi32, #tpu.memory_space<vmem>>, vector<16xi32>,
    %eq3A = arith.constant 1 : i32
    %eq3A_6 = vector.broadcast %eq3A : i32 to vector<16xi32>
    %eq3A_7 = arith.cmpi eq, %get3A_5, %eq3A_6 : vector<16xi32>
    %convert_element_type3A = arith.extui %eq3A_7 : vector<16xi1> to vector<16xi32>
    %cumsum3A = arith.constant true
    %cumsum3A_8 = vector.broadcast %cumsum3A : i1 to vector<16xi1>
    %cumsum3A_9 = tpu.scan <sum>, %convert_element_type3A masked %cumsum3A_8 : vector<16xi32>, vector<16xi1> -> vector<16xi32>
    %swap3A = arith.constant 0 : index
    %swap3A_10 = tpu.vector_load %arg6[%swap3A] {strides = array<i32>} : memref<256xi32, #tpu.memory_space<vmem>>, vector<16xi32>,
    tpu.vector_store %arg6[%swap3A], %cumsum3A_9 {strides = array<i32>} : memref<256xi32, #tpu.memory_space<vmem>>, vector<16xi32>,
    %get3A_11 = arith.constant 0 : i32
    %get3A_12 = arith.index_cast %get3A_11 : i32 to index
    %get3A_13 = arith.constant 16 : index
    %get3A_14 = tpu.vector_load %arg5[%get3A_12, %get3A_13] {strides = array<i32>} : memref<16x256xi32, #tpu.memory_space<vmem>>, vector<16xi32>,
    %eq3A_15 = arith.constant 1 : i32
    %eq3A_16 = vector.broadcast %eq3A_15 : i32 to vector<16xi32>
    %eq3A_17 = arith.cmpi eq, %get3A_14, %eq3A_16 : vector<16xi32>
    %convert_element_type3A_18 = arith.extui %eq3A_17 : vector<16xi1> to vector<16xi32>
    %cumsum3A_19 = arith.constant true
    %cumsum3A_20 = vector.broadcast %cumsum3A_19 : i1 to vector<16xi1>
    %cumsum3A_21 = tpu.scan <sum>, %convert_element_type3A_18 masked %cumsum3A_20 : vector<16xi32>, vector<16xi1> -> vector<16xi32>
    %swap3A_22 = arith.constant 16 : index
    %swap3A_23 = tpu.vector_load %arg6[%swap3A_22] {strides = array<i32>} : memref<256xi32, #tpu.memory_space<vmem>>, vector<16xi32>,
    tpu.vector_store %arg6[%swap3A_22], %cumsum3A_21 {strides = array<i32>} : memref<256xi32, #tpu.memory_space<vmem>>, vector<16xi32>,
    %get3A_24 = arith.constant 0 : i32
    %get3A_25 = arith.index_cast %get3A_24 : i32 to index
    %get3A_26 = arith.constant 32 : index
    %get3A_27 = tpu.vector_load %arg5[%get3A_25, %get3A_26] {strides = array<i32>} : memref<16x256xi32, #tpu.memory_space<vmem>>, vector<16xi32>,
    %eq3A_28 = arith.constant 1 : i32
    %eq3A_29 = vector.broadcast %eq3A_28 : i32 to vector<16xi32>
    %eq3A_30 = arith.cmpi eq, %get3A_27, %eq3A_29 : vector<16xi32>
    %convert_element_type3A_31 = arith.extui %eq3A_30 : vector<16xi1> to vector<16xi32>
    %cumsum3A_32 = arith.constant true
    %cumsum3A_33 = vector.broadcast %cumsum3A_32 : i1 to vector<16xi1>
    %cumsum3A_34 = tpu.scan <sum>, %convert_element_type3A_31 masked %cumsum3A_33 : vector<16xi32>, vector<16xi1> -> vector<16xi32>
    %swap3A_35 = arith.constant 32 : index
    %swap3A_36 = tpu.vector_load %arg6[%swap3A_35] {strides = array<i32>} : memref<256xi32, #tpu.memory_space<vmem>>, vector<16xi32>,
    tpu.vector_store %arg6[%swap3A_35], %cumsum3A_34 {strides = array<i32>} : memref<256xi32, #tpu.memory_space<vmem>>, vector<16xi32>,
    %get3A_37 = arith.constant 0 : i32
    %get3A_38 = arith.index_cast %get3A_37 : i32 to index
    %get3A_39 = arith.constant 48 : index
    %get3A_40 = tpu.vector_load %arg5[%get3A_38, %get3A_39] {strides = array<i32>} : memref<16x256xi32, #tpu.memory_space<vmem>>, vector<16xi32>,
    %eq3A_41 = arith.constant 1 : i32
    %eq3A_42 = vector.broadcast %eq3A_41 : i32 to vector<16xi32>
    %eq3A_43 = arith.cmpi eq, %get3A_40, %eq3A_42 : vector<16xi32>
    %convert_element_type3A_44 = arith.extui %eq3A_43 : vector<16xi1> to vector<16xi32>
    %cumsum3A_45 = arith.constant true
    %cumsum3A_46 = vector.broadcast %cumsum3A_45 : i1 to vector<16xi1>
    %cumsum3A_47 = tpu.scan <sum>, %convert_element_type3A_44 masked %cumsum3A_46 : vector<16xi32>, vector<16xi1> -> vector<16xi32>
    %swap3A_48 = arith.constant 48 : index
    %swap3A_49 = tpu.vector_load %arg6[%swap3A_48] {strides = array<i32>} : memref<256xi32, #tpu.memory_space<vmem>>, vector<16xi32>,
    tpu.vector_store %arg6[%swap3A_48], %cumsum3A_47 {strides = array<i32>} : memref<256xi32, #tpu.memory_space<vmem>>, vector<16xi32>,
    %get3A_50 = arith.constant 0 : i32
    %get3A_51 = arith.index_cast %get3A_50 : i32 to index
    %get3A_52 = arith.constant 64 : index
    %get3A_53 = tpu.vector_load %arg5[%get3A_51, %get3A_52] {strides = array<i32>} : memref<16x256xi32, #tpu.memory_space<vmem>>, vector<16xi32>,
    %eq3A_54 = arith.constant 1 : i32
    %eq3A_55 = vector.broadcast %eq3A_54 : i32 to vector<16xi32>
    %eq3A_56 = arith.cmpi eq, %get3A_53, %eq3A_55 : vector<16xi32>
    %convert_element_type3A_57 = arith.extui %eq3A_56 : vector<16xi1> to vector<16xi32>
    %cumsum3A_58 = arith.constant true
    %cumsum3A_59 = vector.broadcast %cumsum3A_58 : i1 to vector<16xi1>
    %cumsum3A_60 = tpu.scan <sum>, %convert_element_type3A_57 masked %cumsum3A_59 : vector<16xi32>, vector<16xi1> -> vector<16xi32>
    %swap3A_61 = arith.constant 64 : index
    %swap3A_62 = tpu.vector_load %arg6[%swap3A_61] {strides = array<i32>} : memref<256xi32, #tpu.memory_space<vmem>>, vector<16xi32>,
    tpu.vector_store %arg6[%swap3A_61], %cumsum3A_60 {strides = array<i32>} : memref<256xi32, #tpu.memory_space<vmem>>, vector<16xi32>,
    %get3A_63 = arith.constant 0 : i32
    %get3A_64 = arith.index_cast %get3A_63 : i32 to index
    %get3A_65 = arith.constant 80 : index
    %get3A_66 = tpu.vector_load %arg5[%get3A_64, %get3A_65] {strides = array<i32>} : memref<16x256xi32, #tpu.memory_space<vmem>>, vector<16xi32>,
    %eq3A_67 = arith.constant 1 : i32
    %eq3A_68 = vector.broadcast %eq3A_67 : i32 to vector<16xi32>
    %eq3A_69 = arith.cmpi eq, %get3A_66, %eq3A_68 : vector<16xi32>
    %convert_element_type3A_70 = arith.extui %eq3A_69 : vector<16xi1> to vector<16xi32>
    %cumsum3A_71 = arith.constant true
    %cumsum3A_72 = vector.broadcast %cumsum3A_71 : i1 to vector<16xi1>
    %cumsum3A_73 = tpu.scan <sum>, %convert_element_type3A_70 masked %cumsum3A_72 : vector<16xi32>, vector<16xi1> -> vector<16xi32>
    %swap3A_74 = arith.constant 80 : index
    %swap3A_75 = tpu.vector_load %arg6[%swap3A_74] {strides = array<i32>} : memref<256xi32, #tpu.memory_space<vmem>>, vector<16xi32>,
    tpu.vector_store %arg6[%swap3A_74], %cumsum3A_73 {strides = array<i32>} : memref<256xi32, #tpu.memory_space<vmem>>, vector<16xi32>,
    %get3A_76 = arith.constant 0 : i32
    %get3A_77 = arith.index_cast %get3A_76 : i32 to index
    %get3A_78 = arith.constant 96 : index
    %get3A_79 = tpu.vector_load %arg5[%get3A_77, %get3A_78] {strides = array<i32>} : memref<16x256xi32, #tpu.memory_space<vmem>>, vector<16xi32>,
    %eq3A_80 = arith.constant 1 : i32
    %eq3A_81 = vector.broadcast %eq3A_80 : i32 to vector<16xi32>
    %eq3A_82 = arith.cmpi eq, %get3A_79, %eq3A_81 : vector<16xi32>
    %convert_element_type3A_83 = arith.extui %eq3A_82 : vector<16xi1> to vector<16xi32>
    %cumsum3A_84 = arith.constant true
    %cumsum3A_85 = vector.broadcast %cumsum3A_84 : i1 to vector<16xi1>
    %cumsum3A_86 = tpu.scan <sum>, %convert_element_type3A_83 masked %cumsum3A_85 : vector<16xi32>, vector<16xi1> -> vector<16xi32>
    %swap3A_87 = arith.constant 96 : index
    %swap3A_88 = tpu.vector_load %arg6[%swap3A_87] {strides = array<i32>} : memref<256xi32, #tpu.memory_space<vmem>>, vector<16xi32>,
    tpu.vector_store %arg6[%swap3A_87], %cumsum3A_86 {strides = array<i32>} : memref<256xi32, #tpu.memory_space<vmem>>, vector<16xi32>,
    %get3A_89 = arith.constant 0 : i32
    %get3A_90 = arith.index_cast %get3A_89 : i32 to index
    %get3A_91 = arith.constant 112 : index
    %get3A_92 = tpu.vector_load %arg5[%get3A_90, %get3A_91] {strides = array<i32>} : memref<16x256xi32, #tpu.memory_space<vmem>>, vector<16xi32>,
    %eq3A_93 = arith.constant 1 : i32
    %eq3A_94 = vector.broadcast %eq3A_93 : i32 to vector<16xi32>
    %eq3A_95 = arith.cmpi eq, %get3A_92, %eq3A_94 : vector<16xi32>
    %convert_element_type3A_96 = arith.extui %eq3A_95 : vector<16xi1> to vector<16xi32>
    %cumsum3A_97 = arith.constant true
    %cumsum3A_98 = vector.broadcast %cumsum3A_97 : i1 to vector<16xi1>
    %cumsum3A_99 = tpu.scan <sum>, %convert_element_type3A_96 masked %cumsum3A_98 : vector<16xi32>, vector<16xi1> -> vector<16xi32>
    %swap3A_100 = arith.constant 112 : index
    %swap3A_101 = tpu.vector_load %arg6[%swap3A_100] {strides = array<i32>} : memref<256xi32, #tpu.memory_space<vmem>>, vector<16xi32>,
    tpu.vector_store %arg6[%swap3A_100], %cumsum3A_99 {strides = array<i32>} : memref<256xi32, #tpu.memory_space<vmem>>, vector<16xi32>,
    %get3A_102 = arith.constant 0 : i32
    %get3A_103 = arith.index_cast %get3A_102 : i32 to index
    %get3A_104 = arith.constant 128 : index
    %get3A_105 = tpu.vector_load %arg5[%get3A_103, %get3A_104] {strides = array<i32>} : memref<16x256xi32, #tpu.memory_space<vmem>>, vector<16xi32>,
    %eq3A_106 = arith.constant 1 : i32
    %eq3A_107 = vector.broadcast %eq3A_106 : i32 to vector<16xi32>
    %eq3A_108 = arith.cmpi eq, %get3A_105, %eq3A_107 : vector<16xi32>
    %convert_element_type3A_109 = arith.extui %eq3A_108 : vector<16xi1> to vector<16xi32>
    %cumsum3A_110 = arith.constant true
    %cumsum3A_111 = vector.broadcast %cumsum3A_110 : i1 to vector<16xi1>
    %cumsum3A_112 = tpu.scan <sum>, %convert_element_type3A_109 masked %cumsum3A_111 : vector<16xi32>, vector<16xi1> -> vector<16xi32>
    %swap3A_113 = arith.constant 128 : index
    %swap3A_114 = tpu.vector_load %arg6[%swap3A_113] {strides = array<i32>} : memref<256xi32, #tpu.memory_space<vmem>>, vector<16xi32>,
    tpu.vector_store %arg6[%swap3A_113], %cumsum3A_112 {strides = array<i32>} : memref<256xi32, #tpu.memory_space<vmem>>, vector<16xi32>,
    %get3A_115 = arith.constant 0 : i32
    %get3A_116 = arith.index_cast %get3A_115 : i32 to index
    %get3A_117 = arith.constant 144 : index
    %get3A_118 = tpu.vector_load %arg5[%get3A_116, %get3A_117] {strides = array<i32>} : memref<16x256xi32, #tpu.memory_space<vmem>>, vector<16xi32>,
    %eq3A_119 = arith.constant 1 : i32
    %eq3A_120 = vector.broadcast %eq3A_119 : i32 to vector<16xi32>
    %eq3A_121 = arith.cmpi eq, %get3A_118, %eq3A_120 : vector<16xi32>
    %convert_element_type3A_122 = arith.extui %eq3A_121 : vector<16xi1> to vector<16xi32>
    %cumsum3A_123 = arith.constant true
    %cumsum3A_124 = vector.broadcast %cumsum3A_123 : i1 to vector<16xi1>
    %cumsum3A_125 = tpu.scan <sum>, %convert_element_type3A_122 masked %cumsum3A_124 : vector<16xi32>, vector<16xi1> -> vector<16xi32>
    %swap3A_126 = arith.constant 144 : index
    %swap3A_127 = tpu.vector_load %arg6[%swap3A_126] {strides = array<i32>} : memref<256xi32, #tpu.memory_space<vmem>>, vector<16xi32>,
    tpu.vector_store %arg6[%swap3A_126], %cumsum3A_125 {strides = array<i32>} : memref<256xi32, #tpu.memory_space<vmem>>, vector<16xi32>,
    %get3A_128 = arith.constant 0 : i32
    %get3A_129 = arith.index_cast %get3A_128 : i32 to index
    %get3A_130 = arith.constant 160 : index
    %get3A_131 = tpu.vector_load %arg5[%get3A_129, %get3A_130] {strides = array<i32>} : memref<16x256xi32, #tpu.memory_space<vmem>>, vector<16xi32>,
    %eq3A_132 = arith.constant 1 : i32
    %eq3A_133 = vector.broadcast %eq3A_132 : i32 to vector<16xi32>
    %eq3A_134 = arith.cmpi eq, %get3A_131, %eq3A_133 : vector<16xi32>
    %convert_element_type3A_135 = arith.extui %eq3A_134 : vector<16xi1> to vector<16xi32>
    %cumsum3A_136 = arith.constant true
    %cumsum3A_137 = vector.broadcast %cumsum3A_136 : i1 to vector<16xi1>
    %cumsum3A_138 = tpu.scan <sum>, %convert_element_type3A_135 masked %cumsum3A_137 : vector<16xi32>, vector<16xi1> -> vector<16xi32>
    %swap3A_139 = arith.constant 160 : index
    %swap3A_140 = tpu.vector_load %arg6[%swap3A_139] {strides = array<i32>} : memref<256xi32, #tpu.memory_space<vmem>>, vector<16xi32>,
    tpu.vector_store %arg6[%swap3A_139], %cumsum3A_138 {strides = array<i32>} : memref<256xi32, #tpu.memory_space<vmem>>, vector<16xi32>,
    %get3A_141 = arith.constant 0 : i32
    %get3A_142 = arith.index_cast %get3A_141 : i32 to index
    %get3A_143 = arith.constant 176 : index
    %get3A_144 = tpu.vector_load %arg5[%get3A_142, %get3A_143] {strides = array<i32>} : memref<16x256xi32, #tpu.memory_space<vmem>>, vector<16xi32>,
    %eq3A_145 = arith.constant 1 : i32
    %eq3A_146 = vector.broadcast %eq3A_145 : i32 to vector<16xi32>
    %eq3A_147 = arith.cmpi eq, %get3A_144, %eq3A_146 : vector<16xi32>
    %convert_element_type3A_148 = arith.extui %eq3A_147 : vector<16xi1> to vector<16xi32>
    %cumsum3A_149 = arith.constant true
    %cumsum3A_150 = vector.broadcast %cumsum3A_149 : i1 to vector<16xi1>
    %cumsum3A_151 = tpu.scan <sum>, %convert_element_type3A_148 masked %cumsum3A_150 : vector<16xi32>, vector<16xi1> -> vector<16xi32>
    %swap3A_152 = arith.constant 176 : index
    %swap3A_153 = tpu.vector_load %arg6[%swap3A_152] {strides = array<i32>} : memref<256xi32, #tpu.memory_space<vmem>>, vector<16xi32>,
    tpu.vector_store %arg6[%swap3A_152], %cumsum3A_151 {strides = array<i32>} : memref<256xi32, #tpu.memory_space<vmem>>, vector<16xi32>,
    %get3A_154 = arith.constant 0 : i32
    %get3A_155 = arith.index_cast %get3A_154 : i32 to index
    %get3A_156 = arith.constant 192 : index
    %get3A_157 = tpu.vector_load %arg5[%get3A_155, %get3A_156] {strides = array<i32>} : memref<16x256xi32, #tpu.memory_space<vmem>>, vector<16xi32>,
    %eq3A_158 = arith.constant 1 : i32
    %eq3A_159 = vector.broadcast %eq3A_158 : i32 to vector<16xi32>
    %eq3A_160 = arith.cmpi eq, %get3A_157, %eq3A_159 : vector<16xi32>
    %convert_element_type3A_161 = arith.extui %eq3A_160 : vector<16xi1> to vector<16xi32>
    %cumsum3A_162 = arith.constant true
    %cumsum3A_163 = vector.broadcast %cumsum3A_162 : i1 to vector<16xi1>
    %cumsum3A_164 = tpu.scan <sum>, %convert_element_type3A_161 masked %cumsum3A_163 : vector<16xi32>, vector<16xi1> -> vector<16xi32>
    %swap3A_165 = arith.constant 192 : index
    %swap3A_166 = tpu.vector_load %arg6[%swap3A_165] {strides = array<i32>} : memref<256xi32, #tpu.memory_space<vmem>>, vector<16xi32>,
    tpu.vector_store %arg6[%swap3A_165], %cumsum3A_164 {strides = array<i32>} : memref<256xi32, #tpu.memory_space<vmem>>, vector<16xi32>,
    %get3A_167 = arith.constant 0 : i32
    %get3A_168 = arith.index_cast %get3A_167 : i32 to index
    %get3A_169 = arith.constant 208 : index
    %get3A_170 = tpu.vector_load %arg5[%get3A_168, %get3A_169] {strides = array<i32>} : memref<16x256xi32, #tpu.memory_space<vmem>>, vector<16xi32>,
    %eq3A_171 = arith.constant 1 : i32
    %eq3A_172 = vector.broadcast %eq3A_171 : i32 to vector<16xi32>
    %eq3A_173 = arith.cmpi eq, %get3A_170, %eq3A_172 : vector<16xi32>
    %convert_element_type3A_174 = arith.extui %eq3A_173 : vector<16xi1> to vector<16xi32>
    %cumsum3A_175 = arith.constant true
    %cumsum3A_176 = vector.broadcast %cumsum3A_175 : i1 to vector<16xi1>
    %cumsum3A_177 = tpu.scan <sum>, %convert_element_type3A_174 masked %cumsum3A_176 : vector<16xi32>, vector<16xi1> -> vector<16xi32>
    %swap3A_178 = arith.constant 208 : index
    %swap3A_179 = tpu.vector_load %arg6[%swap3A_178] {strides = array<i32>} : memref<256xi32, #tpu.memory_space<vmem>>, vector<16xi32>,
    tpu.vector_store %arg6[%swap3A_178], %cumsum3A_177 {strides = array<i32>} : memref<256xi32, #tpu.memory_space<vmem>>, vector<16xi32>,
    %get3A_180 = arith.constant 0 : i32
    %get3A_181 = arith.index_cast %get3A_180 : i32 to index
    %get3A_182 = arith.constant 224 : index
    %get3A_183 = tpu.vector_load %arg5[%get3A_181, %get3A_182] {strides = array<i32>} : memref<16x256xi32, #tpu.memory_space<vmem>>, vector<16xi32>,
    %eq3A_184 = arith.constant 1 : i32
    %eq3A_185 = vector.broadcast %eq3A_184 : i32 to vector<16xi32>
    %eq3A_186 = arith.cmpi eq, %get3A_183, %eq3A_185 : vector<16xi32>
    %convert_element_type3A_187 = arith.extui %eq3A_186 : vector<16xi1> to vector<16xi32>
    %cumsum3A_188 = arith.constant true
    %cumsum3A_189 = vector.broadcast %cumsum3A_188 : i1 to vector<16xi1>
    %cumsum3A_190 = tpu.scan <sum>, %convert_element_type3A_187 masked %cumsum3A_189 : vector<16xi32>, vector<16xi1> -> vector<16xi32>
    %swap3A_191 = arith.constant 224 : index
    %swap3A_192 = tpu.vector_load %arg6[%swap3A_191] {strides = array<i32>} : memref<256xi32, #tpu.memory_space<vmem>>, vector<16xi32>,
    tpu.vector_store %arg6[%swap3A_191], %cumsum3A_190 {strides = array<i32>} : memref<256xi32, #tpu.memory_space<vmem>>, vector<16xi32>,
    %get3A_193 = arith.constant 0 : i32
    %get3A_194 = arith.index_cast %get3A_193 : i32 to index
    %get3A_195 = arith.constant 240 : index
    %get3A_196 = tpu.vector_load %arg5[%get3A_194, %get3A_195] {strides = array<i32>} : memref<16x256xi32, #tpu.memory_space<vmem>>, vector<16xi32>,
    %eq3A_197 = arith.constant 1 : i32
    %eq3A_198 = vector.broadcast %eq3A_197 : i32 to vector<16xi32>
    %eq3A_199 = arith.cmpi eq, %get3A_196, %eq3A_198 : vector<16xi32>
    %convert_element_type3A_200 = arith.extui %eq3A_199 : vector<16xi1> to vector<16xi32>
    %cumsum3A_201 = arith.constant true
    %cumsum3A_202 = vector.broadcast %cumsum3A_201 : i1 to vector<16xi1>
    %cumsum3A_203 = tpu.scan <sum>, %convert_element_type3A_200 masked %cumsum3A_202 : vector<16xi32>, vector<16xi1> -> vector<16xi32>
    %swap3A_204 = arith.constant 240 : index
    %swap3A_205 = tpu.vector_load %arg6[%swap3A_204] {strides = array<i32>} : memref<256xi32, #tpu.memory_space<vmem>>, vector<16xi32>,
    tpu.vector_store %arg6[%swap3A_204], %cumsum3A_203 {strides = array<i32>} : memref<256xi32, #tpu.memory_space<vmem>>, vector<16xi32>,
    %mul3A_206 = arith.constant 16 : i32
    %mul3A_207 = vector.broadcast %mul3A_206 : i32 to vector<16xi32>
    %mul3A_208 = arith.muli %iota3A, %mul3A_207 : vector<16xi32>
    %add3A_209 = arith.constant 15 : i32
    %add3A_210 = vector.broadcast %add3A_209 : i32 to vector<16xi32>
    %add3A_211 = arith.addi %mul3A_208, %add3A_210 : vector<16xi32>
    %gather3A = tpu.vector_load_idx %arg6[%add3A_211] : memref<256xi32, #tpu.memory_space<vmem>>[vector<16xi32>], vector<16xi32>,
    %cumsum3A_212 = arith.constant true
    %cumsum3A_213 = vector.broadcast %cumsum3A_212 : i1 to vector<16xi1>
    %cumsum3A_214 = tpu.scan <sum>, %gather3A masked %cumsum3A_213 : vector<16xi32>, vector<16xi1> -> vector<16xi32>
    %swap3A_215 = arith.constant 0 : index
    %swap3A_216 = tpu.vector_load %arg7[%swap3A_215] {strides = array<i32>} : memref<48xi32, #tpu.memory_space<vmem>>, vector<16xi32>,
    tpu.vector_store %arg7[%swap3A_215], %cumsum3A_214 {strides = array<i32>} : memref<48xi32, #tpu.memory_space<vmem>>, vector<16xi32>,
    %broadcast_in_dim3A = arith.constant 15 : i32
    %broadcast_in_dim3A_217 = vector.broadcast %broadcast_in_dim3A : i32 to vector<16xi32>
    %gather3A_218 = tpu.vector_load_idx %arg7[%broadcast_in_dim3A_217] : memref<48xi32, #tpu.memory_space<vmem>>[vector<16xi32>], vector<16xi32>,
    %sub3A = arith.subi %cumsum3A_214, %gather3A : vector<16xi32>
    %swap3A_219 = arith.constant 16 : index
    %swap3A_220 = tpu.vector_load %arg7[%swap3A_219] {strides = array<i32>} : memref<48xi32, #tpu.memory_space<vmem>>, vector<16xi32>,
    tpu.vector_store %arg7[%swap3A_219], %sub3A {strides = array<i32>} : memref<48xi32, #tpu.memory_space<vmem>>, vector<16xi32>,
    %mul3A_221 = arith.constant 16 : i32
    %mul3A_222 = vector.broadcast %mul3A_221 : i32 to vector<16xi32>
    %mul3A_223 = arith.muli %iota3A, %mul3A_222 : vector<16xi32>
    %add3A_224 = arith.addi %gather3A_218, %mul3A_223 : vector<16xi32>
    %sub3A_225 = arith.subi %add3A_224, %sub3A : vector<16xi32>
    %swap3A_226 = arith.constant 32 : index
    %swap3A_227 = tpu.vector_load %arg7[%swap3A_226] {strides = array<i32>} : memref<48xi32, #tpu.memory_space<vmem>>, vector<16xi32>,
    tpu.vector_store %arg7[%swap3A_226], %sub3A_225 {strides = array<i32>} : memref<48xi32, #tpu.memory_space<vmem>>, vector<16xi32>,
    %broadcast_in_dim3A_228 = arith.constant 0 : i32
    %broadcast_in_dim3A_229 = vector.broadcast %broadcast_in_dim3A_228 : i32 to vector<16xi32>
    %get3A_230 = arith.constant 0 : i32
    %get3A_231 = arith.index_cast %get3A_230 : i32 to index
    %get3A_232 = arith.constant 0 : index
    %get3A_233 = tpu.vector_load %arg5[%get3A_231, %get3A_232] {strides = array<i32>} : memref<16x256xi32, #tpu.memory_space<vmem>>, vector<16xi32>,
    %eq3A_234 = arith.constant 1 : i32
    %eq3A_235 = vector.broadcast %eq3A_234 : i32 to vector<16xi32>
    %eq3A_236 = arith.cmpi eq, %get3A_233, %eq3A_235 : vector<16xi32>
    %not3A = arith.constant dense<true> : vector<16xi1>
    %not3A_237 = arith.xori %eq3A_236, %not3A : vector<16xi1>
    %add3A_238 = arith.constant 0 : i32
    %add3A_239 = vector.broadcast %add3A_238 : i32 to vector<16xi32>
    %add3A_240 = arith.addi %add3A_239, %iota3A : vector<16xi32>
    %get3A_241 = arith.constant 0 : index
    %get3A_242 = tpu.vector_load %arg6[%get3A_241] {strides = array<i32>} : memref<256xi32, #tpu.memory_space<vmem>>, vector<16xi32>,
    %add3A_243 = arith.constant 1 : i32
    %add3A_244 = vector.broadcast %add3A_243 : i32 to vector<16xi32>
    %add3A_245 = arith.addi %iota3A, %add3A_244 : vector<16xi32>
    %sub3A_246 = arith.subi %add3A_245, %get3A_242 : vector<16xi32>
    %broadcast_in_dim3A_247 = arith.constant 16 : i32
    %broadcast_in_dim3A_248 = vector.broadcast %broadcast_in_dim3A_247 : i32 to vector<16xi32>
    %gather3A_249 = tpu.vector_load_idx %arg7[%broadcast_in_dim3A_248] : memref<48xi32, #tpu.memory_space<vmem>>[vector<16xi32>], vector<16xi32>,
    %broadcast_in_dim3A_250 = arith.constant 32 : i32
    %broadcast_in_dim3A_251 = vector.broadcast %broadcast_in_dim3A_250 : i32 to vector<16xi32>
    %gather3A_252 = tpu.vector_load_idx %arg7[%broadcast_in_dim3A_251] : memref<48xi32, #tpu.memory_space<vmem>>[vector<16xi32>], vector<16xi32>,
    %add3A_253 = arith.addi %gather3A_249, %get3A_242 : vector<16xi32>
    %sub3A_254 = arith.constant 1 : i32
    %sub3A_255 = vector.broadcast %sub3A_254 : i32 to vector<16xi32>
    %sub3A_256 = arith.subi %add3A_253, %sub3A_255 : vector<16xi32>
    %jit3A = arith.constant 0 : i32
    %broadcast_in_dim3A_257 = vector.broadcast %jit3A : i32 to vector<16xi32>
    %select_n3A = arith.select %eq3A_236, %sub3A_256, %broadcast_in_dim3A_257 : vector<16xi1>, vector<16xi32>
    %add3A_258 = arith.addi %gather3A_252, %sub3A_246 : vector<16xi32>
    %sub3A_259 = arith.constant 1 : i32
    %sub3A_260 = vector.broadcast %sub3A_259 : i32 to vector<16xi32>
    %sub3A_261 = arith.subi %add3A_258, %sub3A_260 : vector<16xi32>
    %jit3A_262 = arith.constant 0 : i32
    %broadcast_in_dim3A_263 = vector.broadcast %jit3A_262 : i32 to vector<16xi32>
    %select_n3A_264 = arith.select %not3A_237, %sub3A_261, %broadcast_in_dim3A_263 : vector<16xi1>, vector<16xi32>
    %add3A_265 = arith.addi %broadcast_in_dim3A_229, %select_n3A : vector<16xi32>
    tpu.vector_store_idx %arg8[%add3A_265], %add3A_240 masked %eq3A_236 : memref<4096xi32, #tpu.memory_space<vmem>>[vector<16xi32>], vector<16xi32>, vector<16xi1>
    %add3A_266 = arith.addi %broadcast_in_dim3A_229, %select_n3A_264 : vector<16xi32>
    %add3A_267 = arith.constant 256 : i32
    %add3A_268 = vector.broadcast %add3A_267 : i32 to vector<16xi32>
    %add3A_269 = arith.addi %add3A_240, %add3A_268 : vector<16xi32>
    tpu.vector_store_idx %arg8[%add3A_266], %add3A_269 masked %not3A_237 : memref<4096xi32, #tpu.memory_space<vmem>>[vector<16xi32>], vector<16xi32>, vector<16xi1>
    %get3A_270 = arith.constant 0 : i32
    %get3A_271 = arith.index_cast %get3A_270 : i32 to index
    %get3A_272 = arith.constant 16 : index
    %get3A_273 = tpu.vector_load %arg5[%get3A_271, %get3A_272] {strides = array<i32>} : memref<16x256xi32, #tpu.memory_space<vmem>>, vector<16xi32>,
    %eq3A_274 = arith.constant 1 : i32
    %eq3A_275 = vector.broadcast %eq3A_274 : i32 to vector<16xi32>
    %eq3A_276 = arith.cmpi eq, %get3A_273, %eq3A_275 : vector<16xi32>
    %not3A_277 = arith.constant dense<true> : vector<16xi1>
    %not3A_278 = arith.xori %eq3A_276, %not3A_277 : vector<16xi1>
    %add3A_279 = arith.constant 16 : i32
    %add3A_280 = vector.broadcast %add3A_279 : i32 to vector<16xi32>
    %add3A_281 = arith.addi %add3A_280, %iota3A : vector<16xi32>
    %get3A_282 = arith.constant 16 : index
    %get3A_283 = tpu.vector_load %arg6[%get3A_282] {strides = array<i32>} : memref<256xi32, #tpu.memory_space<vmem>>, vector<16xi32>,
    %add3A_284 = arith.constant 1 : i32
    %add3A_285 = vector.broadcast %add3A_284 : i32 to vector<16xi32>
    %add3A_286 = arith.addi %iota3A, %add3A_285 : vector<16xi32>
    %sub3A_287 = arith.subi %add3A_286, %get3A_283 : vector<16xi32>
    %broadcast_in_dim3A_288 = arith.constant 17 : i32
    %broadcast_in_dim3A_289 = vector.broadcast %broadcast_in_dim3A_288 : i32 to vector<16xi32>
    %gather3A_290 = tpu.vector_load_idx %arg7[%broadcast_in_dim3A_289] : memref<48xi32, #tpu.memory_space<vmem>>[vector<16xi32>], vector<16xi32>,
    %broadcast_in_dim3A_291 = arith.constant 33 : i32
    %broadcast_in_dim3A_292 = vector.broadcast %broadcast_in_dim3A_291 : i32 to vector<16xi32>
    %gather3A_293 = tpu.vector_load_idx %arg7[%broadcast_in_dim3A_292] : memref<48xi32, #tpu.memory_space<vmem>>[vector<16xi32>], vector<16xi32>,
    %add3A_294 = arith.addi %gather3A_290, %get3A_283 : vector<16xi32>
    %sub3A_295 = arith.constant 1 : i32
    %sub3A_296 = vector.broadcast %sub3A_295 : i32 to vector<16xi32>
    %sub3A_297 = arith.subi %add3A_294, %sub3A_296 : vector<16xi32>
    %jit3A_298 = arith.constant 0 : i32
    %broadcast_in_dim3A_299 = vector.broadcast %jit3A_298 : i32 to vector<16xi32>
    %select_n3A_300 = arith.select %eq3A_276, %sub3A_297, %broadcast_in_dim3A_299 : vector<16xi1>, vector<16xi32>
    %add3A_301 = arith.addi %gather3A_293, %sub3A_287 : vector<16xi32>
    %sub3A_302 = arith.constant 1 : i32
    %sub3A_303 = vector.broadcast %sub3A_302 : i32 to vector<16xi32>
    %sub3A_304 = arith.subi %add3A_301, %sub3A_303 : vector<16xi32>
    %jit3A_305 = arith.constant 0 : i32
    %broadcast_in_dim3A_306 = vector.broadcast %jit3A_305 : i32 to vector<16xi32>
    %select_n3A_307 = arith.select %not3A_278, %sub3A_304, %broadcast_in_dim3A_306 : vector<16xi1>, vector<16xi32>
    %add3A_308 = arith.addi %broadcast_in_dim3A_229, %select_n3A_300 : vector<16xi32>
    tpu.vector_store_idx %arg8[%add3A_308], %add3A_281 masked %eq3A_276 : memref<4096xi32, #tpu.memory_space<vmem>>[vector<16xi32>], vector<16xi32>, vector<16xi1>
    %add3A_309 = arith.addi %broadcast_in_dim3A_229, %select_n3A_307 : vector<16xi32>
    %add3A_310 = arith.constant 256 : i32
    %add3A_311 = vector.broadcast %add3A_310 : i32 to vector<16xi32>
    %add3A_312 = arith.addi %add3A_281, %add3A_311 : vector<16xi32>
    tpu.vector_store_idx %arg8[%add3A_309], %add3A_312 masked %not3A_278 : memref<4096xi32, #tpu.memory_space<vmem>>[vector<16xi32>], vector<16xi32>, vector<16xi1>
    %get3A_313 = arith.constant 0 : i32
    %get3A_314 = arith.index_cast %get3A_313 : i32 to index
    %get3A_315 = arith.constant 32 : index
    %get3A_316 = tpu.vector_load %arg5[%get3A_314, %get3A_315] {strides = array<i32>} : memref<16x256xi32, #tpu.memory_space<vmem>>, vector<16xi32>,
    %eq3A_317 = arith.constant 1 : i32
    %eq3A_318 = vector.broadcast %eq3A_317 : i32 to vector<16xi32>
    %eq3A_319 = arith.cmpi eq, %get3A_316, %eq3A_318 : vector<16xi32>
    %not3A_320 = arith.constant dense<true> : vector<16xi1>
    %not3A_321 = arith.xori %eq3A_319, %not3A_320 : vector<16xi1>
    %add3A_322 = arith.constant 32 : i32
    %add3A_323 = vector.broadcast %add3A_322 : i32 to vector<16xi32>
    %add3A_324 = arith.addi %add3A_323, %iota3A : vector<16xi32>
    %get3A_325 = arith.constant 32 : index
    %get3A_326 = tpu.vector_load %arg6[%get3A_325] {strides = array<i32>} : memref<256xi32, #tpu.memory_space<vmem>>, vector<16xi32>,
    %add3A_327 = arith.constant 1 : i32
    %add3A_328 = vector.broadcast %add3A_327 : i32 to vector<16xi32>
    %add3A_329 = arith.addi %iota3A, %add3A_328 : vector<16xi32>
    %sub3A_330 = arith.subi %add3A_329, %get3A_326 : vector<16xi32>
    %broadcast_in_dim3A_331 = arith.constant 18 : i32
    %broadcast_in_dim3A_332 = vector.broadcast %broadcast_in_dim3A_331 : i32 to vector<16xi32>
    %gather3A_333 = tpu.vector_load_idx %arg7[%broadcast_in_dim3A_332] : memref<48xi32, #tpu.memory_space<vmem>>[vector<16xi32>], vector<16xi32>,
    %broadcast_in_dim3A_334 = arith.constant 34 : i32
    %broadcast_in_dim3A_335 = vector.broadcast %broadcast_in_dim3A_334 : i32 to vector<16xi32>
    %gather3A_336 = tpu.vector_load_idx %arg7[%broadcast_in_dim3A_335] : memref<48xi32, #tpu.memory_space<vmem>>[vector<16xi32>], vector<16xi32>,
    %add3A_337 = arith.addi %gather3A_333, %get3A_326 : vector<16xi32>
    %sub3A_338 = arith.constant 1 : i32
    %sub3A_339 = vector.broadcast %sub3A_338 : i32 to vector<16xi32>
    %sub3A_340 = arith.subi %add3A_337, %sub3A_339 : vector<16xi32>
    %jit3A_341 = arith.constant 0 : i32
    %broadcast_in_dim3A_342 = vector.broadcast %jit3A_341 : i32 to vector<16xi32>
    %select_n3A_343 = arith.select %eq3A_319, %sub3A_340, %broadcast_in_dim3A_342 : vector<16xi1>, vector<16xi32>
    %add3A_344 = arith.addi %gather3A_336, %sub3A_330 : vector<16xi32>
    %sub3A_345 = arith.constant 1 : i32
    %sub3A_346 = vector.broadcast %sub3A_345 : i32 to vector<16xi32>
    %sub3A_347 = arith.subi %add3A_344, %sub3A_346 : vector<16xi32>
    %jit3A_348 = arith.constant 0 : i32
    %broadcast_in_dim3A_349 = vector.broadcast %jit3A_348 : i32 to vector<16xi32>
    %select_n3A_350 = arith.select %not3A_321, %sub3A_347, %broadcast_in_dim3A_349 : vector<16xi1>, vector<16xi32>
    %add3A_351 = arith.addi %broadcast_in_dim3A_229, %select_n3A_343 : vector<16xi32>
    tpu.vector_store_idx %arg8[%add3A_351], %add3A_324 masked %eq3A_319 : memref<4096xi32, #tpu.memory_space<vmem>>[vector<16xi32>], vector<16xi32>, vector<16xi1>
    %add3A_352 = arith.addi %broadcast_in_dim3A_229, %select_n3A_350 : vector<16xi32>
    %add3A_353 = arith.constant 256 : i32
    %add3A_354 = vector.broadcast %add3A_353 : i32 to vector<16xi32>
    %add3A_355 = arith.addi %add3A_324, %add3A_354 : vector<16xi32>
    tpu.vector_store_idx %arg8[%add3A_352], %add3A_355 masked %not3A_321 : memref<4096xi32, #tpu.memory_space<vmem>>[vector<16xi32>], vector<16xi32>, vector<16xi1>
    %get3A_356 = arith.constant 0 : i32
    %get3A_357 = arith.index_cast %get3A_356 : i32 to index
    %get3A_358 = arith.constant 48 : index
    %get3A_359 = tpu.vector_load %arg5[%get3A_357, %get3A_358] {strides = array<i32>} : memref<16x256xi32, #tpu.memory_space<vmem>>, vector<16xi32>,
    %eq3A_360 = arith.constant 1 : i32
    %eq3A_361 = vector.broadcast %eq3A_360 : i32 to vector<16xi32>
    %eq3A_362 = arith.cmpi eq, %get3A_359, %eq3A_361 : vector<16xi32>
    %not3A_363 = arith.constant dense<true> : vector<16xi1>
    %not3A_364 = arith.xori %eq3A_362, %not3A_363 : vector<16xi1>
    %add3A_365 = arith.constant 48 : i32
    %add3A_366 = vector.broadcast %add3A_365 : i32 to vector<16xi32>
    %add3A_367 = arith.addi %add3A_366, %iota3A : vector<16xi32>
    %get3A_368 = arith.constant 48 : index
    %get3A_369 = tpu.vector_load %arg6[%get3A_368] {strides = array<i32>} : memref<256xi32, #tpu.memory_space<vmem>>, vector<16xi32>,
    %add3A_370 = arith.constant 1 : i32
    %add3A_371 = vector.broadcast %add3A_370 : i32 to vector<16xi32>
    %add3A_372 = arith.addi %iota3A, %add3A_371 : vector<16xi32>
    %sub3A_373 = arith.subi %add3A_372, %get3A_369 : vector<16xi32>
    %broadcast_in_dim3A_374 = arith.constant 19 : i32
    %broadcast_in_dim3A_375 = vector.broadcast %broadcast_in_dim3A_374 : i32 to vector<16xi32>
    %gather3A_376 = tpu.vector_load_idx %arg7[%broadcast_in_dim3A_375] : memref<48xi32, #tpu.memory_space<vmem>>[vector<16xi32>], vector<16xi32>,
    %broadcast_in_dim3A_377 = arith.constant 35 : i32
    %broadcast_in_dim3A_378 = vector.broadcast %broadcast_in_dim3A_377 : i32 to vector<16xi32>
    %gather3A_379 = tpu.vector_load_idx %arg7[%broadcast_in_dim3A_378] : memref<48xi32, #tpu.memory_space<vmem>>[vector<16xi32>], vector<16xi32>,
    %add3A_380 = arith.addi %gather3A_376, %get3A_369 : vector<16xi32>
    %sub3A_381 = arith.constant 1 : i32
    %sub3A_382 = vector.broadcast %sub3A_381 : i32 to vector<16xi32>
    %sub3A_383 = arith.subi %add3A_380, %sub3A_382 : vector<16xi32>
    %jit3A_384 = arith.constant 0 : i32
    %broadcast_in_dim3A_385 = vector.broadcast %jit3A_384 : i32 to vector<16xi32>
    %select_n3A_386 = arith.select %eq3A_362, %sub3A_383, %broadcast_in_dim3A_385 : vector<16xi1>, vector<16xi32>
    %add3A_387 = arith.addi %gather3A_379, %sub3A_373 : vector<16xi32>
    %sub3A_388 = arith.constant 1 : i32
    %sub3A_389 = vector.broadcast %sub3A_388 : i32 to vector<16xi32>
    %sub3A_390 = arith.subi %add3A_387, %sub3A_389 : vector<16xi32>
    %jit3A_391 = arith.constant 0 : i32
    %broadcast_in_dim3A_392 = vector.broadcast %jit3A_391 : i32 to vector<16xi32>
    %select_n3A_393 = arith.select %not3A_364, %sub3A_390, %broadcast_in_dim3A_392 : vector<16xi1>, vector<16xi32>
    %add3A_394 = arith.addi %broadcast_in_dim3A_229, %select_n3A_386 : vector<16xi32>
    tpu.vector_store_idx %arg8[%add3A_394], %add3A_367 masked %eq3A_362 : memref<4096xi32, #tpu.memory_space<vmem>>[vector<16xi32>], vector<16xi32>, vector<16xi1>
    %add3A_395 = arith.addi %broadcast_in_dim3A_229, %select_n3A_393 : vector<16xi32>
    %add3A_396 = arith.constant 256 : i32
    %add3A_397 = vector.broadcast %add3A_396 : i32 to vector<16xi32>
    %add3A_398 = arith.addi %add3A_367, %add3A_397 : vector<16xi32>
    tpu.vector_store_idx %arg8[%add3A_395], %add3A_398 masked %not3A_364 : memref<4096xi32, #tpu.memory_space<vmem>>[vector<16xi32>], vector<16xi32>, vector<16xi1>
    %get3A_399 = arith.constant 0 : i32
    %get3A_400 = arith.index_cast %get3A_399 : i32 to index
    %get3A_401 = arith.constant 64 : index
    %get3A_402 = tpu.vector_load %arg5[%get3A_400, %get3A_401] {strides = array<i32>} : memref<16x256xi32, #tpu.memory_space<vmem>>, vector<16xi32>,
    %eq3A_403 = arith.constant 1 : i32
    %eq3A_404 = vector.broadcast %eq3A_403 : i32 to vector<16xi32>
    %eq3A_405 = arith.cmpi eq, %get3A_402, %eq3A_404 : vector<16xi32>
    %not3A_406 = arith.constant dense<true> : vector<16xi1>
    %not3A_407 = arith.xori %eq3A_405, %not3A_406 : vector<16xi1>
    %add3A_408 = arith.constant 64 : i32
    %add3A_409 = vector.broadcast %add3A_408 : i32 to vector<16xi32>
    %add3A_410 = arith.addi %add3A_409, %iota3A : vector<16xi32>
    %get3A_411 = arith.constant 64 : index
    %get3A_412 = tpu.vector_load %arg6[%get3A_411] {strides = array<i32>} : memref<256xi32, #tpu.memory_space<vmem>>, vector<16xi32>,
    %add3A_413 = arith.constant 1 : i32
    %add3A_414 = vector.broadcast %add3A_413 : i32 to vector<16xi32>
    %add3A_415 = arith.addi %iota3A, %add3A_414 : vector<16xi32>
    %sub3A_416 = arith.subi %add3A_415, %get3A_412 : vector<16xi32>
    %broadcast_in_dim3A_417 = arith.constant 20 : i32
    %broadcast_in_dim3A_418 = vector.broadcast %broadcast_in_dim3A_417 : i32 to vector<16xi32>
    %gather3A_419 = tpu.vector_load_idx %arg7[%broadcast_in_dim3A_418] : memref<48xi32, #tpu.memory_space<vmem>>[vector<16xi32>], vector<16xi32>,
    %broadcast_in_dim3A_420 = arith.constant 36 : i32
    %broadcast_in_dim3A_421 = vector.broadcast %broadcast_in_dim3A_420 : i32 to vector<16xi32>
    %gather3A_422 = tpu.vector_load_idx %arg7[%broadcast_in_dim3A_421] : memref<48xi32, #tpu.memory_space<vmem>>[vector<16xi32>], vector<16xi32>,
    %add3A_423 = arith.addi %gather3A_419, %get3A_412 : vector<16xi32>
    %sub3A_424 = arith.constant 1 : i32
    %sub3A_425 = vector.broadcast %sub3A_424 : i32 to vector<16xi32>
    %sub3A_426 = arith.subi %add3A_423, %sub3A_425 : vector<16xi32>
    %jit3A_427 = arith.constant 0 : i32
    %broadcast_in_dim3A_428 = vector.broadcast %jit3A_427 : i32 to vector<16xi32>
    %select_n3A_429 = arith.select %eq3A_405, %sub3A_426, %broadcast_in_dim3A_428 : vector<16xi1>, vector<16xi32>
    %add3A_430 = arith.addi %gather3A_422, %sub3A_416 : vector<16xi32>
    %sub3A_431 = arith.constant 1 : i32
    %sub3A_432 = vector.broadcast %sub3A_431 : i32 to vector<16xi32>
    %sub3A_433 = arith.subi %add3A_430, %sub3A_432 : vector<16xi32>
    %jit3A_434 = arith.constant 0 : i32
    %broadcast_in_dim3A_435 = vector.broadcast %jit3A_434 : i32 to vector<16xi32>
    %select_n3A_436 = arith.select %not3A_407, %sub3A_433, %broadcast_in_dim3A_435 : vector<16xi1>, vector<16xi32>
    %add3A_437 = arith.addi %broadcast_in_dim3A_229, %select_n3A_429 : vector<16xi32>
    tpu.vector_store_idx %arg8[%add3A_437], %add3A_410 masked %eq3A_405 : memref<4096xi32, #tpu.memory_space<vmem>>[vector<16xi32>], vector<16xi32>, vector<16xi1>
    %add3A_438 = arith.addi %broadcast_in_dim3A_229, %select_n3A_436 : vector<16xi32>
    %add3A_439 = arith.constant 256 : i32
    %add3A_440 = vector.broadcast %add3A_439 : i32 to vector<16xi32>
    %add3A_441 = arith.addi %add3A_410, %add3A_440 : vector<16xi32>
    tpu.vector_store_idx %arg8[%add3A_438], %add3A_441 masked %not3A_407 : memref<4096xi32, #tpu.memory_space<vmem>>[vector<16xi32>], vector<16xi32>, vector<16xi1>
    %get3A_442 = arith.constant 0 : i32
    %get3A_443 = arith.index_cast %get3A_442 : i32 to index
    %get3A_444 = arith.constant 80 : index
    %get3A_445 = tpu.vector_load %arg5[%get3A_443, %get3A_444] {strides = array<i32>} : memref<16x256xi32, #tpu.memory_space<vmem>>, vector<16xi32>,
    %eq3A_446 = arith.constant 1 : i32
    %eq3A_447 = vector.broadcast %eq3A_446 : i32 to vector<16xi32>
    %eq3A_448 = arith.cmpi eq, %get3A_445, %eq3A_447 : vector<16xi32>
    %not3A_449 = arith.constant dense<true> : vector<16xi1>
    %not3A_450 = arith.xori %eq3A_448, %not3A_449 : vector<16xi1>
    %add3A_451 = arith.constant 80 : i32
    %add3A_452 = vector.broadcast %add3A_451 : i32 to vector<16xi32>
    %add3A_453 = arith.addi %add3A_452, %iota3A : vector<16xi32>
    %get3A_454 = arith.constant 80 : index
    %get3A_455 = tpu.vector_load %arg6[%get3A_454] {strides = array<i32>} : memref<256xi32, #tpu.memory_space<vmem>>, vector<16xi32>,
    %add3A_456 = arith.constant 1 : i32
    %add3A_457 = vector.broadcast %add3A_456 : i32 to vector<16xi32>
    %add3A_458 = arith.addi %iota3A, %add3A_457 : vector<16xi32>
    %sub3A_459 = arith.subi %add3A_458, %get3A_455 : vector<16xi32>
    %broadcast_in_dim3A_460 = arith.constant 21 : i32
    %broadcast_in_dim3A_461 = vector.broadcast %broadcast_in_dim3A_460 : i32 to vector<16xi32>
    %gather3A_462 = tpu.vector_load_idx %arg7[%broadcast_in_dim3A_461] : memref<48xi32, #tpu.memory_space<vmem>>[vector<16xi32>], vector<16xi32>,
    %broadcast_in_dim3A_463 = arith.constant 37 : i32
    %broadcast_in_dim3A_464 = vector.broadcast %broadcast_in_dim3A_463 : i32 to vector<16xi32>
    %gather3A_465 = tpu.vector_load_idx %arg7[%broadcast_in_dim3A_464] : memref<48xi32, #tpu.memory_space<vmem>>[vector<16xi32>], vector<16xi32>,
    %add3A_466 = arith.addi %gather3A_462, %get3A_455 : vector<16xi32>
    %sub3A_467 = arith.constant 1 : i32
    %sub3A_468 = vector.broadcast %sub3A_467 : i32 to vector<16xi32>
    %sub3A_469 = arith.subi %add3A_466, %sub3A_468 : vector<16xi32>
    %jit3A_470 = arith.constant 0 : i32
    %broadcast_in_dim3A_471 = vector.broadcast %jit3A_470 : i32 to vector<16xi32>
    %select_n3A_472 = arith.select %eq3A_448, %sub3A_469, %broadcast_in_dim3A_471 : vector<16xi1>, vector<16xi32>
    %add3A_473 = arith.addi %gather3A_465, %sub3A_459 : vector<16xi32>
    %sub3A_474 = arith.constant 1 : i32
    %sub3A_475 = vector.broadcast %sub3A_474 : i32 to vector<16xi32>
    %sub3A_476 = arith.subi %add3A_473, %sub3A_475 : vector<16xi32>
    %jit3A_477 = arith.constant 0 : i32
    %broadcast_in_dim3A_478 = vector.broadcast %jit3A_477 : i32 to vector<16xi32>
    %select_n3A_479 = arith.select %not3A_450, %sub3A_476, %broadcast_in_dim3A_478 : vector<16xi1>, vector<16xi32>
    %add3A_480 = arith.addi %broadcast_in_dim3A_229, %select_n3A_472 : vector<16xi32>
    tpu.vector_store_idx %arg8[%add3A_480], %add3A_453 masked %eq3A_448 : memref<4096xi32, #tpu.memory_space<vmem>>[vector<16xi32>], vector<16xi32>, vector<16xi1>
    %add3A_481 = arith.addi %broadcast_in_dim3A_229, %select_n3A_479 : vector<16xi32>
    %add3A_482 = arith.constant 256 : i32
    %add3A_483 = vector.broadcast %add3A_482 : i32 to vector<16xi32>
    %add3A_484 = arith.addi %add3A_453, %add3A_483 : vector<16xi32>
    tpu.vector_store_idx %arg8[%add3A_481], %add3A_484 masked %not3A_450 : memref<4096xi32, #tpu.memory_space<vmem>>[vector<16xi32>], vector<16xi32>, vector<16xi1>
    %get3A_485 = arith.constant 0 : i32
    %get3A_486 = arith.index_cast %get3A_485 : i32 to index
    %get3A_487 = arith.constant 96 : index
    %get3A_488 = tpu.vector_load %arg5[%get3A_486, %get3A_487] {strides = array<i32>} : memref<16x256xi32, #tpu.memory_space<vmem>>, vector<16xi32>,
    %eq3A_489 = arith.constant 1 : i32
    %eq3A_490 = vector.broadcast %eq3A_489 : i32 to vector<16xi32>
    %eq3A_491 = arith.cmpi eq, %get3A_488, %eq3A_490 : vector<16xi32>
    %not3A_492 = arith.constant dense<true> : vector<16xi1>
    %not3A_493 = arith.xori %eq3A_491, %not3A_492 : vector<16xi1>
    %add3A_494 = arith.constant 96 : i32
    %add3A_495 = vector.broadcast %add3A_494 : i32 to vector<16xi32>
    %add3A_496 = arith.addi %add3A_495, %iota3A : vector<16xi32>
    %get3A_497 = arith.constant 96 : index
    %get3A_498 = tpu.vector_load %arg6[%get3A_497] {strides = array<i32>} : memref<256xi32, #tpu.memory_space<vmem>>, vector<16xi32>,
    %add3A_499 = arith.constant 1 : i32
    %add3A_500 = vector.broadcast %add3A_499 : i32 to vector<16xi32>
    %add3A_501 = arith.addi %iota3A, %add3A_500 : vector<16xi32>
    %sub3A_502 = arith.subi %add3A_501, %get3A_498 : vector<16xi32>
    %broadcast_in_dim3A_503 = arith.constant 22 : i32
    %broadcast_in_dim3A_504 = vector.broadcast %broadcast_in_dim3A_503 : i32 to vector<16xi32>
    %gather3A_505 = tpu.vector_load_idx %arg7[%broadcast_in_dim3A_504] : memref<48xi32, #tpu.memory_space<vmem>>[vector<16xi32>], vector<16xi32>,
    %broadcast_in_dim3A_506 = arith.constant 38 : i32
    %broadcast_in_dim3A_507 = vector.broadcast %broadcast_in_dim3A_506 : i32 to vector<16xi32>
    %gather3A_508 = tpu.vector_load_idx %arg7[%broadcast_in_dim3A_507] : memref<48xi32, #tpu.memory_space<vmem>>[vector<16xi32>], vector<16xi32>,
    %add3A_509 = arith.addi %gather3A_505, %get3A_498 : vector<16xi32>
    %sub3A_510 = arith.constant 1 : i32
    %sub3A_511 = vector.broadcast %sub3A_510 : i32 to vector<16xi32>
    %sub3A_512 = arith.subi %add3A_509, %sub3A_511 : vector<16xi32>
    %jit3A_513 = arith.constant 0 : i32
    %broadcast_in_dim3A_514 = vector.broadcast %jit3A_513 : i32 to vector<16xi32>
    %select_n3A_515 = arith.select %eq3A_491, %sub3A_512, %broadcast_in_dim3A_514 : vector<16xi1>, vector<16xi32>
    %add3A_516 = arith.addi %gather3A_508, %sub3A_502 : vector<16xi32>
    %sub3A_517 = arith.constant 1 : i32
    %sub3A_518 = vector.broadcast %sub3A_517 : i32 to vector<16xi32>
    %sub3A_519 = arith.subi %add3A_516, %sub3A_518 : vector<16xi32>
    %jit3A_520 = arith.constant 0 : i32
    %broadcast_in_dim3A_521 = vector.broadcast %jit3A_520 : i32 to vector<16xi32>
    %select_n3A_522 = arith.select %not3A_493, %sub3A_519, %broadcast_in_dim3A_521 : vector<16xi1>, vector<16xi32>
    %add3A_523 = arith.addi %broadcast_in_dim3A_229, %select_n3A_515 : vector<16xi32>
    tpu.vector_store_idx %arg8[%add3A_523], %add3A_496 masked %eq3A_491 : memref<4096xi32, #tpu.memory_space<vmem>>[vector<16xi32>], vector<16xi32>, vector<16xi1>
    %add3A_524 = arith.addi %broadcast_in_dim3A_229, %select_n3A_522 : vector<16xi32>
    %add3A_525 = arith.constant 256 : i32
    %add3A_526 = vector.broadcast %add3A_525 : i32 to vector<16xi32>
    %add3A_527 = arith.addi %add3A_496, %add3A_526 : vector<16xi32>
    tpu.vector_store_idx %arg8[%add3A_524], %add3A_527 masked %not3A_493 : memref<4096xi32, #tpu.memory_space<vmem>>[vector<16xi32>], vector<16xi32>, vector<16xi1>
    %get3A_528 = arith.constant 0 : i32
    %get3A_529 = arith.index_cast %get3A_528 : i32 to index
    %get3A_530 = arith.constant 112 : index
    %get3A_531 = tpu.vector_load %arg5[%get3A_529, %get3A_530] {strides = array<i32>} : memref<16x256xi32, #tpu.memory_space<vmem>>, vector<16xi32>,
    %eq3A_532 = arith.constant 1 : i32
    %eq3A_533 = vector.broadcast %eq3A_532 : i32 to vector<16xi32>
    %eq3A_534 = arith.cmpi eq, %get3A_531, %eq3A_533 : vector<16xi32>
    %not3A_535 = arith.constant dense<true> : vector<16xi1>
    %not3A_536 = arith.xori %eq3A_534, %not3A_535 : vector<16xi1>
    %add3A_537 = arith.constant 112 : i32
    %add3A_538 = vector.broadcast %add3A_537 : i32 to vector<16xi32>
    %add3A_539 = arith.addi %add3A_538, %iota3A : vector<16xi32>
    %get3A_540 = arith.constant 112 : index
    %get3A_541 = tpu.vector_load %arg6[%get3A_540] {strides = array<i32>} : memref<256xi32, #tpu.memory_space<vmem>>, vector<16xi32>,
    %add3A_542 = arith.constant 1 : i32
    %add3A_543 = vector.broadcast %add3A_542 : i32 to vector<16xi32>
    %add3A_544 = arith.addi %iota3A, %add3A_543 : vector<16xi32>
    %sub3A_545 = arith.subi %add3A_544, %get3A_541 : vector<16xi32>
    %broadcast_in_dim3A_546 = arith.constant 23 : i32
    %broadcast_in_dim3A_547 = vector.broadcast %broadcast_in_dim3A_546 : i32 to vector<16xi32>
    %gather3A_548 = tpu.vector_load_idx %arg7[%broadcast_in_dim3A_547] : memref<48xi32, #tpu.memory_space<vmem>>[vector<16xi32>], vector<16xi32>,
    %broadcast_in_dim3A_549 = arith.constant 39 : i32
    %broadcast_in_dim3A_550 = vector.broadcast %broadcast_in_dim3A_549 : i32 to vector<16xi32>
    %gather3A_551 = tpu.vector_load_idx %arg7[%broadcast_in_dim3A_550] : memref<48xi32, #tpu.memory_space<vmem>>[vector<16xi32>], vector<16xi32>,
    %add3A_552 = arith.addi %gather3A_548, %get3A_541 : vector<16xi32>
    %sub3A_553 = arith.constant 1 : i32
    %sub3A_554 = vector.broadcast %sub3A_553 : i32 to vector<16xi32>
    %sub3A_555 = arith.subi %add3A_552, %sub3A_554 : vector<16xi32>
    %jit3A_556 = arith.constant 0 : i32
    %broadcast_in_dim3A_557 = vector.broadcast %jit3A_556 : i32 to vector<16xi32>
    %select_n3A_558 = arith.select %eq3A_534, %sub3A_555, %broadcast_in_dim3A_557 : vector<16xi1>, vector<16xi32>
    %add3A_559 = arith.addi %gather3A_551, %sub3A_545 : vector<16xi32>
    %sub3A_560 = arith.constant 1 : i32
    %sub3A_561 = vector.broadcast %sub3A_560 : i32 to vector<16xi32>
    %sub3A_562 = arith.subi %add3A_559, %sub3A_561 : vector<16xi32>
    %jit3A_563 = arith.constant 0 : i32
    %broadcast_in_dim3A_564 = vector.broadcast %jit3A_563 : i32 to vector<16xi32>
    %select_n3A_565 = arith.select %not3A_536, %sub3A_562, %broadcast_in_dim3A_564 : vector<16xi1>, vector<16xi32>
    %add3A_566 = arith.addi %broadcast_in_dim3A_229, %select_n3A_558 : vector<16xi32>
    tpu.vector_store_idx %arg8[%add3A_566], %add3A_539 masked %eq3A_534 : memref<4096xi32, #tpu.memory_space<vmem>>[vector<16xi32>], vector<16xi32>, vector<16xi1>
    %add3A_567 = arith.addi %broadcast_in_dim3A_229, %select_n3A_565 : vector<16xi32>
    %add3A_568 = arith.constant 256 : i32
    %add3A_569 = vector.broadcast %add3A_568 : i32 to vector<16xi32>
    %add3A_570 = arith.addi %add3A_539, %add3A_569 : vector<16xi32>
    tpu.vector_store_idx %arg8[%add3A_567], %add3A_570 masked %not3A_536 : memref<4096xi32, #tpu.memory_space<vmem>>[vector<16xi32>], vector<16xi32>, vector<16xi1>
    %get3A_571 = arith.constant 0 : i32
    %get3A_572 = arith.index_cast %get3A_571 : i32 to index
    %get3A_573 = arith.constant 128 : index
    %get3A_574 = tpu.vector_load %arg5[%get3A_572, %get3A_573] {strides = array<i32>} : memref<16x256xi32, #tpu.memory_space<vmem>>, vector<16xi32>,
    %eq3A_575 = arith.constant 1 : i32
    %eq3A_576 = vector.broadcast %eq3A_575 : i32 to vector<16xi32>
    %eq3A_577 = arith.cmpi eq, %get3A_574, %eq3A_576 : vector<16xi32>
    %not3A_578 = arith.constant dense<true> : vector<16xi1>
    %not3A_579 = arith.xori %eq3A_577, %not3A_578 : vector<16xi1>
    %add3A_580 = arith.constant 128 : i32
    %add3A_581 = vector.broadcast %add3A_580 : i32 to vector<16xi32>
    %add3A_582 = arith.addi %add3A_581, %iota3A : vector<16xi32>
    %get3A_583 = arith.constant 128 : index
    %get3A_584 = tpu.vector_load %arg6[%get3A_583] {strides = array<i32>} : memref<256xi32, #tpu.memory_space<vmem>>, vector<16xi32>,
    %add3A_585 = arith.constant 1 : i32
    %add3A_586 = vector.broadcast %add3A_585 : i32 to vector<16xi32>
    %add3A_587 = arith.addi %iota3A, %add3A_586 : vector<16xi32>
    %sub3A_588 = arith.subi %add3A_587, %get3A_584 : vector<16xi32>
    %broadcast_in_dim3A_589 = arith.constant 24 : i32
    %broadcast_in_dim3A_590 = vector.broadcast %broadcast_in_dim3A_589 : i32 to vector<16xi32>
    %gather3A_591 = tpu.vector_load_idx %arg7[%broadcast_in_dim3A_590] : memref<48xi32, #tpu.memory_space<vmem>>[vector<16xi32>], vector<16xi32>,
    %broadcast_in_dim3A_592 = arith.constant 40 : i32
    %broadcast_in_dim3A_593 = vector.broadcast %broadcast_in_dim3A_592 : i32 to vector<16xi32>
    %gather3A_594 = tpu.vector_load_idx %arg7[%broadcast_in_dim3A_593] : memref<48xi32, #tpu.memory_space<vmem>>[vector<16xi32>], vector<16xi32>,
    %add3A_595 = arith.addi %gather3A_591, %get3A_584 : vector<16xi32>
    %sub3A_596 = arith.constant 1 : i32
    %sub3A_597 = vector.broadcast %sub3A_596 : i32 to vector<16xi32>
    %sub3A_598 = arith.subi %add3A_595, %sub3A_597 : vector<16xi32>
    %jit3A_599 = arith.constant 0 : i32
    %broadcast_in_dim3A_600 = vector.broadcast %jit3A_599 : i32 to vector<16xi32>
    %select_n3A_601 = arith.select %eq3A_577, %sub3A_598, %broadcast_in_dim3A_600 : vector<16xi1>, vector<16xi32>
    %add3A_602 = arith.addi %gather3A_594, %sub3A_588 : vector<16xi32>
    %sub3A_603 = arith.constant 1 : i32
    %sub3A_604 = vector.broadcast %sub3A_603 : i32 to vector<16xi32>
    %sub3A_605 = arith.subi %add3A_602, %sub3A_604 : vector<16xi32>
    %jit3A_606 = arith.constant 0 : i32
    %broadcast_in_dim3A_607 = vector.broadcast %jit3A_606 : i32 to vector<16xi32>
    %select_n3A_608 = arith.select %not3A_579, %sub3A_605, %broadcast_in_dim3A_607 : vector<16xi1>, vector<16xi32>
    %add3A_609 = arith.addi %broadcast_in_dim3A_229, %select_n3A_601 : vector<16xi32>
    tpu.vector_store_idx %arg8[%add3A_609], %add3A_582 masked %eq3A_577 : memref<4096xi32, #tpu.memory_space<vmem>>[vector<16xi32>], vector<16xi32>, vector<16xi1>
    %add3A_610 = arith.addi %broadcast_in_dim3A_229, %select_n3A_608 : vector<16xi32>
    %add3A_611 = arith.constant 256 : i32
    %add3A_612 = vector.broadcast %add3A_611 : i32 to vector<16xi32>
    %add3A_613 = arith.addi %add3A_582, %add3A_612 : vector<16xi32>
    tpu.vector_store_idx %arg8[%add3A_610], %add3A_613 masked %not3A_579 : memref<4096xi32, #tpu.memory_space<vmem>>[vector<16xi32>], vector<16xi32>, vector<16xi1>
    %get3A_614 = arith.constant 0 : i32
    %get3A_615 = arith.index_cast %get3A_614 : i32 to index
    %get3A_616 = arith.constant 144 : index
    %get3A_617 = tpu.vector_load %arg5[%get3A_615, %get3A_616] {strides = array<i32>} : memref<16x256xi32, #tpu.memory_space<vmem>>, vector<16xi32>,
    %eq3A_618 = arith.constant 1 : i32
    %eq3A_619 = vector.broadcast %eq3A_618 : i32 to vector<16xi32>
    %eq3A_620 = arith.cmpi eq, %get3A_617, %eq3A_619 : vector<16xi32>
    %not3A_621 = arith.constant dense<true> : vector<16xi1>
    %not3A_622 = arith.xori %eq3A_620, %not3A_621 : vector<16xi1>
    %add3A_623 = arith.constant 144 : i32
    %add3A_624 = vector.broadcast %add3A_623 : i32 to vector<16xi32>
    %add3A_625 = arith.addi %add3A_624, %iota3A : vector<16xi32>
    %get3A_626 = arith.constant 144 : index
    %get3A_627 = tpu.vector_load %arg6[%get3A_626] {strides = array<i32>} : memref<256xi32, #tpu.memory_space<vmem>>, vector<16xi32>,
    %add3A_628 = arith.constant 1 : i32
    %add3A_629 = vector.broadcast %add3A_628 : i32 to vector<16xi32>
    %add3A_630 = arith.addi %iota3A, %add3A_629 : vector<16xi32>
    %sub3A_631 = arith.subi %add3A_630, %get3A_627 : vector<16xi32>
    %broadcast_in_dim3A_632 = arith.constant 25 : i32
    %broadcast_in_dim3A_633 = vector.broadcast %broadcast_in_dim3A_632 : i32 to vector<16xi32>
    %gather3A_634 = tpu.vector_load_idx %arg7[%broadcast_in_dim3A_633] : memref<48xi32, #tpu.memory_space<vmem>>[vector<16xi32>], vector<16xi32>,
    %broadcast_in_dim3A_635 = arith.constant 41 : i32
    %broadcast_in_dim3A_636 = vector.broadcast %broadcast_in_dim3A_635 : i32 to vector<16xi32>
    %gather3A_637 = tpu.vector_load_idx %arg7[%broadcast_in_dim3A_636] : memref<48xi32, #tpu.memory_space<vmem>>[vector<16xi32>], vector<16xi32>,
    %add3A_638 = arith.addi %gather3A_634, %get3A_627 : vector<16xi32>
    %sub3A_639 = arith.constant 1 : i32
    %sub3A_640 = vector.broadcast %sub3A_639 : i32 to vector<16xi32>
    %sub3A_641 = arith.subi %add3A_638, %sub3A_640 : vector<16xi32>
    %jit3A_642 = arith.constant 0 : i32
    %broadcast_in_dim3A_643 = vector.broadcast %jit3A_642 : i32 to vector<16xi32>
    %select_n3A_644 = arith.select %eq3A_620, %sub3A_641, %broadcast_in_dim3A_643 : vector<16xi1>, vector<16xi32>
    %add3A_645 = arith.addi %gather3A_637, %sub3A_631 : vector<16xi32>
    %sub3A_646 = arith.constant 1 : i32
    %sub3A_647 = vector.broadcast %sub3A_646 : i32 to vector<16xi32>
    %sub3A_648 = arith.subi %add3A_645, %sub3A_647 : vector<16xi32>
    %jit3A_649 = arith.constant 0 : i32
    %broadcast_in_dim3A_650 = vector.broadcast %jit3A_649 : i32 to vector<16xi32>
    %select_n3A_651 = arith.select %not3A_622, %sub3A_648, %broadcast_in_dim3A_650 : vector<16xi1>, vector<16xi32>
    %add3A_652 = arith.addi %broadcast_in_dim3A_229, %select_n3A_644 : vector<16xi32>
    tpu.vector_store_idx %arg8[%add3A_652], %add3A_625 masked %eq3A_620 : memref<4096xi32, #tpu.memory_space<vmem>>[vector<16xi32>], vector<16xi32>, vector<16xi1>
    %add3A_653 = arith.addi %broadcast_in_dim3A_229, %select_n3A_651 : vector<16xi32>
    %add3A_654 = arith.constant 256 : i32
    %add3A_655 = vector.broadcast %add3A_654 : i32 to vector<16xi32>
    %add3A_656 = arith.addi %add3A_625, %add3A_655 : vector<16xi32>
    tpu.vector_store_idx %arg8[%add3A_653], %add3A_656 masked %not3A_622 : memref<4096xi32, #tpu.memory_space<vmem>>[vector<16xi32>], vector<16xi32>, vector<16xi1>
    %get3A_657 = arith.constant 0 : i32
    %get3A_658 = arith.index_cast %get3A_657 : i32 to index
    %get3A_659 = arith.constant 160 : index
    %get3A_660 = tpu.vector_load %arg5[%get3A_658, %get3A_659] {strides = array<i32>} : memref<16x256xi32, #tpu.memory_space<vmem>>, vector<16xi32>,
    %eq3A_661 = arith.constant 1 : i32
    %eq3A_662 = vector.broadcast %eq3A_661 : i32 to vector<16xi32>
    %eq3A_663 = arith.cmpi eq, %get3A_660, %eq3A_662 : vector<16xi32>
    %not3A_664 = arith.constant dense<true> : vector<16xi1>
    %not3A_665 = arith.xori %eq3A_663, %not3A_664 : vector<16xi1>
    %add3A_666 = arith.constant 160 : i32
    %add3A_667 = vector.broadcast %add3A_666 : i32 to vector<16xi32>
    %add3A_668 = arith.addi %add3A_667, %iota3A : vector<16xi32>
    %get3A_669 = arith.constant 160 : index
    %get3A_670 = tpu.vector_load %arg6[%get3A_669] {strides = array<i32>} : memref<256xi32, #tpu.memory_space<vmem>>, vector<16xi32>,
    %add3A_671 = arith.constant 1 : i32
    %add3A_672 = vector.broadcast %add3A_671 : i32 to vector<16xi32>
    %add3A_673 = arith.addi %iota3A, %add3A_672 : vector<16xi32>
    %sub3A_674 = arith.subi %add3A_673, %get3A_670 : vector<16xi32>
    %broadcast_in_dim3A_675 = arith.constant 26 : i32
    %broadcast_in_dim3A_676 = vector.broadcast %broadcast_in_dim3A_675 : i32 to vector<16xi32>
    %gather3A_677 = tpu.vector_load_idx %arg7[%broadcast_in_dim3A_676] : memref<48xi32, #tpu.memory_space<vmem>>[vector<16xi32>], vector<16xi32>,
    %broadcast_in_dim3A_678 = arith.constant 42 : i32
    %broadcast_in_dim3A_679 = vector.broadcast %broadcast_in_dim3A_678 : i32 to vector<16xi32>
    %gather3A_680 = tpu.vector_load_idx %arg7[%broadcast_in_dim3A_679] : memref<48xi32, #tpu.memory_space<vmem>>[vector<16xi32>], vector<16xi32>,
    %add3A_681 = arith.addi %gather3A_677, %get3A_670 : vector<16xi32>
    %sub3A_682 = arith.constant 1 : i32
    %sub3A_683 = vector.broadcast %sub3A_682 : i32 to vector<16xi32>
    %sub3A_684 = arith.subi %add3A_681, %sub3A_683 : vector<16xi32>
    %jit3A_685 = arith.constant 0 : i32
    %broadcast_in_dim3A_686 = vector.broadcast %jit3A_685 : i32 to vector<16xi32>
    %select_n3A_687 = arith.select %eq3A_663, %sub3A_684, %broadcast_in_dim3A_686 : vector<16xi1>, vector<16xi32>
    %add3A_688 = arith.addi %gather3A_680, %sub3A_674 : vector<16xi32>
    %sub3A_689 = arith.constant 1 : i32
    %sub3A_690 = vector.broadcast %sub3A_689 : i32 to vector<16xi32>
    %sub3A_691 = arith.subi %add3A_688, %sub3A_690 : vector<16xi32>
    %jit3A_692 = arith.constant 0 : i32
    %broadcast_in_dim3A_693 = vector.broadcast %jit3A_692 : i32 to vector<16xi32>
    %select_n3A_694 = arith.select %not3A_665, %sub3A_691, %broadcast_in_dim3A_693 : vector<16xi1>, vector<16xi32>
    %add3A_695 = arith.addi %broadcast_in_dim3A_229, %select_n3A_687 : vector<16xi32>
    tpu.vector_store_idx %arg8[%add3A_695], %add3A_668 masked %eq3A_663 : memref<4096xi32, #tpu.memory_space<vmem>>[vector<16xi32>], vector<16xi32>, vector<16xi1>
    %add3A_696 = arith.addi %broadcast_in_dim3A_229, %select_n3A_694 : vector<16xi32>
    %add3A_697 = arith.constant 256 : i32
    %add3A_698 = vector.broadcast %add3A_697 : i32 to vector<16xi32>
    %add3A_699 = arith.addi %add3A_668, %add3A_698 : vector<16xi32>
    tpu.vector_store_idx %arg8[%add3A_696], %add3A_699 masked %not3A_665 : memref<4096xi32, #tpu.memory_space<vmem>>[vector<16xi32>], vector<16xi32>, vector<16xi1>
    %get3A_700 = arith.constant 0 : i32
    %get3A_701 = arith.index_cast %get3A_700 : i32 to index
    %get3A_702 = arith.constant 176 : index
    %get3A_703 = tpu.vector_load %arg5[%get3A_701, %get3A_702] {strides = array<i32>} : memref<16x256xi32, #tpu.memory_space<vmem>>, vector<16xi32>,
    %eq3A_704 = arith.constant 1 : i32
    %eq3A_705 = vector.broadcast %eq3A_704 : i32 to vector<16xi32>
    %eq3A_706 = arith.cmpi eq, %get3A_703, %eq3A_705 : vector<16xi32>
    %not3A_707 = arith.constant dense<true> : vector<16xi1>
    %not3A_708 = arith.xori %eq3A_706, %not3A_707 : vector<16xi1>
    %add3A_709 = arith.constant 176 : i32
    %add3A_710 = vector.broadcast %add3A_709 : i32 to vector<16xi32>
    %add3A_711 = arith.addi %add3A_710, %iota3A : vector<16xi32>
    %get3A_712 = arith.constant 176 : index
    %get3A_713 = tpu.vector_load %arg6[%get3A_712] {strides = array<i32>} : memref<256xi32, #tpu.memory_space<vmem>>, vector<16xi32>,
    %add3A_714 = arith.constant 1 : i32
    %add3A_715 = vector.broadcast %add3A_714 : i32 to vector<16xi32>
    %add3A_716 = arith.addi %iota3A, %add3A_715 : vector<16xi32>
    %sub3A_717 = arith.subi %add3A_716, %get3A_713 : vector<16xi32>
    %broadcast_in_dim3A_718 = arith.constant 27 : i32
    %broadcast_in_dim3A_719 = vector.broadcast %broadcast_in_dim3A_718 : i32 to vector<16xi32>
    %gather3A_720 = tpu.vector_load_idx %arg7[%broadcast_in_dim3A_719] : memref<48xi32, #tpu.memory_space<vmem>>[vector<16xi32>], vector<16xi32>,
    %broadcast_in_dim3A_721 = arith.constant 43 : i32
    %broadcast_in_dim3A_722 = vector.broadcast %broadcast_in_dim3A_721 : i32 to vector<16xi32>
    %gather3A_723 = tpu.vector_load_idx %arg7[%broadcast_in_dim3A_722] : memref<48xi32, #tpu.memory_space<vmem>>[vector<16xi32>], vector<16xi32>,
    %add3A_724 = arith.addi %gather3A_720, %get3A_713 : vector<16xi32>
    %sub3A_725 = arith.constant 1 : i32
    %sub3A_726 = vector.broadcast %sub3A_725 : i32 to vector<16xi32>
    %sub3A_727 = arith.subi %add3A_724, %sub3A_726 : vector<16xi32>
    %jit3A_728 = arith.constant 0 : i32
    %broadcast_in_dim3A_729 = vector.broadcast %jit3A_728 : i32 to vector<16xi32>
    %select_n3A_730 = arith.select %eq3A_706, %sub3A_727, %broadcast_in_dim3A_729 : vector<16xi1>, vector<16xi32>
    %add3A_731 = arith.addi %gather3A_723, %sub3A_717 : vector<16xi32>
    %sub3A_732 = arith.constant 1 : i32
    %sub3A_733 = vector.broadcast %sub3A_732 : i32 to vector<16xi32>
    %sub3A_734 = arith.subi %add3A_731, %sub3A_733 : vector<16xi32>
    %jit3A_735 = arith.constant 0 : i32
    %broadcast_in_dim3A_736 = vector.broadcast %jit3A_735 : i32 to vector<16xi32>
    %select_n3A_737 = arith.select %not3A_708, %sub3A_734, %broadcast_in_dim3A_736 : vector<16xi1>, vector<16xi32>
    %add3A_738 = arith.addi %broadcast_in_dim3A_229, %select_n3A_730 : vector<16xi32>
    tpu.vector_store_idx %arg8[%add3A_738], %add3A_711 masked %eq3A_706 : memref<4096xi32, #tpu.memory_space<vmem>>[vector<16xi32>], vector<16xi32>, vector<16xi1>
    %add3A_739 = arith.addi %broadcast_in_dim3A_229, %select_n3A_737 : vector<16xi32>
    %add3A_740 = arith.constant 256 : i32
    %add3A_741 = vector.broadcast %add3A_740 : i32 to vector<16xi32>
    %add3A_742 = arith.addi %add3A_711, %add3A_741 : vector<16xi32>
    tpu.vector_store_idx %arg8[%add3A_739], %add3A_742 masked %not3A_708 : memref<4096xi32, #tpu.memory_space<vmem>>[vector<16xi32>], vector<16xi32>, vector<16xi1>
    %get3A_743 = arith.constant 0 : i32
    %get3A_744 = arith.index_cast %get3A_743 : i32 to index
    %get3A_745 = arith.constant 192 : index
    %get3A_746 = tpu.vector_load %arg5[%get3A_744, %get3A_745] {strides = array<i32>} : memref<16x256xi32, #tpu.memory_space<vmem>>, vector<16xi32>,
    %eq3A_747 = arith.constant 1 : i32
    %eq3A_748 = vector.broadcast %eq3A_747 : i32 to vector<16xi32>
    %eq3A_749 = arith.cmpi eq, %get3A_746, %eq3A_748 : vector<16xi32>
    %not3A_750 = arith.constant dense<true> : vector<16xi1>
    %not3A_751 = arith.xori %eq3A_749, %not3A_750 : vector<16xi1>
    %add3A_752 = arith.constant 192 : i32
    %add3A_753 = vector.broadcast %add3A_752 : i32 to vector<16xi32>
    %add3A_754 = arith.addi %add3A_753, %iota3A : vector<16xi32>
    %get3A_755 = arith.constant 192 : index
    %get3A_756 = tpu.vector_load %arg6[%get3A_755] {strides = array<i32>} : memref<256xi32, #tpu.memory_space<vmem>>, vector<16xi32>,
    %add3A_757 = arith.constant 1 : i32
    %add3A_758 = vector.broadcast %add3A_757 : i32 to vector<16xi32>
    %add3A_759 = arith.addi %iota3A, %add3A_758 : vector<16xi32>
    %sub3A_760 = arith.subi %add3A_759, %get3A_756 : vector<16xi32>
    %broadcast_in_dim3A_761 = arith.constant 28 : i32
    %broadcast_in_dim3A_762 = vector.broadcast %broadcast_in_dim3A_761 : i32 to vector<16xi32>
    %gather3A_763 = tpu.vector_load_idx %arg7[%broadcast_in_dim3A_762] : memref<48xi32, #tpu.memory_space<vmem>>[vector<16xi32>], vector<16xi32>,
    %broadcast_in_dim3A_764 = arith.constant 44 : i32
    %broadcast_in_dim3A_765 = vector.broadcast %broadcast_in_dim3A_764 : i32 to vector<16xi32>
    %gather3A_766 = tpu.vector_load_idx %arg7[%broadcast_in_dim3A_765] : memref<48xi32, #tpu.memory_space<vmem>>[vector<16xi32>], vector<16xi32>,
    %add3A_767 = arith.addi %gather3A_763, %get3A_756 : vector<16xi32>
    %sub3A_768 = arith.constant 1 : i32
    %sub3A_769 = vector.broadcast %sub3A_768 : i32 to vector<16xi32>
    %sub3A_770 = arith.subi %add3A_767, %sub3A_769 : vector<16xi32>
    %jit3A_771 = arith.constant 0 : i32
    %broadcast_in_dim3A_772 = vector.broadcast %jit3A_771 : i32 to vector<16xi32>
    %select_n3A_773 = arith.select %eq3A_749, %sub3A_770, %broadcast_in_dim3A_772 : vector<16xi1>, vector<16xi32>
    %add3A_774 = arith.addi %gather3A_766, %sub3A_760 : vector<16xi32>
    %sub3A_775 = arith.constant 1 : i32
    %sub3A_776 = vector.broadcast %sub3A_775 : i32 to vector<16xi32>
    %sub3A_777 = arith.subi %add3A_774, %sub3A_776 : vector<16xi32>
    %jit3A_778 = arith.constant 0 : i32
    %broadcast_in_dim3A_779 = vector.broadcast %jit3A_778 : i32 to vector<16xi32>
    %select_n3A_780 = arith.select %not3A_751, %sub3A_777, %broadcast_in_dim3A_779 : vector<16xi1>, vector<16xi32>
    %add3A_781 = arith.addi %broadcast_in_dim3A_229, %select_n3A_773 : vector<16xi32>
    tpu.vector_store_idx %arg8[%add3A_781], %add3A_754 masked %eq3A_749 : memref<4096xi32, #tpu.memory_space<vmem>>[vector<16xi32>], vector<16xi32>, vector<16xi1>
    %add3A_782 = arith.addi %broadcast_in_dim3A_229, %select_n3A_780 : vector<16xi32>
    %add3A_783 = arith.constant 256 : i32
    %add3A_784 = vector.broadcast %add3A_783 : i32 to vector<16xi32>
    %add3A_785 = arith.addi %add3A_754, %add3A_784 : vector<16xi32>
    tpu.vector_store_idx %arg8[%add3A_782], %add3A_785 masked %not3A_751 : memref<4096xi32, #tpu.memory_space<vmem>>[vector<16xi32>], vector<16xi32>, vector<16xi1>
    %get3A_786 = arith.constant 0 : i32
    %get3A_787 = arith.index_cast %get3A_786 : i32 to index
    %get3A_788 = arith.constant 208 : index
    %get3A_789 = tpu.vector_load %arg5[%get3A_787, %get3A_788] {strides = array<i32>} : memref<16x256xi32, #tpu.memory_space<vmem>>, vector<16xi32>,
    %eq3A_790 = arith.constant 1 : i32
    %eq3A_791 = vector.broadcast %eq3A_790 : i32 to vector<16xi32>
    %eq3A_792 = arith.cmpi eq, %get3A_789, %eq3A_791 : vector<16xi32>
    %not3A_793 = arith.constant dense<true> : vector<16xi1>
    %not3A_794 = arith.xori %eq3A_792, %not3A_793 : vector<16xi1>
    %add3A_795 = arith.constant 208 : i32
    %add3A_796 = vector.broadcast %add3A_795 : i32 to vector<16xi32>
    %add3A_797 = arith.addi %add3A_796, %iota3A : vector<16xi32>
    %get3A_798 = arith.constant 208 : index
    %get3A_799 = tpu.vector_load %arg6[%get3A_798] {strides = array<i32>} : memref<256xi32, #tpu.memory_space<vmem>>, vector<16xi32>,
    %add3A_800 = arith.constant 1 : i32
    %add3A_801 = vector.broadcast %add3A_800 : i32 to vector<16xi32>
    %add3A_802 = arith.addi %iota3A, %add3A_801 : vector<16xi32>
    %sub3A_803 = arith.subi %add3A_802, %get3A_799 : vector<16xi32>
    %broadcast_in_dim3A_804 = arith.constant 29 : i32
    %broadcast_in_dim3A_805 = vector.broadcast %broadcast_in_dim3A_804 : i32 to vector<16xi32>
    %gather3A_806 = tpu.vector_load_idx %arg7[%broadcast_in_dim3A_805] : memref<48xi32, #tpu.memory_space<vmem>>[vector<16xi32>], vector<16xi32>,
    %broadcast_in_dim3A_807 = arith.constant 45 : i32
    %broadcast_in_dim3A_808 = vector.broadcast %broadcast_in_dim3A_807 : i32 to vector<16xi32>
    %gather3A_809 = tpu.vector_load_idx %arg7[%broadcast_in_dim3A_808] : memref<48xi32, #tpu.memory_space<vmem>>[vector<16xi32>], vector<16xi32>,
    %add3A_810 = arith.addi %gather3A_806, %get3A_799 : vector<16xi32>
    %sub3A_811 = arith.constant 1 : i32
    %sub3A_812 = vector.broadcast %sub3A_811 : i32 to vector<16xi32>
    %sub3A_813 = arith.subi %add3A_810, %sub3A_812 : vector<16xi32>
    %jit3A_814 = arith.constant 0 : i32
    %broadcast_in_dim3A_815 = vector.broadcast %jit3A_814 : i32 to vector<16xi32>
    %select_n3A_816 = arith.select %eq3A_792, %sub3A_813, %broadcast_in_dim3A_815 : vector<16xi1>, vector<16xi32>
    %add3A_817 = arith.addi %gather3A_809, %sub3A_803 : vector<16xi32>
    %sub3A_818 = arith.constant 1 : i32
    %sub3A_819 = vector.broadcast %sub3A_818 : i32 to vector<16xi32>
    %sub3A_820 = arith.subi %add3A_817, %sub3A_819 : vector<16xi32>
    %jit3A_821 = arith.constant 0 : i32
    %broadcast_in_dim3A_822 = vector.broadcast %jit3A_821 : i32 to vector<16xi32>
    %select_n3A_823 = arith.select %not3A_794, %sub3A_820, %broadcast_in_dim3A_822 : vector<16xi1>, vector<16xi32>
    %add3A_824 = arith.addi %broadcast_in_dim3A_229, %select_n3A_816 : vector<16xi32>
    tpu.vector_store_idx %arg8[%add3A_824], %add3A_797 masked %eq3A_792 : memref<4096xi32, #tpu.memory_space<vmem>>[vector<16xi32>], vector<16xi32>, vector<16xi1>
    %add3A_825 = arith.addi %broadcast_in_dim3A_229, %select_n3A_823 : vector<16xi32>
    %add3A_826 = arith.constant 256 : i32
    %add3A_827 = vector.broadcast %add3A_826 : i32 to vector<16xi32>
    %add3A_828 = arith.addi %add3A_797, %add3A_827 : vector<16xi32>
    tpu.vector_store_idx %arg8[%add3A_825], %add3A_828 masked %not3A_794 : memref<4096xi32, #tpu.memory_space<vmem>>[vector<16xi32>], vector<16xi32>, vector<16xi1>
    %get3A_829 = arith.constant 0 : i32
    %get3A_830 = arith.index_cast %get3A_829 : i32 to index
    %get3A_831 = arith.constant 224 : index
    %get3A_832 = tpu.vector_load %arg5[%get3A_830, %get3A_831] {strides = array<i32>} : memref<16x256xi32, #tpu.memory_space<vmem>>, vector<16xi32>,
    %eq3A_833 = arith.constant 1 : i32
    %eq3A_834 = vector.broadcast %eq3A_833 : i32 to vector<16xi32>
    %eq3A_835 = arith.cmpi eq, %get3A_832, %eq3A_834 : vector<16xi32>
    %not3A_836 = arith.constant dense<true> : vector<16xi1>
    %not3A_837 = arith.xori %eq3A_835, %not3A_836 : vector<16xi1>
    %add3A_838 = arith.constant 224 : i32
    %add3A_839 = vector.broadcast %add3A_838 : i32 to vector<16xi32>
    %add3A_840 = arith.addi %add3A_839, %iota3A : vector<16xi32>
    %get3A_841 = arith.constant 224 : index
    %get3A_842 = tpu.vector_load %arg6[%get3A_841] {strides = array<i32>} : memref<256xi32, #tpu.memory_space<vmem>>, vector<16xi32>,
    %add3A_843 = arith.constant 1 : i32
    %add3A_844 = vector.broadcast %add3A_843 : i32 to vector<16xi32>
    %add3A_845 = arith.addi %iota3A, %add3A_844 : vector<16xi32>
    %sub3A_846 = arith.subi %add3A_845, %get3A_842 : vector<16xi32>
    %broadcast_in_dim3A_847 = arith.constant 30 : i32
    %broadcast_in_dim3A_848 = vector.broadcast %broadcast_in_dim3A_847 : i32 to vector<16xi32>
    %gather3A_849 = tpu.vector_load_idx %arg7[%broadcast_in_dim3A_848] : memref<48xi32, #tpu.memory_space<vmem>>[vector<16xi32>], vector<16xi32>,
    %broadcast_in_dim3A_850 = arith.constant 46 : i32
    %broadcast_in_dim3A_851 = vector.broadcast %broadcast_in_dim3A_850 : i32 to vector<16xi32>
    %gather3A_852 = tpu.vector_load_idx %arg7[%broadcast_in_dim3A_851] : memref<48xi32, #tpu.memory_space<vmem>>[vector<16xi32>], vector<16xi32>,
    %add3A_853 = arith.addi %gather3A_849, %get3A_842 : vector<16xi32>
    %sub3A_854 = arith.constant 1 : i32
    %sub3A_855 = vector.broadcast %sub3A_854 : i32 to vector<16xi32>
    %sub3A_856 = arith.subi %add3A_853, %sub3A_855 : vector<16xi32>
    %jit3A_857 = arith.constant 0 : i32
    %broadcast_in_dim3A_858 = vector.broadcast %jit3A_857 : i32 to vector<16xi32>
    %select_n3A_859 = arith.select %eq3A_835, %sub3A_856, %broadcast_in_dim3A_858 : vector<16xi1>, vector<16xi32>
    %add3A_860 = arith.addi %gather3A_852, %sub3A_846 : vector<16xi32>
    %sub3A_861 = arith.constant 1 : i32
    %sub3A_862 = vector.broadcast %sub3A_861 : i32 to vector<16xi32>
    %sub3A_863 = arith.subi %add3A_860, %sub3A_862 : vector<16xi32>
    %jit3A_864 = arith.constant 0 : i32
    %broadcast_in_dim3A_865 = vector.broadcast %jit3A_864 : i32 to vector<16xi32>
    %select_n3A_866 = arith.select %not3A_837, %sub3A_863, %broadcast_in_dim3A_865 : vector<16xi1>, vector<16xi32>
    %add3A_867 = arith.addi %broadcast_in_dim3A_229, %select_n3A_859 : vector<16xi32>
    tpu.vector_store_idx %arg8[%add3A_867], %add3A_840 masked %eq3A_835 : memref<4096xi32, #tpu.memory_space<vmem>>[vector<16xi32>], vector<16xi32>, vector<16xi1>
    %add3A_868 = arith.addi %broadcast_in_dim3A_229, %select_n3A_866 : vector<16xi32>
    %add3A_869 = arith.constant 256 : i32
    %add3A_870 = vector.broadcast %add3A_869 : i32 to vector<16xi32>
    %add3A_871 = arith.addi %add3A_840, %add3A_870 : vector<16xi32>
    tpu.vector_store_idx %arg8[%add3A_868], %add3A_871 masked %not3A_837 : memref<4096xi32, #tpu.memory_space<vmem>>[vector<16xi32>], vector<16xi32>, vector<16xi1>
    %get3A_872 = arith.constant 0 : i32
    %get3A_873 = arith.index_cast %get3A_872 : i32 to index
    %get3A_874 = arith.constant 240 : index
    %get3A_875 = tpu.vector_load %arg5[%get3A_873, %get3A_874] {strides = array<i32>} : memref<16x256xi32, #tpu.memory_space<vmem>>, vector<16xi32>,
    %eq3A_876 = arith.constant 1 : i32
    %eq3A_877 = vector.broadcast %eq3A_876 : i32 to vector<16xi32>
    %eq3A_878 = arith.cmpi eq, %get3A_875, %eq3A_877 : vector<16xi32>
    %not3A_879 = arith.constant dense<true> : vector<16xi1>
    %not3A_880 = arith.xori %eq3A_878, %not3A_879 : vector<16xi1>
    %add3A_881 = arith.constant 240 : i32
    %add3A_882 = vector.broadcast %add3A_881 : i32 to vector<16xi32>
    %add3A_883 = arith.addi %add3A_882, %iota3A : vector<16xi32>
    %get3A_884 = arith.constant 240 : index
    %get3A_885 = tpu.vector_load %arg6[%get3A_884] {strides = array<i32>} : memref<256xi32, #tpu.memory_space<vmem>>, vector<16xi32>,
    %add3A_886 = arith.constant 1 : i32
    %add3A_887 = vector.broadcast %add3A_886 : i32 to vector<16xi32>
    %add3A_888 = arith.addi %iota3A, %add3A_887 : vector<16xi32>
    %sub3A_889 = arith.subi %add3A_888, %get3A_885 : vector<16xi32>
    %broadcast_in_dim3A_890 = arith.constant 31 : i32
    %broadcast_in_dim3A_891 = vector.broadcast %broadcast_in_dim3A_890 : i32 to vector<16xi32>
    %gather3A_892 = tpu.vector_load_idx %arg7[%broadcast_in_dim3A_891] : memref<48xi32, #tpu.memory_space<vmem>>[vector<16xi32>], vector<16xi32>,
    %broadcast_in_dim3A_893 = arith.constant 47 : i32
    %broadcast_in_dim3A_894 = vector.broadcast %broadcast_in_dim3A_893 : i32 to vector<16xi32>
    %gather3A_895 = tpu.vector_load_idx %arg7[%broadcast_in_dim3A_894] : memref<48xi32, #tpu.memory_space<vmem>>[vector<16xi32>], vector<16xi32>,
    %add3A_896 = arith.addi %gather3A_892, %get3A_885 : vector<16xi32>
    %sub3A_897 = arith.constant 1 : i32
    %sub3A_898 = vector.broadcast %sub3A_897 : i32 to vector<16xi32>
    %sub3A_899 = arith.subi %add3A_896, %sub3A_898 : vector<16xi32>
    %jit3A_900 = arith.constant 0 : i32
    %broadcast_in_dim3A_901 = vector.broadcast %jit3A_900 : i32 to vector<16xi32>
    %select_n3A_902 = arith.select %eq3A_878, %sub3A_899, %broadcast_in_dim3A_901 : vector<16xi1>, vector<16xi32>
    %add3A_903 = arith.addi %gather3A_895, %sub3A_889 : vector<16xi32>
    %sub3A_904 = arith.constant 1 : i32
    %sub3A_905 = vector.broadcast %sub3A_904 : i32 to vector<16xi32>
    %sub3A_906 = arith.subi %add3A_903, %sub3A_905 : vector<16xi32>
    %jit3A_907 = arith.constant 0 : i32
    %broadcast_in_dim3A_908 = vector.broadcast %jit3A_907 : i32 to vector<16xi32>
    %select_n3A_909 = arith.select %not3A_880, %sub3A_906, %broadcast_in_dim3A_908 : vector<16xi1>, vector<16xi32>
    %add3A_910 = arith.addi %broadcast_in_dim3A_229, %select_n3A_902 : vector<16xi32>
    tpu.vector_store_idx %arg8[%add3A_910], %add3A_883 masked %eq3A_878 : memref<4096xi32, #tpu.memory_space<vmem>>[vector<16xi32>], vector<16xi32>, vector<16xi1>
    %add3A_911 = arith.addi %broadcast_in_dim3A_229, %select_n3A_909 : vector<16xi32>
    %add3A_912 = arith.constant 256 : i32
    %add3A_913 = vector.broadcast %add3A_912 : i32 to vector<16xi32>
    %add3A_914 = arith.addi %add3A_883, %add3A_913 : vector<16xi32>
    tpu.vector_store_idx %arg8[%add3A_911], %add3A_914 masked %not3A_880 : memref<4096xi32, #tpu.memory_space<vmem>>[vector<16xi32>], vector<16xi32>, vector<16xi1>
    %mul3A_915 = arith.constant 4096 : i32
    %mul3A_916 = arith.muli %add3A, %mul3A_915 : i32
    %get3A_917 = arith.constant 0 : index
    %get3A_918 = tpu.vector_load %arg8[%get3A_917] {strides = array<i32>} : memref<4096xi32, #tpu.memory_space<vmem>>, vector<16xi32>,
    %ge3A = arith.constant 0 : i32
    %ge3A_919 = vector.broadcast %ge3A : i32 to vector<16xi32>
    %ge3A_920 = arith.cmpi sge, %get3A_918, %ge3A_919 : vector<16xi32>
    %lt3A = arith.constant 512 : i32
    %lt3A_921 = vector.broadcast %lt3A : i32 to vector<16xi32>
    %lt3A_922 = arith.cmpi slt, %get3A_918, %lt3A_921 : vector<16xi32>
    %jit3A_923 = arith.constant 0 : i32
    %broadcast_in_dim3A_924 = vector.broadcast %jit3A_923 : i32 to vector<16xi32>
    %select_n3A_925 = arith.select %lt3A_922, %get3A_918, %broadcast_in_dim3A_924 : vector<16xi1>, vector<16xi32>
    %jit3A_926 = arith.constant 0 : i32
    %broadcast_in_dim3A_927 = vector.broadcast %jit3A_926 : i32 to vector<16xi32>
    %select_n3A_928 = arith.select %ge3A_920, %select_n3A_925, %broadcast_in_dim3A_927 : vector<16xi1>, vector<16xi32>
    %dma_start3A = arith.constant 0 : i32
    %dma_start3A_929 = arith.constant 0 : i32
    %dma_start3A_930 = tpu.memref_slice %arg3[%dma_start3A, %dma_start3A_929] : memref<512x512xf32, #tpu.memory_space<hbm>> -> memref<512x512xf32, #tpu.memory_space<hbm>>
    tpu.enqueue_indirect_dma source(%dma_start3A_930 : memref<512x512xf32, #tpu.memory_space<hbm>>) target(%arg9 : memref<16x512xf32, #tpu.memory_space<vmem>>) offsets(%select_n3A_928 : vector<16xi32>) semaphore(%arg17 : memref<!tpu.dma_semaphore, #tpu.memory_space<semaphore_mem>>)
    %get3A_931 = arith.constant 16 : index
    %get3A_932 = tpu.vector_load %arg8[%get3A_931] {strides = array<i32>} : memref<4096xi32, #tpu.memory_space<vmem>>, vector<16xi32>,
    %ge3A_933 = arith.constant 0 : i32
    %ge3A_934 = vector.broadcast %ge3A_933 : i32 to vector<16xi32>
    %ge3A_935 = arith.cmpi sge, %get3A_932, %ge3A_934 : vector<16xi32>
    %lt3A_936 = arith.constant 512 : i32
    %lt3A_937 = vector.broadcast %lt3A_936 : i32 to vector<16xi32>
    %lt3A_938 = arith.cmpi slt, %get3A_932, %lt3A_937 : vector<16xi32>
    %jit3A_939 = arith.constant 0 : i32
    %broadcast_in_dim3A_940 = vector.broadcast %jit3A_939 : i32 to vector<16xi32>
    %select_n3A_941 = arith.select %lt3A_938, %get3A_932, %broadcast_in_dim3A_940 : vector<16xi1>, vector<16xi32>
    %jit3A_942 = arith.constant 0 : i32
    %broadcast_in_dim3A_943 = vector.broadcast %jit3A_942 : i32 to vector<16xi32>
    %select_n3A_944 = arith.select %ge3A_935, %select_n3A_941, %broadcast_in_dim3A_943 : vector<16xi1>, vector<16xi32>
    %dma_start3A_945 = arith.constant 0 : i32
    %dma_start3A_946 = arith.constant 0 : i32
    %dma_start3A_947 = tpu.memref_slice %arg3[%dma_start3A_945, %dma_start3A_946] : memref<512x512xf32, #tpu.memory_space<hbm>> -> memref<512x512xf32, #tpu.memory_space<hbm>>
    tpu.enqueue_indirect_dma source(%dma_start3A_947 : memref<512x512xf32, #tpu.memory_space<hbm>>) target(%arg10 : memref<16x512xf32, #tpu.memory_space<vmem>>) offsets(%select_n3A_944 : vector<16xi32>) semaphore(%arg18 : memref<!tpu.dma_semaphore, #tpu.memory_space<semaphore_mem>>)
    %get3A_948 = arith.constant 32 : index
    %get3A_949 = tpu.vector_load %arg8[%get3A_948] {strides = array<i32>} : memref<4096xi32, #tpu.memory_space<vmem>>, vector<16xi32>,
    %ge3A_950 = arith.constant 0 : i32
    %ge3A_951 = vector.broadcast %ge3A_950 : i32 to vector<16xi32>
    %ge3A_952 = arith.cmpi sge, %get3A_949, %ge3A_951 : vector<16xi32>
    %lt3A_953 = arith.constant 512 : i32
    %lt3A_954 = vector.broadcast %lt3A_953 : i32 to vector<16xi32>
    %lt3A_955 = arith.cmpi slt, %get3A_949, %lt3A_954 : vector<16xi32>
    %jit3A_956 = arith.constant 0 : i32
    %broadcast_in_dim3A_957 = vector.broadcast %jit3A_956 : i32 to vector<16xi32>
    %select_n3A_958 = arith.select %lt3A_955, %get3A_949, %broadcast_in_dim3A_957 : vector<16xi1>, vector<16xi32>
    %jit3A_959 = arith.constant 0 : i32
    %broadcast_in_dim3A_960 = vector.broadcast %jit3A_959 : i32 to vector<16xi32>
    %select_n3A_961 = arith.select %ge3A_952, %select_n3A_958, %broadcast_in_dim3A_960 : vector<16xi1>, vector<16xi32>
    %dma_start3A_962 = arith.constant 0 : i32
    %dma_start3A_963 = arith.constant 0 : i32
    %dma_start3A_964 = tpu.memref_slice %arg3[%dma_start3A_962, %dma_start3A_963] : memref<512x512xf32, #tpu.memory_space<hbm>> -> memref<512x512xf32, #tpu.memory_space<hbm>>
    tpu.enqueue_indirect_dma source(%dma_start3A_964 : memref<512x512xf32, #tpu.memory_space<hbm>>) target(%arg11 : memref<16x512xf32, #tpu.memory_space<vmem>>) offsets(%select_n3A_961 : vector<16xi32>) semaphore(%arg19 : memref<!tpu.dma_semaphore, #tpu.memory_space<semaphore_mem>>)
    %get3A_965 = arith.constant 48 : index
    %get3A_966 = tpu.vector_load %arg8[%get3A_965] {strides = array<i32>} : memref<4096xi32, #tpu.memory_space<vmem>>, vector<16xi32>,
    %ge3A_967 = arith.constant 0 : i32
    %ge3A_968 = vector.broadcast %ge3A_967 : i32 to vector<16xi32>
    %ge3A_969 = arith.cmpi sge, %get3A_966, %ge3A_968 : vector<16xi32>
    %lt3A_970 = arith.constant 512 : i32
    %lt3A_971 = vector.broadcast %lt3A_970 : i32 to vector<16xi32>
    %lt3A_972 = arith.cmpi slt, %get3A_966, %lt3A_971 : vector<16xi32>
    %jit3A_973 = arith.constant 0 : i32
    %broadcast_in_dim3A_974 = vector.broadcast %jit3A_973 : i32 to vector<16xi32>
    %select_n3A_975 = arith.select %lt3A_972, %get3A_966, %broadcast_in_dim3A_974 : vector<16xi1>, vector<16xi32>
    %jit3A_976 = arith.constant 0 : i32
    %broadcast_in_dim3A_977 = vector.broadcast %jit3A_976 : i32 to vector<16xi32>
    %select_n3A_978 = arith.select %ge3A_969, %select_n3A_975, %broadcast_in_dim3A_977 : vector<16xi1>, vector<16xi32>
    %dma_start3A_979 = arith.constant 0 : i32
    %dma_start3A_980 = arith.constant 0 : i32
    %dma_start3A_981 = tpu.memref_slice %arg3[%dma_start3A_979, %dma_start3A_980] : memref<512x512xf32, #tpu.memory_space<hbm>> -> memref<512x512xf32, #tpu.memory_space<hbm>>
    tpu.enqueue_indirect_dma source(%dma_start3A_981 : memref<512x512xf32, #tpu.memory_space<hbm>>) target(%arg12 : memref<16x512xf32, #tpu.memory_space<vmem>>) offsets(%select_n3A_978 : vector<16xi32>) semaphore(%arg20 : memref<!tpu.dma_semaphore, #tpu.memory_space<semaphore_mem>>)
    %get3A_982 = arith.constant 64 : index
    %get3A_983 = tpu.vector_load %arg8[%get3A_982] {strides = array<i32>} : memref<4096xi32, #tpu.memory_space<vmem>>, vector<16xi32>,
    %ge3A_984 = arith.constant 0 : i32
    %ge3A_985 = vector.broadcast %ge3A_984 : i32 to vector<16xi32>
    %ge3A_986 = arith.cmpi sge, %get3A_983, %ge3A_985 : vector<16xi32>
    %lt3A_987 = arith.constant 512 : i32
    %lt3A_988 = vector.broadcast %lt3A_987 : i32 to vector<16xi32>
    %lt3A_989 = arith.cmpi slt, %get3A_983, %lt3A_988 : vector<16xi32>
    %jit3A_990 = arith.constant 0 : i32
    %broadcast_in_dim3A_991 = vector.broadcast %jit3A_990 : i32 to vector<16xi32>
    %select_n3A_992 = arith.select %lt3A_989, %get3A_983, %broadcast_in_dim3A_991 : vector<16xi1>, vector<16xi32>
    %jit3A_993 = arith.constant 0 : i32
    %broadcast_in_dim3A_994 = vector.broadcast %jit3A_993 : i32 to vector<16xi32>
    %select_n3A_995 = arith.select %ge3A_986, %select_n3A_992, %broadcast_in_dim3A_994 : vector<16xi1>, vector<16xi32>
    %dma_start3A_996 = arith.constant 0 : i32
    %dma_start3A_997 = arith.constant 0 : i32
    %dma_start3A_998 = tpu.memref_slice %arg3[%dma_start3A_996, %dma_start3A_997] : memref<512x512xf32, #tpu.memory_space<hbm>> -> memref<512x512xf32, #tpu.memory_space<hbm>>
    tpu.enqueue_indirect_dma source(%dma_start3A_998 : memref<512x512xf32, #tpu.memory_space<hbm>>) target(%arg13 : memref<16x512xf32, #tpu.memory_space<vmem>>) offsets(%select_n3A_995 : vector<16xi32>) semaphore(%arg21 : memref<!tpu.dma_semaphore, #tpu.memory_space<semaphore_mem>>)
    %get3A_999 = arith.constant 80 : index
    %get3A_1000 = tpu.vector_load %arg8[%get3A_999] {strides = array<i32>} : memref<4096xi32, #tpu.memory_space<vmem>>, vector<16xi32>,
    %ge3A_1001 = arith.constant 0 : i32
    %ge3A_1002 = vector.broadcast %ge3A_1001 : i32 to vector<16xi32>
    %ge3A_1003 = arith.cmpi sge, %get3A_1000, %ge3A_1002 : vector<16xi32>
    %lt3A_1004 = arith.constant 512 : i32
    %lt3A_1005 = vector.broadcast %lt3A_1004 : i32 to vector<16xi32>
    %lt3A_1006 = arith.cmpi slt, %get3A_1000, %lt3A_1005 : vector<16xi32>
    %jit3A_1007 = arith.constant 0 : i32
    %broadcast_in_dim3A_1008 = vector.broadcast %jit3A_1007 : i32 to vector<16xi32>
    %select_n3A_1009 = arith.select %lt3A_1006, %get3A_1000, %broadcast_in_dim3A_1008 : vector<16xi1>, vector<16xi32>
    %jit3A_1010 = arith.constant 0 : i32
    %broadcast_in_dim3A_1011 = vector.broadcast %jit3A_1010 : i32 to vector<16xi32>
    %select_n3A_1012 = arith.select %ge3A_1003, %select_n3A_1009, %broadcast_in_dim3A_1011 : vector<16xi1>, vector<16xi32>
    %dma_start3A_1013 = arith.constant 0 : i32
    %dma_start3A_1014 = arith.constant 0 : i32
    %dma_start3A_1015 = tpu.memref_slice %arg3[%dma_start3A_1013, %dma_start3A_1014] : memref<512x512xf32, #tpu.memory_space<hbm>> -> memref<512x512xf32, #tpu.memory_space<hbm>>
    tpu.enqueue_indirect_dma source(%dma_start3A_1015 : memref<512x512xf32, #tpu.memory_space<hbm>>) target(%arg14 : memref<16x512xf32, #tpu.memory_space<vmem>>) offsets(%select_n3A_1012 : vector<16xi32>) semaphore(%arg22 : memref<!tpu.dma_semaphore, #tpu.memory_space<semaphore_mem>>)
    %get3A_1016 = arith.constant 96 : index
    %get3A_1017 = tpu.vector_load %arg8[%get3A_1016] {strides = array<i32>} : memref<4096xi32, #tpu.memory_space<vmem>>, vector<16xi32>,
    %ge3A_1018 = arith.constant 0 : i32
    %ge3A_1019 = vector.broadcast %ge3A_1018 : i32 to vector<16xi32>
    %ge3A_1020 = arith.cmpi sge, %get3A_1017, %ge3A_1019 : vector<16xi32>
    %lt3A_1021 = arith.constant 512 : i32
    %lt3A_1022 = vector.broadcast %lt3A_1021 : i32 to vector<16xi32>
    %lt3A_1023 = arith.cmpi slt, %get3A_1017, %lt3A_1022 : vector<16xi32>
    %jit3A_1024 = arith.constant 0 : i32
    %broadcast_in_dim3A_1025 = vector.broadcast %jit3A_1024 : i32 to vector<16xi32>
    %select_n3A_1026 = arith.select %lt3A_1023, %get3A_1017, %broadcast_in_dim3A_1025 : vector<16xi1>, vector<16xi32>
    %jit3A_1027 = arith.constant 0 : i32
    %broadcast_in_dim3A_1028 = vector.broadcast %jit3A_1027 : i32 to vector<16xi32>
    %select_n3A_1029 = arith.select %ge3A_1020, %select_n3A_1026, %broadcast_in_dim3A_1028 : vector<16xi1>, vector<16xi32>
    %dma_start3A_1030 = arith.constant 0 : i32
    %dma_start3A_1031 = arith.constant 0 : i32
    %dma_start3A_1032 = tpu.memref_slice %arg3[%dma_start3A_1030, %dma_start3A_1031] : memref<512x512xf32, #tpu.memory_space<hbm>> -> memref<512x512xf32, #tpu.memory_space<hbm>>
    tpu.enqueue_indirect_dma source(%dma_start3A_1032 : memref<512x512xf32, #tpu.memory_space<hbm>>) target(%arg15 : memref<16x512xf32, #tpu.memory_space<vmem>>) offsets(%select_n3A_1029 : vector<16xi32>) semaphore(%arg23 : memref<!tpu.dma_semaphore, #tpu.memory_space<semaphore_mem>>)
    %get3A_1033 = arith.constant 112 : index
    %get3A_1034 = tpu.vector_load %arg8[%get3A_1033] {strides = array<i32>} : memref<4096xi32, #tpu.memory_space<vmem>>, vector<16xi32>,
    %ge3A_1035 = arith.constant 0 : i32
    %ge3A_1036 = vector.broadcast %ge3A_1035 : i32 to vector<16xi32>
    %ge3A_1037 = arith.cmpi sge, %get3A_1034, %ge3A_1036 : vector<16xi32>
    %lt3A_1038 = arith.constant 512 : i32
    %lt3A_1039 = vector.broadcast %lt3A_1038 : i32 to vector<16xi32>
    %lt3A_1040 = arith.cmpi slt, %get3A_1034, %lt3A_1039 : vector<16xi32>
    %jit3A_1041 = arith.constant 0 : i32
    %broadcast_in_dim3A_1042 = vector.broadcast %jit3A_1041 : i32 to vector<16xi32>
    %select_n3A_1043 = arith.select %lt3A_1040, %get3A_1034, %broadcast_in_dim3A_1042 : vector<16xi1>, vector<16xi32>
    %jit3A_1044 = arith.constant 0 : i32
    %broadcast_in_dim3A_1045 = vector.broadcast %jit3A_1044 : i32 to vector<16xi32>
    %select_n3A_1046 = arith.select %ge3A_1037, %select_n3A_1043, %broadcast_in_dim3A_1045 : vector<16xi1>, vector<16xi32>
    %dma_start3A_1047 = arith.constant 0 : i32
    %dma_start3A_1048 = arith.constant 0 : i32
    %dma_start3A_1049 = tpu.memref_slice %arg3[%dma_start3A_1047, %dma_start3A_1048] : memref<512x512xf32, #tpu.memory_space<hbm>> -> memref<512x512xf32, #tpu.memory_space<hbm>>
    tpu.enqueue_indirect_dma source(%dma_start3A_1049 : memref<512x512xf32, #tpu.memory_space<hbm>>) target(%arg16 : memref<16x512xf32, #tpu.memory_space<vmem>>) offsets(%select_n3A_1046 : vector<16xi32>) semaphore(%arg24 : memref<!tpu.dma_semaphore, #tpu.memory_space<semaphore_mem>>)
    %scan3A = arith.constant 0 : i32
    %scan3A_1050 = arith.constant 0 : i32
    %scan3A_1051 = arith.constant 32 : i32
    %scan3A_1052 = arith.addi %scan3A_1050, %scan3A_1051 : i32
    %scan3A_1053 = arith.constant 1 : i32
    scf.for %scan3A_1055 = %scan3A_1050 to %scan3A_1052 step %scan3A_1053  : i32 {
      %mul3A_1056 = arith.constant 8 : i32
      %mul3A_1057 = arith.muli %scan3A_1055, %mul3A_1056 : i32
      %dma_wait3A = arith.constant 0 : i32
      %dma_wait3A_1058 = arith.constant 0 : i32
      %dma_wait3A_1059 = tpu.memref_slice %arg3[%dma_wait3A, %dma_wait3A_1058] : memref<512x512xf32, #tpu.memory_space<hbm>> -> memref<512x512xf32, #tpu.memory_space<hbm>>
      tpu.wait_indirect_dma semaphore(%arg17 : memref<!tpu.dma_semaphore, #tpu.memory_space<semaphore_mem>>) src(%dma_wait3A_1059 : memref<512x512xf32, #tpu.memory_space<hbm>>) dst(%arg9 : memref<16x512xf32, #tpu.memory_space<vmem>>)
      %add3A_1060 = arith.constant 0 : i32
      %add3A_1061 = arith.addi %mul3A_1057, %add3A_1060 : i32
      %mul3A_1062 = arith.constant 16 : i32
      %mul3A_1063 = arith.muli %add3A_1061, %mul3A_1062 : i32
      %add3A_1064 = arith.addi %mul3A_916, %mul3A_1063 : i32
      %dma_start3A_1065 = arith.constant 0 : i32
      %dma_start3A_1066 = tpu.memref_slice %arg4[%add3A_1064, %dma_start3A_1065] : memref<131072x512xf32, #tpu.memory_space<hbm>> -> memref<16x512xf32, #tpu.memory_space<hbm>>
      %dma_start3A_1067 = arith.constant 0 : i32
      %dma_start3A_1068 = tpu.memref_slice %arg4[%add3A_1064, %dma_start3A_1067] : memref<131072x512xf32, #tpu.memory_space<hbm>> -> memref<16x512xf32, #tpu.memory_space<hbm>>
      tpu.enqueue_dma source(%arg9 : memref<16x512xf32, #tpu.memory_space<vmem>>) target(%dma_start3A_1068 : memref<16x512xf32, #tpu.memory_space<hbm>>) target_semaphore(%arg25 : memref<!tpu.dma_semaphore, #tpu.memory_space<semaphore_mem>>)
      %dma_wait3A_1069 = arith.constant 0 : i32
      %dma_wait3A_1070 = arith.constant 0 : i32
      %dma_wait3A_1071 = tpu.memref_slice %arg3[%dma_wait3A_1069, %dma_wait3A_1070] : memref<512x512xf32, #tpu.memory_space<hbm>> -> memref<512x512xf32, #tpu.memory_space<hbm>>
      tpu.wait_indirect_dma semaphore(%arg18 : memref<!tpu.dma_semaphore, #tpu.memory_space<semaphore_mem>>) src(%dma_wait3A_1071 : memref<512x512xf32, #tpu.memory_space<hbm>>) dst(%arg10 : memref<16x512xf32, #tpu.memory_space<vmem>>)
      %add3A_1072 = arith.constant 1 : i32
      %add3A_1073 = arith.addi %mul3A_1057, %add3A_1072 : i32
      %mul3A_1074 = arith.constant 16 : i32
      %mul3A_1075 = arith.muli %add3A_1073, %mul3A_1074 : i32
      %add3A_1076 = arith.addi %mul3A_916, %mul3A_1075 : i32
      %dma_start3A_1077 = arith.constant 0 : i32
      %dma_start3A_1078 = tpu.memref_slice %arg4[%add3A_1076, %dma_start3A_1077] : memref<131072x512xf32, #tpu.memory_space<hbm>> -> memref<16x512xf32, #tpu.memory_space<hbm>>
      %dma_start3A_1079 = arith.constant 0 : i32
      %dma_start3A_1080 = tpu.memref_slice %arg4[%add3A_1076, %dma_start3A_1079] : memref<131072x512xf32, #tpu.memory_space<hbm>> -> memref<16x512xf32, #tpu.memory_space<hbm>>
      tpu.enqueue_dma source(%arg10 : memref<16x512xf32, #tpu.memory_space<vmem>>) target(%dma_start3A_1080 : memref<16x512xf32, #tpu.memory_space<hbm>>) target_semaphore(%arg26 : memref<!tpu.dma_semaphore, #tpu.memory_space<semaphore_mem>>)
      %dma_wait3A_1081 = arith.constant 0 : i32
      %dma_wait3A_1082 = arith.constant 0 : i32
      %dma_wait3A_1083 = tpu.memref_slice %arg3[%dma_wait3A_1081, %dma_wait3A_1082] : memref<512x512xf32, #tpu.memory_space<hbm>> -> memref<512x512xf32, #tpu.memory_space<hbm>>
      tpu.wait_indirect_dma semaphore(%arg19 : memref<!tpu.dma_semaphore, #tpu.memory_space<semaphore_mem>>) src(%dma_wait3A_1083 : memref<512x512xf32, #tpu.memory_space<hbm>>) dst(%arg11 : memref<16x512xf32, #tpu.memory_space<vmem>>)
      %add3A_1084 = arith.constant 2 : i32
      %add3A_1085 = arith.addi %mul3A_1057, %add3A_1084 : i32
      %mul3A_1086 = arith.constant 16 : i32
      %mul3A_1087 = arith.muli %add3A_1085, %mul3A_1086 : i32
      %add3A_1088 = arith.addi %mul3A_916, %mul3A_1087 : i32
      %dma_start3A_1089 = arith.constant 0 : i32
      %dma_start3A_1090 = tpu.memref_slice %arg4[%add3A_1088, %dma_start3A_1089] : memref<131072x512xf32, #tpu.memory_space<hbm>> -> memref<16x512xf32, #tpu.memory_space<hbm>>
      %dma_start3A_1091 = arith.constant 0 : i32
      %dma_start3A_1092 = tpu.memref_slice %arg4[%add3A_1088, %dma_start3A_1091] : memref<131072x512xf32, #tpu.memory_space<hbm>> -> memref<16x512xf32, #tpu.memory_space<hbm>>
      tpu.enqueue_dma source(%arg11 : memref<16x512xf32, #tpu.memory_space<vmem>>) target(%dma_start3A_1092 : memref<16x512xf32, #tpu.memory_space<hbm>>) target_semaphore(%arg27 : memref<!tpu.dma_semaphore, #tpu.memory_space<semaphore_mem>>)
      %dma_wait3A_1093 = arith.constant 0 : i32
      %dma_wait3A_1094 = arith.constant 0 : i32
      %dma_wait3A_1095 = tpu.memref_slice %arg3[%dma_wait3A_1093, %dma_wait3A_1094] : memref<512x512xf32, #tpu.memory_space<hbm>> -> memref<512x512xf32, #tpu.memory_space<hbm>>
      tpu.wait_indirect_dma semaphore(%arg20 : memref<!tpu.dma_semaphore, #tpu.memory_space<semaphore_mem>>) src(%dma_wait3A_1095 : memref<512x512xf32, #tpu.memory_space<hbm>>) dst(%arg12 : memref<16x512xf32, #tpu.memory_space<vmem>>)
      %add3A_1096 = arith.constant 3 : i32
      %add3A_1097 = arith.addi %mul3A_1057, %add3A_1096 : i32
      %mul3A_1098 = arith.constant 16 : i32
      %mul3A_1099 = arith.muli %add3A_1097, %mul3A_1098 : i32
      %add3A_1100 = arith.addi %mul3A_916, %mul3A_1099 : i32
      %dma_start3A_1101 = arith.constant 0 : i32
      %dma_start3A_1102 = tpu.memref_slice %arg4[%add3A_1100, %dma_start3A_1101] : memref<131072x512xf32, #tpu.memory_space<hbm>> -> memref<16x512xf32, #tpu.memory_space<hbm>>
      %dma_start3A_1103 = arith.constant 0 : i32
      %dma_start3A_1104 = tpu.memref_slice %arg4[%add3A_1100, %dma_start3A_1103] : memref<131072x512xf32, #tpu.memory_space<hbm>> -> memref<16x512xf32, #tpu.memory_space<hbm>>
      tpu.enqueue_dma source(%arg12 : memref<16x512xf32, #tpu.memory_space<vmem>>) target(%dma_start3A_1104 : memref<16x512xf32, #tpu.memory_space<hbm>>) target_semaphore(%arg28 : memref<!tpu.dma_semaphore, #tpu.memory_space<semaphore_mem>>)
      %dma_wait3A_1105 = arith.constant 0 : i32
      %dma_wait3A_1106 = arith.constant 0 : i32
      %dma_wait3A_1107 = tpu.memref_slice %arg3[%dma_wait3A_1105, %dma_wait3A_1106] : memref<512x512xf32, #tpu.memory_space<hbm>> -> memref<512x512xf32, #tpu.memory_space<hbm>>
      tpu.wait_indirect_dma semaphore(%arg21 : memref<!tpu.dma_semaphore, #tpu.memory_space<semaphore_mem>>) src(%dma_wait3A_1107 : memref<512x512xf32, #tpu.memory_space<hbm>>) dst(%arg13 : memref<16x512xf32, #tpu.memory_space<vmem>>)
      %add3A_1108 = arith.constant 4 : i32
      %add3A_1109 = arith.addi %mul3A_1057, %add3A_1108 : i32
      %mul3A_1110 = arith.constant 16 : i32
      %mul3A_1111 = arith.muli %add3A_1109, %mul3A_1110 : i32
      %add3A_1112 = arith.addi %mul3A_916, %mul3A_1111 : i32
      %dma_start3A_1113 = arith.constant 0 : i32
      %dma_start3A_1114 = tpu.memref_slice %arg4[%add3A_1112, %dma_start3A_1113] : memref<131072x512xf32, #tpu.memory_space<hbm>> -> memref<16x512xf32, #tpu.memory_space<hbm>>
      %dma_start3A_1115 = arith.constant 0 : i32
      %dma_start3A_1116 = tpu.memref_slice %arg4[%add3A_1112, %dma_start3A_1115] : memref<131072x512xf32, #tpu.memory_space<hbm>> -> memref<16x512xf32, #tpu.memory_space<hbm>>
      tpu.enqueue_dma source(%arg13 : memref<16x512xf32, #tpu.memory_space<vmem>>) target(%dma_start3A_1116 : memref<16x512xf32, #tpu.memory_space<hbm>>) target_semaphore(%arg29 : memref<!tpu.dma_semaphore, #tpu.memory_space<semaphore_mem>>)
      %dma_wait3A_1117 = arith.constant 0 : i32
      %dma_wait3A_1118 = arith.constant 0 : i32
      %dma_wait3A_1119 = tpu.memref_slice %arg3[%dma_wait3A_1117, %dma_wait3A_1118] : memref<512x512xf32, #tpu.memory_space<hbm>> -> memref<512x512xf32, #tpu.memory_space<hbm>>
      tpu.wait_indirect_dma semaphore(%arg22 : memref<!tpu.dma_semaphore, #tpu.memory_space<semaphore_mem>>) src(%dma_wait3A_1119 : memref<512x512xf32, #tpu.memory_space<hbm>>) dst(%arg14 : memref<16x512xf32, #tpu.memory_space<vmem>>)
      %add3A_1120 = arith.constant 5 : i32
      %add3A_1121 = arith.addi %mul3A_1057, %add3A_1120 : i32
      %mul3A_1122 = arith.constant 16 : i32
      %mul3A_1123 = arith.muli %add3A_1121, %mul3A_1122 : i32
      %add3A_1124 = arith.addi %mul3A_916, %mul3A_1123 : i32
      %dma_start3A_1125 = arith.constant 0 : i32
      %dma_start3A_1126 = tpu.memref_slice %arg4[%add3A_1124, %dma_start3A_1125] : memref<131072x512xf32, #tpu.memory_space<hbm>> -> memref<16x512xf32, #tpu.memory_space<hbm>>
      %dma_start3A_1127 = arith.constant 0 : i32
      %dma_start3A_1128 = tpu.memref_slice %arg4[%add3A_1124, %dma_start3A_1127] : memref<131072x512xf32, #tpu.memory_space<hbm>> -> memref<16x512xf32, #tpu.memory_space<hbm>>
      tpu.enqueue_dma source(%arg14 : memref<16x512xf32, #tpu.memory_space<vmem>>) target(%dma_start3A_1128 : memref<16x512xf32, #tpu.memory_space<hbm>>) target_semaphore(%arg30 : memref<!tpu.dma_semaphore, #tpu.memory_space<semaphore_mem>>)
      %dma_wait3A_1129 = arith.constant 0 : i32
      %dma_wait3A_1130 = arith.constant 0 : i32
      %dma_wait3A_1131 = tpu.memref_slice %arg3[%dma_wait3A_1129, %dma_wait3A_1130] : memref<512x512xf32, #tpu.memory_space<hbm>> -> memref<512x512xf32, #tpu.memory_space<hbm>>
      tpu.wait_indirect_dma semaphore(%arg23 : memref<!tpu.dma_semaphore, #tpu.memory_space<semaphore_mem>>) src(%dma_wait3A_1131 : memref<512x512xf32, #tpu.memory_space<hbm>>) dst(%arg15 : memref<16x512xf32, #tpu.memory_space<vmem>>)
      %add3A_1132 = arith.constant 6 : i32
      %add3A_1133 = arith.addi %mul3A_1057, %add3A_1132 : i32
      %mul3A_1134 = arith.constant 16 : i32
      %mul3A_1135 = arith.muli %add3A_1133, %mul3A_1134 : i32
      %add3A_1136 = arith.addi %mul3A_916, %mul3A_1135 : i32
      %dma_start3A_1137 = arith.constant 0 : i32
      %dma_start3A_1138 = tpu.memref_slice %arg4[%add3A_1136, %dma_start3A_1137] : memref<131072x512xf32, #tpu.memory_space<hbm>> -> memref<16x512xf32, #tpu.memory_space<hbm>>
      %dma_start3A_1139 = arith.constant 0 : i32
      %dma_start3A_1140 = tpu.memref_slice %arg4[%add3A_1136, %dma_start3A_1139] : memref<131072x512xf32, #tpu.memory_space<hbm>> -> memref<16x512xf32, #tpu.memory_space<hbm>>
      tpu.enqueue_dma source(%arg15 : memref<16x512xf32, #tpu.memory_space<vmem>>) target(%dma_start3A_1140 : memref<16x512xf32, #tpu.memory_space<hbm>>) target_semaphore(%arg31 : memref<!tpu.dma_semaphore, #tpu.memory_space<semaphore_mem>>)
      %dma_wait3A_1141 = arith.constant 0 : i32
      %dma_wait3A_1142 = arith.constant 0 : i32
      %dma_wait3A_1143 = tpu.memref_slice %arg3[%dma_wait3A_1141, %dma_wait3A_1142] : memref<512x512xf32, #tpu.memory_space<hbm>> -> memref<512x512xf32, #tpu.memory_space<hbm>>
      tpu.wait_indirect_dma semaphore(%arg24 : memref<!tpu.dma_semaphore, #tpu.memory_space<semaphore_mem>>) src(%dma_wait3A_1143 : memref<512x512xf32, #tpu.memory_space<hbm>>) dst(%arg16 : memref<16x512xf32, #tpu.memory_space<vmem>>)
      %add3A_1144 = arith.constant 7 : i32
      %add3A_1145 = arith.addi %mul3A_1057, %add3A_1144 : i32
      %mul3A_1146 = arith.constant 16 : i32
      %mul3A_1147 = arith.muli %add3A_1145, %mul3A_1146 : i32
      %add3A_1148 = arith.addi %mul3A_916, %mul3A_1147 : i32
      %dma_start3A_1149 = arith.constant 0 : i32
      %dma_start3A_1150 = tpu.memref_slice %arg4[%add3A_1148, %dma_start3A_1149] : memref<131072x512xf32, #tpu.memory_space<hbm>> -> memref<16x512xf32, #tpu.memory_space<hbm>>
      %dma_start3A_1151 = arith.constant 0 : i32
      %dma_start3A_1152 = tpu.memref_slice %arg4[%add3A_1148, %dma_start3A_1151] : memref<131072x512xf32, #tpu.memory_space<hbm>> -> memref<16x512xf32, #tpu.memory_space<hbm>>
      tpu.enqueue_dma source(%arg16 : memref<16x512xf32, #tpu.memory_space<vmem>>) target(%dma_start3A_1152 : memref<16x512xf32, #tpu.memory_space<hbm>>) target_semaphore(%arg32 : memref<!tpu.dma_semaphore, #tpu.memory_space<semaphore_mem>>)
      %jit3A_1153 = arith.constant 2 : i32
      %eq3A_1154 = arith.constant 0 : i32
      %eq3A_1155 = arith.cmpi eq, %jit3A_1153, %eq3A_1154 : i32
      %jit3A_1156 = arith.constant 1 : i32
      %select_n3A_1157 = arith.select %eq3A_1155, %jit3A_1156, %jit3A_1153 : i32
      %rem3A = arith.remsi %scan3A_1055, %select_n3A_1157 : i32
      %ne3A = arith.constant 0 : i32
      %ne3A_1158 = arith.cmpi ne, %rem3A, %ne3A : i32
      %lt3A_1159 = arith.constant 0 : i32
      %lt3A_1160 = arith.cmpi slt, %rem3A, %lt3A_1159 : i32
      %lt3A_1161 = arith.constant 0 : i32
      %lt3A_1162 = arith.cmpi slt, %select_n3A_1157, %lt3A_1161 : i32
      %ne3A_1163 = arith.xori %lt3A_1160, %lt3A_1162 : i1
      %and3A = arith.andi %ne3A_1163, %ne3A_1158 : i1
      %add3A_1164 = arith.addi %rem3A, %select_n3A_1157 : i32
      %select_n3A_1165 = arith.select %and3A, %add3A_1164, %rem3A : i32
      %eq3A_1166 = arith.constant 0 : i32
      %eq3A_1167 = arith.cmpi eq, %select_n3A_1165, %eq3A_1166 : i32
      %lt3A_1168 = arith.constant 30 : i32
      %lt3A_1169 = arith.cmpi slt, %scan3A_1055, %lt3A_1168 : i32
      %and3A_1170 = arith.andi %eq3A_1167, %lt3A_1169 : i1
      %convert_element_type3A_1171 = arith.extui %and3A_1170 : i1 to i32
      %cond3A = arith.constant 0 : i32
      %cond3A_1172 = arith.cmpi ne, %convert_element_type3A_1171, %cond3A : i32
      scf.if %cond3A_1172 {
        %jit3A_1261 = arith.constant 2 : i32
        %div3A = arith.divsi %scan3A_1055, %jit3A_1261 : i32
        %sign3A = arith.constant 0 : i32
        %sign3A_1262 = arith.cmpi sgt, %scan3A_1055, %sign3A : i32
        %sign3A_1263 = arith.extui %sign3A_1262 : i1 to i32
        %sign3A_1264 = arith.constant 0 : i32
        %sign3A_1265 = arith.cmpi slt, %scan3A_1055, %sign3A_1264 : i32
        %sign3A_1266 = arith.extui %sign3A_1265 : i1 to i32
        %sign3A_1267 = arith.subi %sign3A_1263, %sign3A_1266 : i32
        %sign3A_1268 = arith.constant 0 : i32
        %sign3A_1269 = arith.cmpi sgt, %jit3A_1261, %sign3A_1268 : i32
        %sign3A_1270 = arith.extui %sign3A_1269 : i1 to i32
        %sign3A_1271 = arith.constant 0 : i32
        %sign3A_1272 = arith.cmpi slt, %jit3A_1261, %sign3A_1271 : i32
        %sign3A_1273 = arith.extui %sign3A_1272 : i1 to i32
        %sign3A_1274 = arith.subi %sign3A_1270, %sign3A_1273 : i32
        %ne3A_1275 = arith.cmpi ne, %sign3A_1267, %sign3A_1274 : i32
        %rem3A_1276 = arith.remsi %scan3A_1055, %jit3A_1261 : i32
        %ne3A_1277 = arith.constant 0 : i32
        %ne3A_1278 = arith.cmpi ne, %rem3A_1276, %ne3A_1277 : i32
        %and3A_1279 = arith.andi %ne3A_1275, %ne3A_1278 : i1
        %sub3A_1280 = arith.constant 1 : i32
        %sub3A_1281 = arith.subi %div3A, %sub3A_1280 : i32
        %select_n3A_1282 = arith.select %and3A_1279, %sub3A_1281, %div3A : i32
        %add3A_1283 = arith.constant 1 : i32
        %add3A_1284 = arith.addi %select_n3A_1282, %add3A_1283 : i32
        %get3A_1285 = arith.index_cast %add3A_1284 : i32 to index
        %get3A_1286 = arith.constant 0 : index
        %get3A_1287 = tpu.vector_load %arg5[%get3A_1285, %get3A_1286] {strides = array<i32>} : memref<16x256xi32, #tpu.memory_space<vmem>>, vector<16xi32>,
        %eq3A_1288 = arith.constant 1 : i32
        %eq3A_1289 = vector.broadcast %eq3A_1288 : i32 to vector<16xi32>
        %eq3A_1290 = arith.cmpi eq, %get3A_1287, %eq3A_1289 : vector<16xi32>
        %convert_element_type3A_1291 = arith.extui %eq3A_1290 : vector<16xi1> to vector<16xi32>
        %cumsum3A_1292 = arith.constant true
        %cumsum3A_1293 = vector.broadcast %cumsum3A_1292 : i1 to vector<16xi1>
        %cumsum3A_1294 = tpu.scan <sum>, %convert_element_type3A_1291 masked %cumsum3A_1293 : vector<16xi32>, vector<16xi1> -> vector<16xi32>
        %swap3A_1295 = arith.constant 0 : index
        %swap3A_1296 = tpu.vector_load %arg6[%swap3A_1295] {strides = array<i32>} : memref<256xi32, #tpu.memory_space<vmem>>, vector<16xi32>,
        tpu.vector_store %arg6[%swap3A_1295], %cumsum3A_1294 {strides = array<i32>} : memref<256xi32, #tpu.memory_space<vmem>>, vector<16xi32>,
        %get3A_1297 = arith.index_cast %add3A_1284 : i32 to index
        %get3A_1298 = arith.constant 16 : index
        %get3A_1299 = tpu.vector_load %arg5[%get3A_1297, %get3A_1298] {strides = array<i32>} : memref<16x256xi32, #tpu.memory_space<vmem>>, vector<16xi32>,
        %eq3A_1300 = arith.constant 1 : i32
        %eq3A_1301 = vector.broadcast %eq3A_1300 : i32 to vector<16xi32>
        %eq3A_1302 = arith.cmpi eq, %get3A_1299, %eq3A_1301 : vector<16xi32>
        %convert_element_type3A_1303 = arith.extui %eq3A_1302 : vector<16xi1> to vector<16xi32>
        %cumsum3A_1304 = arith.constant true
        %cumsum3A_1305 = vector.broadcast %cumsum3A_1304 : i1 to vector<16xi1>
        %cumsum3A_1306 = tpu.scan <sum>, %convert_element_type3A_1303 masked %cumsum3A_1305 : vector<16xi32>, vector<16xi1> -> vector<16xi32>
        %swap3A_1307 = arith.constant 16 : index
        %swap3A_1308 = tpu.vector_load %arg6[%swap3A_1307] {strides = array<i32>} : memref<256xi32, #tpu.memory_space<vmem>>, vector<16xi32>,
        tpu.vector_store %arg6[%swap3A_1307], %cumsum3A_1306 {strides = array<i32>} : memref<256xi32, #tpu.memory_space<vmem>>, vector<16xi32>,
        %get3A_1309 = arith.index_cast %add3A_1284 : i32 to index
        %get3A_1310 = arith.constant 32 : index
        %get3A_1311 = tpu.vector_load %arg5[%get3A_1309, %get3A_1310] {strides = array<i32>} : memref<16x256xi32, #tpu.memory_space<vmem>>, vector<16xi32>,
        %eq3A_1312 = arith.constant 1 : i32
        %eq3A_1313 = vector.broadcast %eq3A_1312 : i32 to vector<16xi32>
        %eq3A_1314 = arith.cmpi eq, %get3A_1311, %eq3A_1313 : vector<16xi32>
        %convert_element_type3A_1315 = arith.extui %eq3A_1314 : vector<16xi1> to vector<16xi32>
        %cumsum3A_1316 = arith.constant true
        %cumsum3A_1317 = vector.broadcast %cumsum3A_1316 : i1 to vector<16xi1>
        %cumsum3A_1318 = tpu.scan <sum>, %convert_element_type3A_1315 masked %cumsum3A_1317 : vector<16xi32>, vector<16xi1> -> vector<16xi32>
        %swap3A_1319 = arith.constant 32 : index
        %swap3A_1320 = tpu.vector_load %arg6[%swap3A_1319] {strides = array<i32>} : memref<256xi32, #tpu.memory_space<vmem>>, vector<16xi32>,
        tpu.vector_store %arg6[%swap3A_1319], %cumsum3A_1318 {strides = array<i32>} : memref<256xi32, #tpu.memory_space<vmem>>, vector<16xi32>,
        %get3A_1321 = arith.index_cast %add3A_1284 : i32 to index
        %get3A_1322 = arith.constant 48 : index
        %get3A_1323 = tpu.vector_load %arg5[%get3A_1321, %get3A_1322] {strides = array<i32>} : memref<16x256xi32, #tpu.memory_space<vmem>>, vector<16xi32>,
        %eq3A_1324 = arith.constant 1 : i32
        %eq3A_1325 = vector.broadcast %eq3A_1324 : i32 to vector<16xi32>
        %eq3A_1326 = arith.cmpi eq, %get3A_1323, %eq3A_1325 : vector<16xi32>
        %convert_element_type3A_1327 = arith.extui %eq3A_1326 : vector<16xi1> to vector<16xi32>
        %cumsum3A_1328 = arith.constant true
        %cumsum3A_1329 = vector.broadcast %cumsum3A_1328 : i1 to vector<16xi1>
        %cumsum3A_1330 = tpu.scan <sum>, %convert_element_type3A_1327 masked %cumsum3A_1329 : vector<16xi32>, vector<16xi1> -> vector<16xi32>
        %swap3A_1331 = arith.constant 48 : index
        %swap3A_1332 = tpu.vector_load %arg6[%swap3A_1331] {strides = array<i32>} : memref<256xi32, #tpu.memory_space<vmem>>, vector<16xi32>,
        tpu.vector_store %arg6[%swap3A_1331], %cumsum3A_1330 {strides = array<i32>} : memref<256xi32, #tpu.memory_space<vmem>>, vector<16xi32>,
        %get3A_1333 = arith.index_cast %add3A_1284 : i32 to index
        %get3A_1334 = arith.constant 64 : index
        %get3A_1335 = tpu.vector_load %arg5[%get3A_1333, %get3A_1334] {strides = array<i32>} : memref<16x256xi32, #tpu.memory_space<vmem>>, vector<16xi32>,
        %eq3A_1336 = arith.constant 1 : i32
        %eq3A_1337 = vector.broadcast %eq3A_1336 : i32 to vector<16xi32>
        %eq3A_1338 = arith.cmpi eq, %get3A_1335, %eq3A_1337 : vector<16xi32>
        %convert_element_type3A_1339 = arith.extui %eq3A_1338 : vector<16xi1> to vector<16xi32>
        %cumsum3A_1340 = arith.constant true
        %cumsum3A_1341 = vector.broadcast %cumsum3A_1340 : i1 to vector<16xi1>
        %cumsum3A_1342 = tpu.scan <sum>, %convert_element_type3A_1339 masked %cumsum3A_1341 : vector<16xi32>, vector<16xi1> -> vector<16xi32>
        %swap3A_1343 = arith.constant 64 : index
        %swap3A_1344 = tpu.vector_load %arg6[%swap3A_1343] {strides = array<i32>} : memref<256xi32, #tpu.memory_space<vmem>>, vector<16xi32>,
        tpu.vector_store %arg6[%swap3A_1343], %cumsum3A_1342 {strides = array<i32>} : memref<256xi32, #tpu.memory_space<vmem>>, vector<16xi32>,
        %get3A_1345 = arith.index_cast %add3A_1284 : i32 to index
        %get3A_1346 = arith.constant 80 : index
        %get3A_1347 = tpu.vector_load %arg5[%get3A_1345, %get3A_1346] {strides = array<i32>} : memref<16x256xi32, #tpu.memory_space<vmem>>, vector<16xi32>,
        %eq3A_1348 = arith.constant 1 : i32
        %eq3A_1349 = vector.broadcast %eq3A_1348 : i32 to vector<16xi32>
        %eq3A_1350 = arith.cmpi eq, %get3A_1347, %eq3A_1349 : vector<16xi32>
        %convert_element_type3A_1351 = arith.extui %eq3A_1350 : vector<16xi1> to vector<16xi32>
        %cumsum3A_1352 = arith.constant true
        %cumsum3A_1353 = vector.broadcast %cumsum3A_1352 : i1 to vector<16xi1>
        %cumsum3A_1354 = tpu.scan <sum>, %convert_element_type3A_1351 masked %cumsum3A_1353 : vector<16xi32>, vector<16xi1> -> vector<16xi32>
        %swap3A_1355 = arith.constant 80 : index
        %swap3A_1356 = tpu.vector_load %arg6[%swap3A_1355] {strides = array<i32>} : memref<256xi32, #tpu.memory_space<vmem>>, vector<16xi32>,
        tpu.vector_store %arg6[%swap3A_1355], %cumsum3A_1354 {strides = array<i32>} : memref<256xi32, #tpu.memory_space<vmem>>, vector<16xi32>,
        %get3A_1357 = arith.index_cast %add3A_1284 : i32 to index
        %get3A_1358 = arith.constant 96 : index
        %get3A_1359 = tpu.vector_load %arg5[%get3A_1357, %get3A_1358] {strides = array<i32>} : memref<16x256xi32, #tpu.memory_space<vmem>>, vector<16xi32>,
        %eq3A_1360 = arith.constant 1 : i32
        %eq3A_1361 = vector.broadcast %eq3A_1360 : i32 to vector<16xi32>
        %eq3A_1362 = arith.cmpi eq, %get3A_1359, %eq3A_1361 : vector<16xi32>
        %convert_element_type3A_1363 = arith.extui %eq3A_1362 : vector<16xi1> to vector<16xi32>
        %cumsum3A_1364 = arith.constant true
        %cumsum3A_1365 = vector.broadcast %cumsum3A_1364 : i1 to vector<16xi1>
        %cumsum3A_1366 = tpu.scan <sum>, %convert_element_type3A_1363 masked %cumsum3A_1365 : vector<16xi32>, vector<16xi1> -> vector<16xi32>
        %swap3A_1367 = arith.constant 96 : index
        %swap3A_1368 = tpu.vector_load %arg6[%swap3A_1367] {strides = array<i32>} : memref<256xi32, #tpu.memory_space<vmem>>, vector<16xi32>,
        tpu.vector_store %arg6[%swap3A_1367], %cumsum3A_1366 {strides = array<i32>} : memref<256xi32, #tpu.memory_space<vmem>>, vector<16xi32>,
        %get3A_1369 = arith.index_cast %add3A_1284 : i32 to index
        %get3A_1370 = arith.constant 112 : index
        %get3A_1371 = tpu.vector_load %arg5[%get3A_1369, %get3A_1370] {strides = array<i32>} : memref<16x256xi32, #tpu.memory_space<vmem>>, vector<16xi32>,
        %eq3A_1372 = arith.constant 1 : i32
        %eq3A_1373 = vector.broadcast %eq3A_1372 : i32 to vector<16xi32>
        %eq3A_1374 = arith.cmpi eq, %get3A_1371, %eq3A_1373 : vector<16xi32>
        %convert_element_type3A_1375 = arith.extui %eq3A_1374 : vector<16xi1> to vector<16xi32>
        %cumsum3A_1376 = arith.constant true
        %cumsum3A_1377 = vector.broadcast %cumsum3A_1376 : i1 to vector<16xi1>
        %cumsum3A_1378 = tpu.scan <sum>, %convert_element_type3A_1375 masked %cumsum3A_1377 : vector<16xi32>, vector<16xi1> -> vector<16xi32>
        %swap3A_1379 = arith.constant 112 : index
        %swap3A_1380 = tpu.vector_load %arg6[%swap3A_1379] {strides = array<i32>} : memref<256xi32, #tpu.memory_space<vmem>>, vector<16xi32>,
        tpu.vector_store %arg6[%swap3A_1379], %cumsum3A_1378 {strides = array<i32>} : memref<256xi32, #tpu.memory_space<vmem>>, vector<16xi32>,
        %get3A_1381 = arith.index_cast %add3A_1284 : i32 to index
        %get3A_1382 = arith.constant 128 : index
        %get3A_1383 = tpu.vector_load %arg5[%get3A_1381, %get3A_1382] {strides = array<i32>} : memref<16x256xi32, #tpu.memory_space<vmem>>, vector<16xi32>,
        %eq3A_1384 = arith.constant 1 : i32
        %eq3A_1385 = vector.broadcast %eq3A_1384 : i32 to vector<16xi32>
        %eq3A_1386 = arith.cmpi eq, %get3A_1383, %eq3A_1385 : vector<16xi32>
        %convert_element_type3A_1387 = arith.extui %eq3A_1386 : vector<16xi1> to vector<16xi32>
        %cumsum3A_1388 = arith.constant true
        %cumsum3A_1389 = vector.broadcast %cumsum3A_1388 : i1 to vector<16xi1>
        %cumsum3A_1390 = tpu.scan <sum>, %convert_element_type3A_1387 masked %cumsum3A_1389 : vector<16xi32>, vector<16xi1> -> vector<16xi32>
        %swap3A_1391 = arith.constant 128 : index
        %swap3A_1392 = tpu.vector_load %arg6[%swap3A_1391] {strides = array<i32>} : memref<256xi32, #tpu.memory_space<vmem>>, vector<16xi32>,
        tpu.vector_store %arg6[%swap3A_1391], %cumsum3A_1390 {strides = array<i32>} : memref<256xi32, #tpu.memory_space<vmem>>, vector<16xi32>,
        %get3A_1393 = arith.index_cast %add3A_1284 : i32 to index
        %get3A_1394 = arith.constant 144 : index
        %get3A_1395 = tpu.vector_load %arg5[%get3A_1393, %get3A_1394] {strides = array<i32>} : memref<16x256xi32, #tpu.memory_space<vmem>>, vector<16xi32>,
        %eq3A_1396 = arith.constant 1 : i32
        %eq3A_1397 = vector.broadcast %eq3A_1396 : i32 to vector<16xi32>
        %eq3A_1398 = arith.cmpi eq, %get3A_1395, %eq3A_1397 : vector<16xi32>
        %convert_element_type3A_1399 = arith.extui %eq3A_1398 : vector<16xi1> to vector<16xi32>
        %cumsum3A_1400 = arith.constant true
        %cumsum3A_1401 = vector.broadcast %cumsum3A_1400 : i1 to vector<16xi1>
        %cumsum3A_1402 = tpu.scan <sum>, %convert_element_type3A_1399 masked %cumsum3A_1401 : vector<16xi32>, vector<16xi1> -> vector<16xi32>
        %swap3A_1403 = arith.constant 144 : index
        %swap3A_1404 = tpu.vector_load %arg6[%swap3A_1403] {strides = array<i32>} : memref<256xi32, #tpu.memory_space<vmem>>, vector<16xi32>,
        tpu.vector_store %arg6[%swap3A_1403], %cumsum3A_1402 {strides = array<i32>} : memref<256xi32, #tpu.memory_space<vmem>>, vector<16xi32>,
        %get3A_1405 = arith.index_cast %add3A_1284 : i32 to index
        %get3A_1406 = arith.constant 160 : index
        %get3A_1407 = tpu.vector_load %arg5[%get3A_1405, %get3A_1406] {strides = array<i32>} : memref<16x256xi32, #tpu.memory_space<vmem>>, vector<16xi32>,
        %eq3A_1408 = arith.constant 1 : i32
        %eq3A_1409 = vector.broadcast %eq3A_1408 : i32 to vector<16xi32>
        %eq3A_1410 = arith.cmpi eq, %get3A_1407, %eq3A_1409 : vector<16xi32>
        %convert_element_type3A_1411 = arith.extui %eq3A_1410 : vector<16xi1> to vector<16xi32>
        %cumsum3A_1412 = arith.constant true
        %cumsum3A_1413 = vector.broadcast %cumsum3A_1412 : i1 to vector<16xi1>
        %cumsum3A_1414 = tpu.scan <sum>, %convert_element_type3A_1411 masked %cumsum3A_1413 : vector<16xi32>, vector<16xi1> -> vector<16xi32>
        %swap3A_1415 = arith.constant 160 : index
        %swap3A_1416 = tpu.vector_load %arg6[%swap3A_1415] {strides = array<i32>} : memref<256xi32, #tpu.memory_space<vmem>>, vector<16xi32>,
        tpu.vector_store %arg6[%swap3A_1415], %cumsum3A_1414 {strides = array<i32>} : memref<256xi32, #tpu.memory_space<vmem>>, vector<16xi32>,
        %get3A_1417 = arith.index_cast %add3A_1284 : i32 to index
        %get3A_1418 = arith.constant 176 : index
        %get3A_1419 = tpu.vector_load %arg5[%get3A_1417, %get3A_1418] {strides = array<i32>} : memref<16x256xi32, #tpu.memory_space<vmem>>, vector<16xi32>,
        %eq3A_1420 = arith.constant 1 : i32
        %eq3A_1421 = vector.broadcast %eq3A_1420 : i32 to vector<16xi32>
        %eq3A_1422 = arith.cmpi eq, %get3A_1419, %eq3A_1421 : vector<16xi32>
        %convert_element_type3A_1423 = arith.extui %eq3A_1422 : vector<16xi1> to vector<16xi32>
        %cumsum3A_1424 = arith.constant true
        %cumsum3A_1425 = vector.broadcast %cumsum3A_1424 : i1 to vector<16xi1>
        %cumsum3A_1426 = tpu.scan <sum>, %convert_element_type3A_1423 masked %cumsum3A_1425 : vector<16xi32>, vector<16xi1> -> vector<16xi32>
        %swap3A_1427 = arith.constant 176 : index
        %swap3A_1428 = tpu.vector_load %arg6[%swap3A_1427] {strides = array<i32>} : memref<256xi32, #tpu.memory_space<vmem>>, vector<16xi32>,
        tpu.vector_store %arg6[%swap3A_1427], %cumsum3A_1426 {strides = array<i32>} : memref<256xi32, #tpu.memory_space<vmem>>, vector<16xi32>,
        %get3A_1429 = arith.index_cast %add3A_1284 : i32 to index
        %get3A_1430 = arith.constant 192 : index
        %get3A_1431 = tpu.vector_load %arg5[%get3A_1429, %get3A_1430] {strides = array<i32>} : memref<16x256xi32, #tpu.memory_space<vmem>>, vector<16xi32>,
        %eq3A_1432 = arith.constant 1 : i32
        %eq3A_1433 = vector.broadcast %eq3A_1432 : i32 to vector<16xi32>
        %eq3A_1434 = arith.cmpi eq, %get3A_1431, %eq3A_1433 : vector<16xi32>
        %convert_element_type3A_1435 = arith.extui %eq3A_1434 : vector<16xi1> to vector<16xi32>
        %cumsum3A_1436 = arith.constant true
        %cumsum3A_1437 = vector.broadcast %cumsum3A_1436 : i1 to vector<16xi1>
        %cumsum3A_1438 = tpu.scan <sum>, %convert_element_type3A_1435 masked %cumsum3A_1437 : vector<16xi32>, vector<16xi1> -> vector<16xi32>
        %swap3A_1439 = arith.constant 192 : index
        %swap3A_1440 = tpu.vector_load %arg6[%swap3A_1439] {strides = array<i32>} : memref<256xi32, #tpu.memory_space<vmem>>, vector<16xi32>,
        tpu.vector_store %arg6[%swap3A_1439], %cumsum3A_1438 {strides = array<i32>} : memref<256xi32, #tpu.memory_space<vmem>>, vector<16xi32>,
        %get3A_1441 = arith.index_cast %add3A_1284 : i32 to index
        %get3A_1442 = arith.constant 208 : index
        %get3A_1443 = tpu.vector_load %arg5[%get3A_1441, %get3A_1442] {strides = array<i32>} : memref<16x256xi32, #tpu.memory_space<vmem>>, vector<16xi32>,
        %eq3A_1444 = arith.constant 1 : i32
        %eq3A_1445 = vector.broadcast %eq3A_1444 : i32 to vector<16xi32>
        %eq3A_1446 = arith.cmpi eq, %get3A_1443, %eq3A_1445 : vector<16xi32>
        %convert_element_type3A_1447 = arith.extui %eq3A_1446 : vector<16xi1> to vector<16xi32>
        %cumsum3A_1448 = arith.constant true
        %cumsum3A_1449 = vector.broadcast %cumsum3A_1448 : i1 to vector<16xi1>
        %cumsum3A_1450 = tpu.scan <sum>, %convert_element_type3A_1447 masked %cumsum3A_1449 : vector<16xi32>, vector<16xi1> -> vector<16xi32>
        %swap3A_1451 = arith.constant 208 : index
        %swap3A_1452 = tpu.vector_load %arg6[%swap3A_1451] {strides = array<i32>} : memref<256xi32, #tpu.memory_space<vmem>>, vector<16xi32>,
        tpu.vector_store %arg6[%swap3A_1451], %cumsum3A_1450 {strides = array<i32>} : memref<256xi32, #tpu.memory_space<vmem>>, vector<16xi32>,
        %get3A_1453 = arith.index_cast %add3A_1284 : i32 to index
        %get3A_1454 = arith.constant 224 : index
        %get3A_1455 = tpu.vector_load %arg5[%get3A_1453, %get3A_1454] {strides = array<i32>} : memref<16x256xi32, #tpu.memory_space<vmem>>, vector<16xi32>,
        %eq3A_1456 = arith.constant 1 : i32
        %eq3A_1457 = vector.broadcast %eq3A_1456 : i32 to vector<16xi32>
        %eq3A_1458 = arith.cmpi eq, %get3A_1455, %eq3A_1457 : vector<16xi32>
        %convert_element_type3A_1459 = arith.extui %eq3A_1458 : vector<16xi1> to vector<16xi32>
        %cumsum3A_1460 = arith.constant true
        %cumsum3A_1461 = vector.broadcast %cumsum3A_1460 : i1 to vector<16xi1>
        %cumsum3A_1462 = tpu.scan <sum>, %convert_element_type3A_1459 masked %cumsum3A_1461 : vector<16xi32>, vector<16xi1> -> vector<16xi32>
        %swap3A_1463 = arith.constant 224 : index
        %swap3A_1464 = tpu.vector_load %arg6[%swap3A_1463] {strides = array<i32>} : memref<256xi32, #tpu.memory_space<vmem>>, vector<16xi32>,
        tpu.vector_store %arg6[%swap3A_1463], %cumsum3A_1462 {strides = array<i32>} : memref<256xi32, #tpu.memory_space<vmem>>, vector<16xi32>,
        %get3A_1465 = arith.index_cast %add3A_1284 : i32 to index
        %get3A_1466 = arith.constant 240 : index
        %get3A_1467 = tpu.vector_load %arg5[%get3A_1465, %get3A_1466] {strides = array<i32>} : memref<16x256xi32, #tpu.memory_space<vmem>>, vector<16xi32>,
        %eq3A_1468 = arith.constant 1 : i32
        %eq3A_1469 = vector.broadcast %eq3A_1468 : i32 to vector<16xi32>
        %eq3A_1470 = arith.cmpi eq, %get3A_1467, %eq3A_1469 : vector<16xi32>
        %convert_element_type3A_1471 = arith.extui %eq3A_1470 : vector<16xi1> to vector<16xi32>
        %cumsum3A_1472 = arith.constant true
        %cumsum3A_1473 = vector.broadcast %cumsum3A_1472 : i1 to vector<16xi1>
        %cumsum3A_1474 = tpu.scan <sum>, %convert_element_type3A_1471 masked %cumsum3A_1473 : vector<16xi32>, vector<16xi1> -> vector<16xi32>
        %swap3A_1475 = arith.constant 240 : index
        %swap3A_1476 = tpu.vector_load %arg6[%swap3A_1475] {strides = array<i32>} : memref<256xi32, #tpu.memory_space<vmem>>, vector<16xi32>,
        tpu.vector_store %arg6[%swap3A_1475], %cumsum3A_1474 {strides = array<i32>} : memref<256xi32, #tpu.memory_space<vmem>>, vector<16xi32>,
        %mul3A_1477 = arith.constant 16 : i32
        %mul3A_1478 = vector.broadcast %mul3A_1477 : i32 to vector<16xi32>
        %mul3A_1479 = arith.muli %iota3A, %mul3A_1478 : vector<16xi32>
        %add3A_1480 = arith.constant 15 : i32
        %add3A_1481 = vector.broadcast %add3A_1480 : i32 to vector<16xi32>
        %add3A_1482 = arith.addi %mul3A_1479, %add3A_1481 : vector<16xi32>
        %gather3A_1483 = tpu.vector_load_idx %arg6[%add3A_1482] : memref<256xi32, #tpu.memory_space<vmem>>[vector<16xi32>], vector<16xi32>,
        %cumsum3A_1484 = arith.constant true
        %cumsum3A_1485 = vector.broadcast %cumsum3A_1484 : i1 to vector<16xi1>
        %cumsum3A_1486 = tpu.scan <sum>, %gather3A_1483 masked %cumsum3A_1485 : vector<16xi32>, vector<16xi1> -> vector<16xi32>
        %swap3A_1487 = arith.constant 0 : index
        %swap3A_1488 = tpu.vector_load %arg7[%swap3A_1487] {strides = array<i32>} : memref<48xi32, #tpu.memory_space<vmem>>, vector<16xi32>,
        tpu.vector_store %arg7[%swap3A_1487], %cumsum3A_1486 {strides = array<i32>} : memref<48xi32, #tpu.memory_space<vmem>>, vector<16xi32>,
        %broadcast_in_dim3A_1489 = arith.constant 15 : i32
        %broadcast_in_dim3A_1490 = vector.broadcast %broadcast_in_dim3A_1489 : i32 to vector<16xi32>
        %gather3A_1491 = tpu.vector_load_idx %arg7[%broadcast_in_dim3A_1490] : memref<48xi32, #tpu.memory_space<vmem>>[vector<16xi32>], vector<16xi32>,
        %sub3A_1492 = arith.subi %cumsum3A_1486, %gather3A_1483 : vector<16xi32>
        %swap3A_1493 = arith.constant 16 : index
        %swap3A_1494 = tpu.vector_load %arg7[%swap3A_1493] {strides = array<i32>} : memref<48xi32, #tpu.memory_space<vmem>>, vector<16xi32>,
        tpu.vector_store %arg7[%swap3A_1493], %sub3A_1492 {strides = array<i32>} : memref<48xi32, #tpu.memory_space<vmem>>, vector<16xi32>,
        %mul3A_1495 = arith.constant 16 : i32
        %mul3A_1496 = vector.broadcast %mul3A_1495 : i32 to vector<16xi32>
        %mul3A_1497 = arith.muli %iota3A, %mul3A_1496 : vector<16xi32>
        %add3A_1498 = arith.addi %gather3A_1491, %mul3A_1497 : vector<16xi32>
        %sub3A_1499 = arith.subi %add3A_1498, %sub3A_1492 : vector<16xi32>
        %swap3A_1500 = arith.constant 32 : index
        %swap3A_1501 = tpu.vector_load %arg7[%swap3A_1500] {strides = array<i32>} : memref<48xi32, #tpu.memory_space<vmem>>, vector<16xi32>,
        tpu.vector_store %arg7[%swap3A_1500], %sub3A_1499 {strides = array<i32>} : memref<48xi32, #tpu.memory_space<vmem>>, vector<16xi32>,
        %mul3A_1502 = arith.constant 256 : i32
        %mul3A_1503 = arith.muli %add3A_1284, %mul3A_1502 : i32
        %broadcast_in_dim3A_1504 = vector.broadcast %mul3A_1503 : i32 to vector<16xi32>
        %get3A_1505 = arith.index_cast %add3A_1284 : i32 to index
        %get3A_1506 = arith.constant 0 : index
        %get3A_1507 = tpu.vector_load %arg5[%get3A_1505, %get3A_1506] {strides = array<i32>} : memref<16x256xi32, #tpu.memory_space<vmem>>, vector<16xi32>,
        %eq3A_1508 = arith.constant 1 : i32
        %eq3A_1509 = vector.broadcast %eq3A_1508 : i32 to vector<16xi32>
        %eq3A_1510 = arith.cmpi eq, %get3A_1507, %eq3A_1509 : vector<16xi32>
        %not3A_1511 = arith.constant dense<true> : vector<16xi1>
        %not3A_1512 = arith.xori %eq3A_1510, %not3A_1511 : vector<16xi1>
        %add3A_1513 = arith.constant 0 : i32
        %add3A_1514 = vector.broadcast %add3A_1513 : i32 to vector<16xi32>
        %add3A_1515 = arith.addi %add3A_1514, %iota3A : vector<16xi32>
        %get3A_1516 = arith.constant 0 : index
        %get3A_1517 = tpu.vector_load %arg6[%get3A_1516] {strides = array<i32>} : memref<256xi32, #tpu.memory_space<vmem>>, vector<16xi32>,
        %add3A_1518 = arith.constant 1 : i32
        %add3A_1519 = vector.broadcast %add3A_1518 : i32 to vector<16xi32>
        %add3A_1520 = arith.addi %iota3A, %add3A_1519 : vector<16xi32>
        %sub3A_1521 = arith.subi %add3A_1520, %get3A_1517 : vector<16xi32>
        %broadcast_in_dim3A_1522 = arith.constant 16 : i32
        %broadcast_in_dim3A_1523 = vector.broadcast %broadcast_in_dim3A_1522 : i32 to vector<16xi32>
        %gather3A_1524 = tpu.vector_load_idx %arg7[%broadcast_in_dim3A_1523] : memref<48xi32, #tpu.memory_space<vmem>>[vector<16xi32>], vector<16xi32>,
        %broadcast_in_dim3A_1525 = arith.constant 32 : i32
        %broadcast_in_dim3A_1526 = vector.broadcast %broadcast_in_dim3A_1525 : i32 to vector<16xi32>
        %gather3A_1527 = tpu.vector_load_idx %arg7[%broadcast_in_dim3A_1526] : memref<48xi32, #tpu.memory_space<vmem>>[vector<16xi32>], vector<16xi32>,
        %add3A_1528 = arith.addi %gather3A_1524, %get3A_1517 : vector<16xi32>
        %sub3A_1529 = arith.constant 1 : i32
        %sub3A_1530 = vector.broadcast %sub3A_1529 : i32 to vector<16xi32>
        %sub3A_1531 = arith.subi %add3A_1528, %sub3A_1530 : vector<16xi32>
        %jit3A_1532 = arith.constant 0 : i32
        %broadcast_in_dim3A_1533 = vector.broadcast %jit3A_1532 : i32 to vector<16xi32>
        %select_n3A_1534 = arith.select %eq3A_1510, %sub3A_1531, %broadcast_in_dim3A_1533 : vector<16xi1>, vector<16xi32>
        %add3A_1535 = arith.addi %gather3A_1527, %sub3A_1521 : vector<16xi32>
        %sub3A_1536 = arith.constant 1 : i32
        %sub3A_1537 = vector.broadcast %sub3A_1536 : i32 to vector<16xi32>
        %sub3A_1538 = arith.subi %add3A_1535, %sub3A_1537 : vector<16xi32>
        %jit3A_1539 = arith.constant 0 : i32
        %broadcast_in_dim3A_1540 = vector.broadcast %jit3A_1539 : i32 to vector<16xi32>
        %select_n3A_1541 = arith.select %not3A_1512, %sub3A_1538, %broadcast_in_dim3A_1540 : vector<16xi1>, vector<16xi32>
        %add3A_1542 = arith.addi %broadcast_in_dim3A_1504, %select_n3A_1534 : vector<16xi32>
        tpu.vector_store_idx %arg8[%add3A_1542], %add3A_1515 masked %eq3A_1510 : memref<4096xi32, #tpu.memory_space<vmem>>[vector<16xi32>], vector<16xi32>, vector<16xi1>
        %add3A_1543 = arith.addi %broadcast_in_dim3A_1504, %select_n3A_1541 : vector<16xi32>
        %add3A_1544 = arith.constant 256 : i32
        %add3A_1545 = vector.broadcast %add3A_1544 : i32 to vector<16xi32>
        %add3A_1546 = arith.addi %add3A_1515, %add3A_1545 : vector<16xi32>
        tpu.vector_store_idx %arg8[%add3A_1543], %add3A_1546 masked %not3A_1512 : memref<4096xi32, #tpu.memory_space<vmem>>[vector<16xi32>], vector<16xi32>, vector<16xi1>
        %get3A_1547 = arith.index_cast %add3A_1284 : i32 to index
        %get3A_1548 = arith.constant 16 : index
        %get3A_1549 = tpu.vector_load %arg5[%get3A_1547, %get3A_1548] {strides = array<i32>} : memref<16x256xi32, #tpu.memory_space<vmem>>, vector<16xi32>,
        %eq3A_1550 = arith.constant 1 : i32
        %eq3A_1551 = vector.broadcast %eq3A_1550 : i32 to vector<16xi32>
        %eq3A_1552 = arith.cmpi eq, %get3A_1549, %eq3A_1551 : vector<16xi32>
        %not3A_1553 = arith.constant dense<true> : vector<16xi1>
        %not3A_1554 = arith.xori %eq3A_1552, %not3A_1553 : vector<16xi1>
        %add3A_1555 = arith.constant 16 : i32
        %add3A_1556 = vector.broadcast %add3A_1555 : i32 to vector<16xi32>
        %add3A_1557 = arith.addi %add3A_1556, %iota3A : vector<16xi32>
        %get3A_1558 = arith.constant 16 : index
        %get3A_1559 = tpu.vector_load %arg6[%get3A_1558] {strides = array<i32>} : memref<256xi32, #tpu.memory_space<vmem>>, vector<16xi32>,
        %add3A_1560 = arith.constant 1 : i32
        %add3A_1561 = vector.broadcast %add3A_1560 : i32 to vector<16xi32>
        %add3A_1562 = arith.addi %iota3A, %add3A_1561 : vector<16xi32>
        %sub3A_1563 = arith.subi %add3A_1562, %get3A_1559 : vector<16xi32>
        %broadcast_in_dim3A_1564 = arith.constant 17 : i32
        %broadcast_in_dim3A_1565 = vector.broadcast %broadcast_in_dim3A_1564 : i32 to vector<16xi32>
        %gather3A_1566 = tpu.vector_load_idx %arg7[%broadcast_in_dim3A_1565] : memref<48xi32, #tpu.memory_space<vmem>>[vector<16xi32>], vector<16xi32>,
        %broadcast_in_dim3A_1567 = arith.constant 33 : i32
        %broadcast_in_dim3A_1568 = vector.broadcast %broadcast_in_dim3A_1567 : i32 to vector<16xi32>
        %gather3A_1569 = tpu.vector_load_idx %arg7[%broadcast_in_dim3A_1568] : memref<48xi32, #tpu.memory_space<vmem>>[vector<16xi32>], vector<16xi32>,
        %add3A_1570 = arith.addi %gather3A_1566, %get3A_1559 : vector<16xi32>
        %sub3A_1571 = arith.constant 1 : i32
        %sub3A_1572 = vector.broadcast %sub3A_1571 : i32 to vector<16xi32>
        %sub3A_1573 = arith.subi %add3A_1570, %sub3A_1572 : vector<16xi32>
        %jit3A_1574 = arith.constant 0 : i32
        %broadcast_in_dim3A_1575 = vector.broadcast %jit3A_1574 : i32 to vector<16xi32>
        %select_n3A_1576 = arith.select %eq3A_1552, %sub3A_1573, %broadcast_in_dim3A_1575 : vector<16xi1>, vector<16xi32>
        %add3A_1577 = arith.addi %gather3A_1569, %sub3A_1563 : vector<16xi32>
        %sub3A_1578 = arith.constant 1 : i32
        %sub3A_1579 = vector.broadcast %sub3A_1578 : i32 to vector<16xi32>
        %sub3A_1580 = arith.subi %add3A_1577, %sub3A_1579 : vector<16xi32>
        %jit3A_1581 = arith.constant 0 : i32
        %broadcast_in_dim3A_1582 = vector.broadcast %jit3A_1581 : i32 to vector<16xi32>
        %select_n3A_1583 = arith.select %not3A_1554, %sub3A_1580, %broadcast_in_dim3A_1582 : vector<16xi1>, vector<16xi32>
        %add3A_1584 = arith.addi %broadcast_in_dim3A_1504, %select_n3A_1576 : vector<16xi32>
        tpu.vector_store_idx %arg8[%add3A_1584], %add3A_1557 masked %eq3A_1552 : memref<4096xi32, #tpu.memory_space<vmem>>[vector<16xi32>], vector<16xi32>, vector<16xi1>
        %add3A_1585 = arith.addi %broadcast_in_dim3A_1504, %select_n3A_1583 : vector<16xi32>
        %add3A_1586 = arith.constant 256 : i32
        %add3A_1587 = vector.broadcast %add3A_1586 : i32 to vector<16xi32>
        %add3A_1588 = arith.addi %add3A_1557, %add3A_1587 : vector<16xi32>
        tpu.vector_store_idx %arg8[%add3A_1585], %add3A_1588 masked %not3A_1554 : memref<4096xi32, #tpu.memory_space<vmem>>[vector<16xi32>], vector<16xi32>, vector<16xi1>
        %get3A_1589 = arith.index_cast %add3A_1284 : i32 to index
        %get3A_1590 = arith.constant 32 : index
        %get3A_1591 = tpu.vector_load %arg5[%get3A_1589, %get3A_1590] {strides = array<i32>} : memref<16x256xi32, #tpu.memory_space<vmem>>, vector<16xi32>,
        %eq3A_1592 = arith.constant 1 : i32
        %eq3A_1593 = vector.broadcast %eq3A_1592 : i32 to vector<16xi32>
        %eq3A_1594 = arith.cmpi eq, %get3A_1591, %eq3A_1593 : vector<16xi32>
        %not3A_1595 = arith.constant dense<true> : vector<16xi1>
        %not3A_1596 = arith.xori %eq3A_1594, %not3A_1595 : vector<16xi1>
        %add3A_1597 = arith.constant 32 : i32
        %add3A_1598 = vector.broadcast %add3A_1597 : i32 to vector<16xi32>
        %add3A_1599 = arith.addi %add3A_1598, %iota3A : vector<16xi32>
        %get3A_1600 = arith.constant 32 : index
        %get3A_1601 = tpu.vector_load %arg6[%get3A_1600] {strides = array<i32>} : memref<256xi32, #tpu.memory_space<vmem>>, vector<16xi32>,
        %add3A_1602 = arith.constant 1 : i32
        %add3A_1603 = vector.broadcast %add3A_1602 : i32 to vector<16xi32>
        %add3A_1604 = arith.addi %iota3A, %add3A_1603 : vector<16xi32>
        %sub3A_1605 = arith.subi %add3A_1604, %get3A_1601 : vector<16xi32>
        %broadcast_in_dim3A_1606 = arith.constant 18 : i32
        %broadcast_in_dim3A_1607 = vector.broadcast %broadcast_in_dim3A_1606 : i32 to vector<16xi32>
        %gather3A_1608 = tpu.vector_load_idx %arg7[%broadcast_in_dim3A_1607] : memref<48xi32, #tpu.memory_space<vmem>>[vector<16xi32>], vector<16xi32>,
        %broadcast_in_dim3A_1609 = arith.constant 34 : i32
        %broadcast_in_dim3A_1610 = vector.broadcast %broadcast_in_dim3A_1609 : i32 to vector<16xi32>
        %gather3A_1611 = tpu.vector_load_idx %arg7[%broadcast_in_dim3A_1610] : memref<48xi32, #tpu.memory_space<vmem>>[vector<16xi32>], vector<16xi32>,
        %add3A_1612 = arith.addi %gather3A_1608, %get3A_1601 : vector<16xi32>
        %sub3A_1613 = arith.constant 1 : i32
        %sub3A_1614 = vector.broadcast %sub3A_1613 : i32 to vector<16xi32>
        %sub3A_1615 = arith.subi %add3A_1612, %sub3A_1614 : vector<16xi32>
        %jit3A_1616 = arith.constant 0 : i32
        %broadcast_in_dim3A_1617 = vector.broadcast %jit3A_1616 : i32 to vector<16xi32>
        %select_n3A_1618 = arith.select %eq3A_1594, %sub3A_1615, %broadcast_in_dim3A_1617 : vector<16xi1>, vector<16xi32>
        %add3A_1619 = arith.addi %gather3A_1611, %sub3A_1605 : vector<16xi32>
        %sub3A_1620 = arith.constant 1 : i32
        %sub3A_1621 = vector.broadcast %sub3A_1620 : i32 to vector<16xi32>
        %sub3A_1622 = arith.subi %add3A_1619, %sub3A_1621 : vector<16xi32>
        %jit3A_1623 = arith.constant 0 : i32
        %broadcast_in_dim3A_1624 = vector.broadcast %jit3A_1623 : i32 to vector<16xi32>
        %select_n3A_1625 = arith.select %not3A_1596, %sub3A_1622, %broadcast_in_dim3A_1624 : vector<16xi1>, vector<16xi32>
        %add3A_1626 = arith.addi %broadcast_in_dim3A_1504, %select_n3A_1618 : vector<16xi32>
        tpu.vector_store_idx %arg8[%add3A_1626], %add3A_1599 masked %eq3A_1594 : memref<4096xi32, #tpu.memory_space<vmem>>[vector<16xi32>], vector<16xi32>, vector<16xi1>
        %add3A_1627 = arith.addi %broadcast_in_dim3A_1504, %select_n3A_1625 : vector<16xi32>
        %add3A_1628 = arith.constant 256 : i32
        %add3A_1629 = vector.broadcast %add3A_1628 : i32 to vector<16xi32>
        %add3A_1630 = arith.addi %add3A_1599, %add3A_1629 : vector<16xi32>
        tpu.vector_store_idx %arg8[%add3A_1627], %add3A_1630 masked %not3A_1596 : memref<4096xi32, #tpu.memory_space<vmem>>[vector<16xi32>], vector<16xi32>, vector<16xi1>
        %get3A_1631 = arith.index_cast %add3A_1284 : i32 to index
        %get3A_1632 = arith.constant 48 : index
        %get3A_1633 = tpu.vector_load %arg5[%get3A_1631, %get3A_1632] {strides = array<i32>} : memref<16x256xi32, #tpu.memory_space<vmem>>, vector<16xi32>,
        %eq3A_1634 = arith.constant 1 : i32
        %eq3A_1635 = vector.broadcast %eq3A_1634 : i32 to vector<16xi32>
        %eq3A_1636 = arith.cmpi eq, %get3A_1633, %eq3A_1635 : vector<16xi32>
        %not3A_1637 = arith.constant dense<true> : vector<16xi1>
        %not3A_1638 = arith.xori %eq3A_1636, %not3A_1637 : vector<16xi1>
        %add3A_1639 = arith.constant 48 : i32
        %add3A_1640 = vector.broadcast %add3A_1639 : i32 to vector<16xi32>
        %add3A_1641 = arith.addi %add3A_1640, %iota3A : vector<16xi32>
        %get3A_1642 = arith.constant 48 : index
        %get3A_1643 = tpu.vector_load %arg6[%get3A_1642] {strides = array<i32>} : memref<256xi32, #tpu.memory_space<vmem>>, vector<16xi32>,
        %add3A_1644 = arith.constant 1 : i32
        %add3A_1645 = vector.broadcast %add3A_1644 : i32 to vector<16xi32>
        %add3A_1646 = arith.addi %iota3A, %add3A_1645 : vector<16xi32>
        %sub3A_1647 = arith.subi %add3A_1646, %get3A_1643 : vector<16xi32>
        %broadcast_in_dim3A_1648 = arith.constant 19 : i32
        %broadcast_in_dim3A_1649 = vector.broadcast %broadcast_in_dim3A_1648 : i32 to vector<16xi32>
        %gather3A_1650 = tpu.vector_load_idx %arg7[%broadcast_in_dim3A_1649] : memref<48xi32, #tpu.memory_space<vmem>>[vector<16xi32>], vector<16xi32>,
        %broadcast_in_dim3A_1651 = arith.constant 35 : i32
        %broadcast_in_dim3A_1652 = vector.broadcast %broadcast_in_dim3A_1651 : i32 to vector<16xi32>
        %gather3A_1653 = tpu.vector_load_idx %arg7[%broadcast_in_dim3A_1652] : memref<48xi32, #tpu.memory_space<vmem>>[vector<16xi32>], vector<16xi32>,
        %add3A_1654 = arith.addi %gather3A_1650, %get3A_1643 : vector<16xi32>
        %sub3A_1655 = arith.constant 1 : i32
        %sub3A_1656 = vector.broadcast %sub3A_1655 : i32 to vector<16xi32>
        %sub3A_1657 = arith.subi %add3A_1654, %sub3A_1656 : vector<16xi32>
        %jit3A_1658 = arith.constant 0 : i32
        %broadcast_in_dim3A_1659 = vector.broadcast %jit3A_1658 : i32 to vector<16xi32>
        %select_n3A_1660 = arith.select %eq3A_1636, %sub3A_1657, %broadcast_in_dim3A_1659 : vector<16xi1>, vector<16xi32>
        %add3A_1661 = arith.addi %gather3A_1653, %sub3A_1647 : vector<16xi32>
        %sub3A_1662 = arith.constant 1 : i32
        %sub3A_1663 = vector.broadcast %sub3A_1662 : i32 to vector<16xi32>
        %sub3A_1664 = arith.subi %add3A_1661, %sub3A_1663 : vector<16xi32>
        %jit3A_1665 = arith.constant 0 : i32
        %broadcast_in_dim3A_1666 = vector.broadcast %jit3A_1665 : i32 to vector<16xi32>
        %select_n3A_1667 = arith.select %not3A_1638, %sub3A_1664, %broadcast_in_dim3A_1666 : vector<16xi1>, vector<16xi32>
        %add3A_1668 = arith.addi %broadcast_in_dim3A_1504, %select_n3A_1660 : vector<16xi32>
        tpu.vector_store_idx %arg8[%add3A_1668], %add3A_1641 masked %eq3A_1636 : memref<4096xi32, #tpu.memory_space<vmem>>[vector<16xi32>], vector<16xi32>, vector<16xi1>
        %add3A_1669 = arith.addi %broadcast_in_dim3A_1504, %select_n3A_1667 : vector<16xi32>
        %add3A_1670 = arith.constant 256 : i32
        %add3A_1671 = vector.broadcast %add3A_1670 : i32 to vector<16xi32>
        %add3A_1672 = arith.addi %add3A_1641, %add3A_1671 : vector<16xi32>
        tpu.vector_store_idx %arg8[%add3A_1669], %add3A_1672 masked %not3A_1638 : memref<4096xi32, #tpu.memory_space<vmem>>[vector<16xi32>], vector<16xi32>, vector<16xi1>
        %get3A_1673 = arith.index_cast %add3A_1284 : i32 to index
        %get3A_1674 = arith.constant 64 : index
        %get3A_1675 = tpu.vector_load %arg5[%get3A_1673, %get3A_1674] {strides = array<i32>} : memref<16x256xi32, #tpu.memory_space<vmem>>, vector<16xi32>,
        %eq3A_1676 = arith.constant 1 : i32
        %eq3A_1677 = vector.broadcast %eq3A_1676 : i32 to vector<16xi32>
        %eq3A_1678 = arith.cmpi eq, %get3A_1675, %eq3A_1677 : vector<16xi32>
        %not3A_1679 = arith.constant dense<true> : vector<16xi1>
        %not3A_1680 = arith.xori %eq3A_1678, %not3A_1679 : vector<16xi1>
        %add3A_1681 = arith.constant 64 : i32
        %add3A_1682 = vector.broadcast %add3A_1681 : i32 to vector<16xi32>
        %add3A_1683 = arith.addi %add3A_1682, %iota3A : vector<16xi32>
        %get3A_1684 = arith.constant 64 : index
        %get3A_1685 = tpu.vector_load %arg6[%get3A_1684] {strides = array<i32>} : memref<256xi32, #tpu.memory_space<vmem>>, vector<16xi32>,
        %add3A_1686 = arith.constant 1 : i32
        %add3A_1687 = vector.broadcast %add3A_1686 : i32 to vector<16xi32>
        %add3A_1688 = arith.addi %iota3A, %add3A_1687 : vector<16xi32>
        %sub3A_1689 = arith.subi %add3A_1688, %get3A_1685 : vector<16xi32>
        %broadcast_in_dim3A_1690 = arith.constant 20 : i32
        %broadcast_in_dim3A_1691 = vector.broadcast %broadcast_in_dim3A_1690 : i32 to vector<16xi32>
        %gather3A_1692 = tpu.vector_load_idx %arg7[%broadcast_in_dim3A_1691] : memref<48xi32, #tpu.memory_space<vmem>>[vector<16xi32>], vector<16xi32>,
        %broadcast_in_dim3A_1693 = arith.constant 36 : i32
        %broadcast_in_dim3A_1694 = vector.broadcast %broadcast_in_dim3A_1693 : i32 to vector<16xi32>
        %gather3A_1695 = tpu.vector_load_idx %arg7[%broadcast_in_dim3A_1694] : memref<48xi32, #tpu.memory_space<vmem>>[vector<16xi32>], vector<16xi32>,
        %add3A_1696 = arith.addi %gather3A_1692, %get3A_1685 : vector<16xi32>
        %sub3A_1697 = arith.constant 1 : i32
        %sub3A_1698 = vector.broadcast %sub3A_1697 : i32 to vector<16xi32>
        %sub3A_1699 = arith.subi %add3A_1696, %sub3A_1698 : vector<16xi32>
        %jit3A_1700 = arith.constant 0 : i32
        %broadcast_in_dim3A_1701 = vector.broadcast %jit3A_1700 : i32 to vector<16xi32>
        %select_n3A_1702 = arith.select %eq3A_1678, %sub3A_1699, %broadcast_in_dim3A_1701 : vector<16xi1>, vector<16xi32>
        %add3A_1703 = arith.addi %gather3A_1695, %sub3A_1689 : vector<16xi32>
        %sub3A_1704 = arith.constant 1 : i32
        %sub3A_1705 = vector.broadcast %sub3A_1704 : i32 to vector<16xi32>
        %sub3A_1706 = arith.subi %add3A_1703, %sub3A_1705 : vector<16xi32>
        %jit3A_1707 = arith.constant 0 : i32
        %broadcast_in_dim3A_1708 = vector.broadcast %jit3A_1707 : i32 to vector<16xi32>
        %select_n3A_1709 = arith.select %not3A_1680, %sub3A_1706, %broadcast_in_dim3A_1708 : vector<16xi1>, vector<16xi32>
        %add3A_1710 = arith.addi %broadcast_in_dim3A_1504, %select_n3A_1702 : vector<16xi32>
        tpu.vector_store_idx %arg8[%add3A_1710], %add3A_1683 masked %eq3A_1678 : memref<4096xi32, #tpu.memory_space<vmem>>[vector<16xi32>], vector<16xi32>, vector<16xi1>
        %add3A_1711 = arith.addi %broadcast_in_dim3A_1504, %select_n3A_1709 : vector<16xi32>
        %add3A_1712 = arith.constant 256 : i32
        %add3A_1713 = vector.broadcast %add3A_1712 : i32 to vector<16xi32>
        %add3A_1714 = arith.addi %add3A_1683, %add3A_1713 : vector<16xi32>
        tpu.vector_store_idx %arg8[%add3A_1711], %add3A_1714 masked %not3A_1680 : memref<4096xi32, #tpu.memory_space<vmem>>[vector<16xi32>], vector<16xi32>, vector<16xi1>
        %get3A_1715 = arith.index_cast %add3A_1284 : i32 to index
        %get3A_1716 = arith.constant 80 : index
        %get3A_1717 = tpu.vector_load %arg5[%get3A_1715, %get3A_1716] {strides = array<i32>} : memref<16x256xi32, #tpu.memory_space<vmem>>, vector<16xi32>,
        %eq3A_1718 = arith.constant 1 : i32
        %eq3A_1719 = vector.broadcast %eq3A_1718 : i32 to vector<16xi32>
        %eq3A_1720 = arith.cmpi eq, %get3A_1717, %eq3A_1719 : vector<16xi32>
        %not3A_1721 = arith.constant dense<true> : vector<16xi1>
        %not3A_1722 = arith.xori %eq3A_1720, %not3A_1721 : vector<16xi1>
        %add3A_1723 = arith.constant 80 : i32
        %add3A_1724 = vector.broadcast %add3A_1723 : i32 to vector<16xi32>
        %add3A_1725 = arith.addi %add3A_1724, %iota3A : vector<16xi32>
        %get3A_1726 = arith.constant 80 : index
        %get3A_1727 = tpu.vector_load %arg6[%get3A_1726] {strides = array<i32>} : memref<256xi32, #tpu.memory_space<vmem>>, vector<16xi32>,
        %add3A_1728 = arith.constant 1 : i32
        %add3A_1729 = vector.broadcast %add3A_1728 : i32 to vector<16xi32>
        %add3A_1730 = arith.addi %iota3A, %add3A_1729 : vector<16xi32>
        %sub3A_1731 = arith.subi %add3A_1730, %get3A_1727 : vector<16xi32>
        %broadcast_in_dim3A_1732 = arith.constant 21 : i32
        %broadcast_in_dim3A_1733 = vector.broadcast %broadcast_in_dim3A_1732 : i32 to vector<16xi32>
        %gather3A_1734 = tpu.vector_load_idx %arg7[%broadcast_in_dim3A_1733] : memref<48xi32, #tpu.memory_space<vmem>>[vector<16xi32>], vector<16xi32>,
        %broadcast_in_dim3A_1735 = arith.constant 37 : i32
        %broadcast_in_dim3A_1736 = vector.broadcast %broadcast_in_dim3A_1735 : i32 to vector<16xi32>
        %gather3A_1737 = tpu.vector_load_idx %arg7[%broadcast_in_dim3A_1736] : memref<48xi32, #tpu.memory_space<vmem>>[vector<16xi32>], vector<16xi32>,
        %add3A_1738 = arith.addi %gather3A_1734, %get3A_1727 : vector<16xi32>
        %sub3A_1739 = arith.constant 1 : i32
        %sub3A_1740 = vector.broadcast %sub3A_1739 : i32 to vector<16xi32>
        %sub3A_1741 = arith.subi %add3A_1738, %sub3A_1740 : vector<16xi32>
        %jit3A_1742 = arith.constant 0 : i32
        %broadcast_in_dim3A_1743 = vector.broadcast %jit3A_1742 : i32 to vector<16xi32>
        %select_n3A_1744 = arith.select %eq3A_1720, %sub3A_1741, %broadcast_in_dim3A_1743 : vector<16xi1>, vector<16xi32>
        %add3A_1745 = arith.addi %gather3A_1737, %sub3A_1731 : vector<16xi32>
        %sub3A_1746 = arith.constant 1 : i32
        %sub3A_1747 = vector.broadcast %sub3A_1746 : i32 to vector<16xi32>
        %sub3A_1748 = arith.subi %add3A_1745, %sub3A_1747 : vector<16xi32>
        %jit3A_1749 = arith.constant 0 : i32
        %broadcast_in_dim3A_1750 = vector.broadcast %jit3A_1749 : i32 to vector<16xi32>
        %select_n3A_1751 = arith.select %not3A_1722, %sub3A_1748, %broadcast_in_dim3A_1750 : vector<16xi1>, vector<16xi32>
        %add3A_1752 = arith.addi %broadcast_in_dim3A_1504, %select_n3A_1744 : vector<16xi32>
        tpu.vector_store_idx %arg8[%add3A_1752], %add3A_1725 masked %eq3A_1720 : memref<4096xi32, #tpu.memory_space<vmem>>[vector<16xi32>], vector<16xi32>, vector<16xi1>
        %add3A_1753 = arith.addi %broadcast_in_dim3A_1504, %select_n3A_1751 : vector<16xi32>
        %add3A_1754 = arith.constant 256 : i32
        %add3A_1755 = vector.broadcast %add3A_1754 : i32 to vector<16xi32>
        %add3A_1756 = arith.addi %add3A_1725, %add3A_1755 : vector<16xi32>
        tpu.vector_store_idx %arg8[%add3A_1753], %add3A_1756 masked %not3A_1722 : memref<4096xi32, #tpu.memory_space<vmem>>[vector<16xi32>], vector<16xi32>, vector<16xi1>
        %get3A_1757 = arith.index_cast %add3A_1284 : i32 to index
        %get3A_1758 = arith.constant 96 : index
        %get3A_1759 = tpu.vector_load %arg5[%get3A_1757, %get3A_1758] {strides = array<i32>} : memref<16x256xi32, #tpu.memory_space<vmem>>, vector<16xi32>,
        %eq3A_1760 = arith.constant 1 : i32
        %eq3A_1761 = vector.broadcast %eq3A_1760 : i32 to vector<16xi32>
        %eq3A_1762 = arith.cmpi eq, %get3A_1759, %eq3A_1761 : vector<16xi32>
        %not3A_1763 = arith.constant dense<true> : vector<16xi1>
        %not3A_1764 = arith.xori %eq3A_1762, %not3A_1763 : vector<16xi1>
        %add3A_1765 = arith.constant 96 : i32
        %add3A_1766 = vector.broadcast %add3A_1765 : i32 to vector<16xi32>
        %add3A_1767 = arith.addi %add3A_1766, %iota3A : vector<16xi32>
        %get3A_1768 = arith.constant 96 : index
        %get3A_1769 = tpu.vector_load %arg6[%get3A_1768] {strides = array<i32>} : memref<256xi32, #tpu.memory_space<vmem>>, vector<16xi32>,
        %add3A_1770 = arith.constant 1 : i32
        %add3A_1771 = vector.broadcast %add3A_1770 : i32 to vector<16xi32>
        %add3A_1772 = arith.addi %iota3A, %add3A_1771 : vector<16xi32>
        %sub3A_1773 = arith.subi %add3A_1772, %get3A_1769 : vector<16xi32>
        %broadcast_in_dim3A_1774 = arith.constant 22 : i32
        %broadcast_in_dim3A_1775 = vector.broadcast %broadcast_in_dim3A_1774 : i32 to vector<16xi32>
        %gather3A_1776 = tpu.vector_load_idx %arg7[%broadcast_in_dim3A_1775] : memref<48xi32, #tpu.memory_space<vmem>>[vector<16xi32>], vector<16xi32>,
        %broadcast_in_dim3A_1777 = arith.constant 38 : i32
        %broadcast_in_dim3A_1778 = vector.broadcast %broadcast_in_dim3A_1777 : i32 to vector<16xi32>
        %gather3A_1779 = tpu.vector_load_idx %arg7[%broadcast_in_dim3A_1778] : memref<48xi32, #tpu.memory_space<vmem>>[vector<16xi32>], vector<16xi32>,
        %add3A_1780 = arith.addi %gather3A_1776, %get3A_1769 : vector<16xi32>
        %sub3A_1781 = arith.constant 1 : i32
        %sub3A_1782 = vector.broadcast %sub3A_1781 : i32 to vector<16xi32>
        %sub3A_1783 = arith.subi %add3A_1780, %sub3A_1782 : vector<16xi32>
        %jit3A_1784 = arith.constant 0 : i32
        %broadcast_in_dim3A_1785 = vector.broadcast %jit3A_1784 : i32 to vector<16xi32>
        %select_n3A_1786 = arith.select %eq3A_1762, %sub3A_1783, %broadcast_in_dim3A_1785 : vector<16xi1>, vector<16xi32>
        %add3A_1787 = arith.addi %gather3A_1779, %sub3A_1773 : vector<16xi32>
        %sub3A_1788 = arith.constant 1 : i32
        %sub3A_1789 = vector.broadcast %sub3A_1788 : i32 to vector<16xi32>
        %sub3A_1790 = arith.subi %add3A_1787, %sub3A_1789 : vector<16xi32>
        %jit3A_1791 = arith.constant 0 : i32
        %broadcast_in_dim3A_1792 = vector.broadcast %jit3A_1791 : i32 to vector<16xi32>
        %select_n3A_1793 = arith.select %not3A_1764, %sub3A_1790, %broadcast_in_dim3A_1792 : vector<16xi1>, vector<16xi32>
        %add3A_1794 = arith.addi %broadcast_in_dim3A_1504, %select_n3A_1786 : vector<16xi32>
        tpu.vector_store_idx %arg8[%add3A_1794], %add3A_1767 masked %eq3A_1762 : memref<4096xi32, #tpu.memory_space<vmem>>[vector<16xi32>], vector<16xi32>, vector<16xi1>
        %add3A_1795 = arith.addi %broadcast_in_dim3A_1504, %select_n3A_1793 : vector<16xi32>
        %add3A_1796 = arith.constant 256 : i32
        %add3A_1797 = vector.broadcast %add3A_1796 : i32 to vector<16xi32>
        %add3A_1798 = arith.addi %add3A_1767, %add3A_1797 : vector<16xi32>
        tpu.vector_store_idx %arg8[%add3A_1795], %add3A_1798 masked %not3A_1764 : memref<4096xi32, #tpu.memory_space<vmem>>[vector<16xi32>], vector<16xi32>, vector<16xi1>
        %get3A_1799 = arith.index_cast %add3A_1284 : i32 to index
        %get3A_1800 = arith.constant 112 : index
        %get3A_1801 = tpu.vector_load %arg5[%get3A_1799, %get3A_1800] {strides = array<i32>} : memref<16x256xi32, #tpu.memory_space<vmem>>, vector<16xi32>,
        %eq3A_1802 = arith.constant 1 : i32
        %eq3A_1803 = vector.broadcast %eq3A_1802 : i32 to vector<16xi32>
        %eq3A_1804 = arith.cmpi eq, %get3A_1801, %eq3A_1803 : vector<16xi32>
        %not3A_1805 = arith.constant dense<true> : vector<16xi1>
        %not3A_1806 = arith.xori %eq3A_1804, %not3A_1805 : vector<16xi1>
        %add3A_1807 = arith.constant 112 : i32
        %add3A_1808 = vector.broadcast %add3A_1807 : i32 to vector<16xi32>
        %add3A_1809 = arith.addi %add3A_1808, %iota3A : vector<16xi32>
        %get3A_1810 = arith.constant 112 : index
        %get3A_1811 = tpu.vector_load %arg6[%get3A_1810] {strides = array<i32>} : memref<256xi32, #tpu.memory_space<vmem>>, vector<16xi32>,
        %add3A_1812 = arith.constant 1 : i32
        %add3A_1813 = vector.broadcast %add3A_1812 : i32 to vector<16xi32>
        %add3A_1814 = arith.addi %iota3A, %add3A_1813 : vector<16xi32>
        %sub3A_1815 = arith.subi %add3A_1814, %get3A_1811 : vector<16xi32>
        %broadcast_in_dim3A_1816 = arith.constant 23 : i32
        %broadcast_in_dim3A_1817 = vector.broadcast %broadcast_in_dim3A_1816 : i32 to vector<16xi32>
        %gather3A_1818 = tpu.vector_load_idx %arg7[%broadcast_in_dim3A_1817] : memref<48xi32, #tpu.memory_space<vmem>>[vector<16xi32>], vector<16xi32>,
        %broadcast_in_dim3A_1819 = arith.constant 39 : i32
        %broadcast_in_dim3A_1820 = vector.broadcast %broadcast_in_dim3A_1819 : i32 to vector<16xi32>
        %gather3A_1821 = tpu.vector_load_idx %arg7[%broadcast_in_dim3A_1820] : memref<48xi32, #tpu.memory_space<vmem>>[vector<16xi32>], vector<16xi32>,
        %add3A_1822 = arith.addi %gather3A_1818, %get3A_1811 : vector<16xi32>
        %sub3A_1823 = arith.constant 1 : i32
        %sub3A_1824 = vector.broadcast %sub3A_1823 : i32 to vector<16xi32>
        %sub3A_1825 = arith.subi %add3A_1822, %sub3A_1824 : vector<16xi32>
        %jit3A_1826 = arith.constant 0 : i32
        %broadcast_in_dim3A_1827 = vector.broadcast %jit3A_1826 : i32 to vector<16xi32>
        %select_n3A_1828 = arith.select %eq3A_1804, %sub3A_1825, %broadcast_in_dim3A_1827 : vector<16xi1>, vector<16xi32>
        %add3A_1829 = arith.addi %gather3A_1821, %sub3A_1815 : vector<16xi32>
        %sub3A_1830 = arith.constant 1 : i32
        %sub3A_1831 = vector.broadcast %sub3A_1830 : i32 to vector<16xi32>
        %sub3A_1832 = arith.subi %add3A_1829, %sub3A_1831 : vector<16xi32>
        %jit3A_1833 = arith.constant 0 : i32
        %broadcast_in_dim3A_1834 = vector.broadcast %jit3A_1833 : i32 to vector<16xi32>
        %select_n3A_1835 = arith.select %not3A_1806, %sub3A_1832, %broadcast_in_dim3A_1834 : vector<16xi1>, vector<16xi32>
        %add3A_1836 = arith.addi %broadcast_in_dim3A_1504, %select_n3A_1828 : vector<16xi32>
        tpu.vector_store_idx %arg8[%add3A_1836], %add3A_1809 masked %eq3A_1804 : memref<4096xi32, #tpu.memory_space<vmem>>[vector<16xi32>], vector<16xi32>, vector<16xi1>
        %add3A_1837 = arith.addi %broadcast_in_dim3A_1504, %select_n3A_1835 : vector<16xi32>
        %add3A_1838 = arith.constant 256 : i32
        %add3A_1839 = vector.broadcast %add3A_1838 : i32 to vector<16xi32>
        %add3A_1840 = arith.addi %add3A_1809, %add3A_1839 : vector<16xi32>
        tpu.vector_store_idx %arg8[%add3A_1837], %add3A_1840 masked %not3A_1806 : memref<4096xi32, #tpu.memory_space<vmem>>[vector<16xi32>], vector<16xi32>, vector<16xi1>
        %get3A_1841 = arith.index_cast %add3A_1284 : i32 to index
        %get3A_1842 = arith.constant 128 : index
        %get3A_1843 = tpu.vector_load %arg5[%get3A_1841, %get3A_1842] {strides = array<i32>} : memref<16x256xi32, #tpu.memory_space<vmem>>, vector<16xi32>,
        %eq3A_1844 = arith.constant 1 : i32
        %eq3A_1845 = vector.broadcast %eq3A_1844 : i32 to vector<16xi32>
        %eq3A_1846 = arith.cmpi eq, %get3A_1843, %eq3A_1845 : vector<16xi32>
        %not3A_1847 = arith.constant dense<true> : vector<16xi1>
        %not3A_1848 = arith.xori %eq3A_1846, %not3A_1847 : vector<16xi1>
        %add3A_1849 = arith.constant 128 : i32
        %add3A_1850 = vector.broadcast %add3A_1849 : i32 to vector<16xi32>
        %add3A_1851 = arith.addi %add3A_1850, %iota3A : vector<16xi32>
        %get3A_1852 = arith.constant 128 : index
        %get3A_1853 = tpu.vector_load %arg6[%get3A_1852] {strides = array<i32>} : memref<256xi32, #tpu.memory_space<vmem>>, vector<16xi32>,
        %add3A_1854 = arith.constant 1 : i32
        %add3A_1855 = vector.broadcast %add3A_1854 : i32 to vector<16xi32>
        %add3A_1856 = arith.addi %iota3A, %add3A_1855 : vector<16xi32>
        %sub3A_1857 = arith.subi %add3A_1856, %get3A_1853 : vector<16xi32>
        %broadcast_in_dim3A_1858 = arith.constant 24 : i32
        %broadcast_in_dim3A_1859 = vector.broadcast %broadcast_in_dim3A_1858 : i32 to vector<16xi32>
        %gather3A_1860 = tpu.vector_load_idx %arg7[%broadcast_in_dim3A_1859] : memref<48xi32, #tpu.memory_space<vmem>>[vector<16xi32>], vector<16xi32>,
        %broadcast_in_dim3A_1861 = arith.constant 40 : i32
        %broadcast_in_dim3A_1862 = vector.broadcast %broadcast_in_dim3A_1861 : i32 to vector<16xi32>
        %gather3A_1863 = tpu.vector_load_idx %arg7[%broadcast_in_dim3A_1862] : memref<48xi32, #tpu.memory_space<vmem>>[vector<16xi32>], vector<16xi32>,
        %add3A_1864 = arith.addi %gather3A_1860, %get3A_1853 : vector<16xi32>
        %sub3A_1865 = arith.constant 1 : i32
        %sub3A_1866 = vector.broadcast %sub3A_1865 : i32 to vector<16xi32>
        %sub3A_1867 = arith.subi %add3A_1864, %sub3A_1866 : vector<16xi32>
        %jit3A_1868 = arith.constant 0 : i32
        %broadcast_in_dim3A_1869 = vector.broadcast %jit3A_1868 : i32 to vector<16xi32>
        %select_n3A_1870 = arith.select %eq3A_1846, %sub3A_1867, %broadcast_in_dim3A_1869 : vector<16xi1>, vector<16xi32>
        %add3A_1871 = arith.addi %gather3A_1863, %sub3A_1857 : vector<16xi32>
        %sub3A_1872 = arith.constant 1 : i32
        %sub3A_1873 = vector.broadcast %sub3A_1872 : i32 to vector<16xi32>
        %sub3A_1874 = arith.subi %add3A_1871, %sub3A_1873 : vector<16xi32>
        %jit3A_1875 = arith.constant 0 : i32
        %broadcast_in_dim3A_1876 = vector.broadcast %jit3A_1875 : i32 to vector<16xi32>
        %select_n3A_1877 = arith.select %not3A_1848, %sub3A_1874, %broadcast_in_dim3A_1876 : vector<16xi1>, vector<16xi32>
        %add3A_1878 = arith.addi %broadcast_in_dim3A_1504, %select_n3A_1870 : vector<16xi32>
        tpu.vector_store_idx %arg8[%add3A_1878], %add3A_1851 masked %eq3A_1846 : memref<4096xi32, #tpu.memory_space<vmem>>[vector<16xi32>], vector<16xi32>, vector<16xi1>
        %add3A_1879 = arith.addi %broadcast_in_dim3A_1504, %select_n3A_1877 : vector<16xi32>
        %add3A_1880 = arith.constant 256 : i32
        %add3A_1881 = vector.broadcast %add3A_1880 : i32 to vector<16xi32>
        %add3A_1882 = arith.addi %add3A_1851, %add3A_1881 : vector<16xi32>
        tpu.vector_store_idx %arg8[%add3A_1879], %add3A_1882 masked %not3A_1848 : memref<4096xi32, #tpu.memory_space<vmem>>[vector<16xi32>], vector<16xi32>, vector<16xi1>
        %get3A_1883 = arith.index_cast %add3A_1284 : i32 to index
        %get3A_1884 = arith.constant 144 : index
        %get3A_1885 = tpu.vector_load %arg5[%get3A_1883, %get3A_1884] {strides = array<i32>} : memref<16x256xi32, #tpu.memory_space<vmem>>, vector<16xi32>,
        %eq3A_1886 = arith.constant 1 : i32
        %eq3A_1887 = vector.broadcast %eq3A_1886 : i32 to vector<16xi32>
        %eq3A_1888 = arith.cmpi eq, %get3A_1885, %eq3A_1887 : vector<16xi32>
        %not3A_1889 = arith.constant dense<true> : vector<16xi1>
        %not3A_1890 = arith.xori %eq3A_1888, %not3A_1889 : vector<16xi1>
        %add3A_1891 = arith.constant 144 : i32
        %add3A_1892 = vector.broadcast %add3A_1891 : i32 to vector<16xi32>
        %add3A_1893 = arith.addi %add3A_1892, %iota3A : vector<16xi32>
        %get3A_1894 = arith.constant 144 : index
        %get3A_1895 = tpu.vector_load %arg6[%get3A_1894] {strides = array<i32>} : memref<256xi32, #tpu.memory_space<vmem>>, vector<16xi32>,
        %add3A_1896 = arith.constant 1 : i32
        %add3A_1897 = vector.broadcast %add3A_1896 : i32 to vector<16xi32>
        %add3A_1898 = arith.addi %iota3A, %add3A_1897 : vector<16xi32>
        %sub3A_1899 = arith.subi %add3A_1898, %get3A_1895 : vector<16xi32>
        %broadcast_in_dim3A_1900 = arith.constant 25 : i32
        %broadcast_in_dim3A_1901 = vector.broadcast %broadcast_in_dim3A_1900 : i32 to vector<16xi32>
        %gather3A_1902 = tpu.vector_load_idx %arg7[%broadcast_in_dim3A_1901] : memref<48xi32, #tpu.memory_space<vmem>>[vector<16xi32>], vector<16xi32>,
        %broadcast_in_dim3A_1903 = arith.constant 41 : i32
        %broadcast_in_dim3A_1904 = vector.broadcast %broadcast_in_dim3A_1903 : i32 to vector<16xi32>
        %gather3A_1905 = tpu.vector_load_idx %arg7[%broadcast_in_dim3A_1904] : memref<48xi32, #tpu.memory_space<vmem>>[vector<16xi32>], vector<16xi32>,
        %add3A_1906 = arith.addi %gather3A_1902, %get3A_1895 : vector<16xi32>
        %sub3A_1907 = arith.constant 1 : i32
        %sub3A_1908 = vector.broadcast %sub3A_1907 : i32 to vector<16xi32>
        %sub3A_1909 = arith.subi %add3A_1906, %sub3A_1908 : vector<16xi32>
        %jit3A_1910 = arith.constant 0 : i32
        %broadcast_in_dim3A_1911 = vector.broadcast %jit3A_1910 : i32 to vector<16xi32>
        %select_n3A_1912 = arith.select %eq3A_1888, %sub3A_1909, %broadcast_in_dim3A_1911 : vector<16xi1>, vector<16xi32>
        %add3A_1913 = arith.addi %gather3A_1905, %sub3A_1899 : vector<16xi32>
        %sub3A_1914 = arith.constant 1 : i32
        %sub3A_1915 = vector.broadcast %sub3A_1914 : i32 to vector<16xi32>
        %sub3A_1916 = arith.subi %add3A_1913, %sub3A_1915 : vector<16xi32>
        %jit3A_1917 = arith.constant 0 : i32
        %broadcast_in_dim3A_1918 = vector.broadcast %jit3A_1917 : i32 to vector<16xi32>
        %select_n3A_1919 = arith.select %not3A_1890, %sub3A_1916, %broadcast_in_dim3A_1918 : vector<16xi1>, vector<16xi32>
        %add3A_1920 = arith.addi %broadcast_in_dim3A_1504, %select_n3A_1912 : vector<16xi32>
        tpu.vector_store_idx %arg8[%add3A_1920], %add3A_1893 masked %eq3A_1888 : memref<4096xi32, #tpu.memory_space<vmem>>[vector<16xi32>], vector<16xi32>, vector<16xi1>
        %add3A_1921 = arith.addi %broadcast_in_dim3A_1504, %select_n3A_1919 : vector<16xi32>
        %add3A_1922 = arith.constant 256 : i32
        %add3A_1923 = vector.broadcast %add3A_1922 : i32 to vector<16xi32>
        %add3A_1924 = arith.addi %add3A_1893, %add3A_1923 : vector<16xi32>
        tpu.vector_store_idx %arg8[%add3A_1921], %add3A_1924 masked %not3A_1890 : memref<4096xi32, #tpu.memory_space<vmem>>[vector<16xi32>], vector<16xi32>, vector<16xi1>
        %get3A_1925 = arith.index_cast %add3A_1284 : i32 to index
        %get3A_1926 = arith.constant 160 : index
        %get3A_1927 = tpu.vector_load %arg5[%get3A_1925, %get3A_1926] {strides = array<i32>} : memref<16x256xi32, #tpu.memory_space<vmem>>, vector<16xi32>,
        %eq3A_1928 = arith.constant 1 : i32
        %eq3A_1929 = vector.broadcast %eq3A_1928 : i32 to vector<16xi32>
        %eq3A_1930 = arith.cmpi eq, %get3A_1927, %eq3A_1929 : vector<16xi32>
        %not3A_1931 = arith.constant dense<true> : vector<16xi1>
        %not3A_1932 = arith.xori %eq3A_1930, %not3A_1931 : vector<16xi1>
        %add3A_1933 = arith.constant 160 : i32
        %add3A_1934 = vector.broadcast %add3A_1933 : i32 to vector<16xi32>
        %add3A_1935 = arith.addi %add3A_1934, %iota3A : vector<16xi32>
        %get3A_1936 = arith.constant 160 : index
        %get3A_1937 = tpu.vector_load %arg6[%get3A_1936] {strides = array<i32>} : memref<256xi32, #tpu.memory_space<vmem>>, vector<16xi32>,
        %add3A_1938 = arith.constant 1 : i32
        %add3A_1939 = vector.broadcast %add3A_1938 : i32 to vector<16xi32>
        %add3A_1940 = arith.addi %iota3A, %add3A_1939 : vector<16xi32>
        %sub3A_1941 = arith.subi %add3A_1940, %get3A_1937 : vector<16xi32>
        %broadcast_in_dim3A_1942 = arith.constant 26 : i32
        %broadcast_in_dim3A_1943 = vector.broadcast %broadcast_in_dim3A_1942 : i32 to vector<16xi32>
        %gather3A_1944 = tpu.vector_load_idx %arg7[%broadcast_in_dim3A_1943] : memref<48xi32, #tpu.memory_space<vmem>>[vector<16xi32>], vector<16xi32>,
        %broadcast_in_dim3A_1945 = arith.constant 42 : i32
        %broadcast_in_dim3A_1946 = vector.broadcast %broadcast_in_dim3A_1945 : i32 to vector<16xi32>
        %gather3A_1947 = tpu.vector_load_idx %arg7[%broadcast_in_dim3A_1946] : memref<48xi32, #tpu.memory_space<vmem>>[vector<16xi32>], vector<16xi32>,
        %add3A_1948 = arith.addi %gather3A_1944, %get3A_1937 : vector<16xi32>
        %sub3A_1949 = arith.constant 1 : i32
        %sub3A_1950 = vector.broadcast %sub3A_1949 : i32 to vector<16xi32>
        %sub3A_1951 = arith.subi %add3A_1948, %sub3A_1950 : vector<16xi32>
        %jit3A_1952 = arith.constant 0 : i32
        %broadcast_in_dim3A_1953 = vector.broadcast %jit3A_1952 : i32 to vector<16xi32>
        %select_n3A_1954 = arith.select %eq3A_1930, %sub3A_1951, %broadcast_in_dim3A_1953 : vector<16xi1>, vector<16xi32>
        %add3A_1955 = arith.addi %gather3A_1947, %sub3A_1941 : vector<16xi32>
        %sub3A_1956 = arith.constant 1 : i32
        %sub3A_1957 = vector.broadcast %sub3A_1956 : i32 to vector<16xi32>
        %sub3A_1958 = arith.subi %add3A_1955, %sub3A_1957 : vector<16xi32>
        %jit3A_1959 = arith.constant 0 : i32
        %broadcast_in_dim3A_1960 = vector.broadcast %jit3A_1959 : i32 to vector<16xi32>
        %select_n3A_1961 = arith.select %not3A_1932, %sub3A_1958, %broadcast_in_dim3A_1960 : vector<16xi1>, vector<16xi32>
        %add3A_1962 = arith.addi %broadcast_in_dim3A_1504, %select_n3A_1954 : vector<16xi32>
        tpu.vector_store_idx %arg8[%add3A_1962], %add3A_1935 masked %eq3A_1930 : memref<4096xi32, #tpu.memory_space<vmem>>[vector<16xi32>], vector<16xi32>, vector<16xi1>
        %add3A_1963 = arith.addi %broadcast_in_dim3A_1504, %select_n3A_1961 : vector<16xi32>
        %add3A_1964 = arith.constant 256 : i32
        %add3A_1965 = vector.broadcast %add3A_1964 : i32 to vector<16xi32>
        %add3A_1966 = arith.addi %add3A_1935, %add3A_1965 : vector<16xi32>
        tpu.vector_store_idx %arg8[%add3A_1963], %add3A_1966 masked %not3A_1932 : memref<4096xi32, #tpu.memory_space<vmem>>[vector<16xi32>], vector<16xi32>, vector<16xi1>
        %get3A_1967 = arith.index_cast %add3A_1284 : i32 to index
        %get3A_1968 = arith.constant 176 : index
        %get3A_1969 = tpu.vector_load %arg5[%get3A_1967, %get3A_1968] {strides = array<i32>} : memref<16x256xi32, #tpu.memory_space<vmem>>, vector<16xi32>,
        %eq3A_1970 = arith.constant 1 : i32
        %eq3A_1971 = vector.broadcast %eq3A_1970 : i32 to vector<16xi32>
        %eq3A_1972 = arith.cmpi eq, %get3A_1969, %eq3A_1971 : vector<16xi32>
        %not3A_1973 = arith.constant dense<true> : vector<16xi1>
        %not3A_1974 = arith.xori %eq3A_1972, %not3A_1973 : vector<16xi1>
        %add3A_1975 = arith.constant 176 : i32
        %add3A_1976 = vector.broadcast %add3A_1975 : i32 to vector<16xi32>
        %add3A_1977 = arith.addi %add3A_1976, %iota3A : vector<16xi32>
        %get3A_1978 = arith.constant 176 : index
        %get3A_1979 = tpu.vector_load %arg6[%get3A_1978] {strides = array<i32>} : memref<256xi32, #tpu.memory_space<vmem>>, vector<16xi32>,
        %add3A_1980 = arith.constant 1 : i32
        %add3A_1981 = vector.broadcast %add3A_1980 : i32 to vector<16xi32>
        %add3A_1982 = arith.addi %iota3A, %add3A_1981 : vector<16xi32>
        %sub3A_1983 = arith.subi %add3A_1982, %get3A_1979 : vector<16xi32>
        %broadcast_in_dim3A_1984 = arith.constant 27 : i32
        %broadcast_in_dim3A_1985 = vector.broadcast %broadcast_in_dim3A_1984 : i32 to vector<16xi32>
        %gather3A_1986 = tpu.vector_load_idx %arg7[%broadcast_in_dim3A_1985] : memref<48xi32, #tpu.memory_space<vmem>>[vector<16xi32>], vector<16xi32>,
        %broadcast_in_dim3A_1987 = arith.constant 43 : i32
        %broadcast_in_dim3A_1988 = vector.broadcast %broadcast_in_dim3A_1987 : i32 to vector<16xi32>
        %gather3A_1989 = tpu.vector_load_idx %arg7[%broadcast_in_dim3A_1988] : memref<48xi32, #tpu.memory_space<vmem>>[vector<16xi32>], vector<16xi32>,
        %add3A_1990 = arith.addi %gather3A_1986, %get3A_1979 : vector<16xi32>
        %sub3A_1991 = arith.constant 1 : i32
        %sub3A_1992 = vector.broadcast %sub3A_1991 : i32 to vector<16xi32>
        %sub3A_1993 = arith.subi %add3A_1990, %sub3A_1992 : vector<16xi32>
        %jit3A_1994 = arith.constant 0 : i32
        %broadcast_in_dim3A_1995 = vector.broadcast %jit3A_1994 : i32 to vector<16xi32>
        %select_n3A_1996 = arith.select %eq3A_1972, %sub3A_1993, %broadcast_in_dim3A_1995 : vector<16xi1>, vector<16xi32>
        %add3A_1997 = arith.addi %gather3A_1989, %sub3A_1983 : vector<16xi32>
        %sub3A_1998 = arith.constant 1 : i32
        %sub3A_1999 = vector.broadcast %sub3A_1998 : i32 to vector<16xi32>
        %sub3A_2000 = arith.subi %add3A_1997, %sub3A_1999 : vector<16xi32>
        %jit3A_2001 = arith.constant 0 : i32
        %broadcast_in_dim3A_2002 = vector.broadcast %jit3A_2001 : i32 to vector<16xi32>
        %select_n3A_2003 = arith.select %not3A_1974, %sub3A_2000, %broadcast_in_dim3A_2002 : vector<16xi1>, vector<16xi32>
        %add3A_2004 = arith.addi %broadcast_in_dim3A_1504, %select_n3A_1996 : vector<16xi32>
        tpu.vector_store_idx %arg8[%add3A_2004], %add3A_1977 masked %eq3A_1972 : memref<4096xi32, #tpu.memory_space<vmem>>[vector<16xi32>], vector<16xi32>, vector<16xi1>
        %add3A_2005 = arith.addi %broadcast_in_dim3A_1504, %select_n3A_2003 : vector<16xi32>
        %add3A_2006 = arith.constant 256 : i32
        %add3A_2007 = vector.broadcast %add3A_2006 : i32 to vector<16xi32>
        %add3A_2008 = arith.addi %add3A_1977, %add3A_2007 : vector<16xi32>
        tpu.vector_store_idx %arg8[%add3A_2005], %add3A_2008 masked %not3A_1974 : memref<4096xi32, #tpu.memory_space<vmem>>[vector<16xi32>], vector<16xi32>, vector<16xi1>
        %get3A_2009 = arith.index_cast %add3A_1284 : i32 to index
        %get3A_2010 = arith.constant 192 : index
        %get3A_2011 = tpu.vector_load %arg5[%get3A_2009, %get3A_2010] {strides = array<i32>} : memref<16x256xi32, #tpu.memory_space<vmem>>, vector<16xi32>,
        %eq3A_2012 = arith.constant 1 : i32
        %eq3A_2013 = vector.broadcast %eq3A_2012 : i32 to vector<16xi32>
        %eq3A_2014 = arith.cmpi eq, %get3A_2011, %eq3A_2013 : vector<16xi32>
        %not3A_2015 = arith.constant dense<true> : vector<16xi1>
        %not3A_2016 = arith.xori %eq3A_2014, %not3A_2015 : vector<16xi1>
        %add3A_2017 = arith.constant 192 : i32
        %add3A_2018 = vector.broadcast %add3A_2017 : i32 to vector<16xi32>
        %add3A_2019 = arith.addi %add3A_2018, %iota3A : vector<16xi32>
        %get3A_2020 = arith.constant 192 : index
        %get3A_2021 = tpu.vector_load %arg6[%get3A_2020] {strides = array<i32>} : memref<256xi32, #tpu.memory_space<vmem>>, vector<16xi32>,
        %add3A_2022 = arith.constant 1 : i32
        %add3A_2023 = vector.broadcast %add3A_2022 : i32 to vector<16xi32>
        %add3A_2024 = arith.addi %iota3A, %add3A_2023 : vector<16xi32>
        %sub3A_2025 = arith.subi %add3A_2024, %get3A_2021 : vector<16xi32>
        %broadcast_in_dim3A_2026 = arith.constant 28 : i32
        %broadcast_in_dim3A_2027 = vector.broadcast %broadcast_in_dim3A_2026 : i32 to vector<16xi32>
        %gather3A_2028 = tpu.vector_load_idx %arg7[%broadcast_in_dim3A_2027] : memref<48xi32, #tpu.memory_space<vmem>>[vector<16xi32>], vector<16xi32>,
        %broadcast_in_dim3A_2029 = arith.constant 44 : i32
        %broadcast_in_dim3A_2030 = vector.broadcast %broadcast_in_dim3A_2029 : i32 to vector<16xi32>
        %gather3A_2031 = tpu.vector_load_idx %arg7[%broadcast_in_dim3A_2030] : memref<48xi32, #tpu.memory_space<vmem>>[vector<16xi32>], vector<16xi32>,
        %add3A_2032 = arith.addi %gather3A_2028, %get3A_2021 : vector<16xi32>
        %sub3A_2033 = arith.constant 1 : i32
        %sub3A_2034 = vector.broadcast %sub3A_2033 : i32 to vector<16xi32>
        %sub3A_2035 = arith.subi %add3A_2032, %sub3A_2034 : vector<16xi32>
        %jit3A_2036 = arith.constant 0 : i32
        %broadcast_in_dim3A_2037 = vector.broadcast %jit3A_2036 : i32 to vector<16xi32>
        %select_n3A_2038 = arith.select %eq3A_2014, %sub3A_2035, %broadcast_in_dim3A_2037 : vector<16xi1>, vector<16xi32>
        %add3A_2039 = arith.addi %gather3A_2031, %sub3A_2025 : vector<16xi32>
        %sub3A_2040 = arith.constant 1 : i32
        %sub3A_2041 = vector.broadcast %sub3A_2040 : i32 to vector<16xi32>
        %sub3A_2042 = arith.subi %add3A_2039, %sub3A_2041 : vector<16xi32>
        %jit3A_2043 = arith.constant 0 : i32
        %broadcast_in_dim3A_2044 = vector.broadcast %jit3A_2043 : i32 to vector<16xi32>
        %select_n3A_2045 = arith.select %not3A_2016, %sub3A_2042, %broadcast_in_dim3A_2044 : vector<16xi1>, vector<16xi32>
        %add3A_2046 = arith.addi %broadcast_in_dim3A_1504, %select_n3A_2038 : vector<16xi32>
        tpu.vector_store_idx %arg8[%add3A_2046], %add3A_2019 masked %eq3A_2014 : memref<4096xi32, #tpu.memory_space<vmem>>[vector<16xi32>], vector<16xi32>, vector<16xi1>
        %add3A_2047 = arith.addi %broadcast_in_dim3A_1504, %select_n3A_2045 : vector<16xi32>
        %add3A_2048 = arith.constant 256 : i32
        %add3A_2049 = vector.broadcast %add3A_2048 : i32 to vector<16xi32>
        %add3A_2050 = arith.addi %add3A_2019, %add3A_2049 : vector<16xi32>
        tpu.vector_store_idx %arg8[%add3A_2047], %add3A_2050 masked %not3A_2016 : memref<4096xi32, #tpu.memory_space<vmem>>[vector<16xi32>], vector<16xi32>, vector<16xi1>
        %get3A_2051 = arith.index_cast %add3A_1284 : i32 to index
        %get3A_2052 = arith.constant 208 : index
        %get3A_2053 = tpu.vector_load %arg5[%get3A_2051, %get3A_2052] {strides = array<i32>} : memref<16x256xi32, #tpu.memory_space<vmem>>, vector<16xi32>,
        %eq3A_2054 = arith.constant 1 : i32
        %eq3A_2055 = vector.broadcast %eq3A_2054 : i32 to vector<16xi32>
        %eq3A_2056 = arith.cmpi eq, %get3A_2053, %eq3A_2055 : vector<16xi32>
        %not3A_2057 = arith.constant dense<true> : vector<16xi1>
        %not3A_2058 = arith.xori %eq3A_2056, %not3A_2057 : vector<16xi1>
        %add3A_2059 = arith.constant 208 : i32
        %add3A_2060 = vector.broadcast %add3A_2059 : i32 to vector<16xi32>
        %add3A_2061 = arith.addi %add3A_2060, %iota3A : vector<16xi32>
        %get3A_2062 = arith.constant 208 : index
        %get3A_2063 = tpu.vector_load %arg6[%get3A_2062] {strides = array<i32>} : memref<256xi32, #tpu.memory_space<vmem>>, vector<16xi32>,
        %add3A_2064 = arith.constant 1 : i32
        %add3A_2065 = vector.broadcast %add3A_2064 : i32 to vector<16xi32>
        %add3A_2066 = arith.addi %iota3A, %add3A_2065 : vector<16xi32>
        %sub3A_2067 = arith.subi %add3A_2066, %get3A_2063 : vector<16xi32>
        %broadcast_in_dim3A_2068 = arith.constant 29 : i32
        %broadcast_in_dim3A_2069 = vector.broadcast %broadcast_in_dim3A_2068 : i32 to vector<16xi32>
        %gather3A_2070 = tpu.vector_load_idx %arg7[%broadcast_in_dim3A_2069] : memref<48xi32, #tpu.memory_space<vmem>>[vector<16xi32>], vector<16xi32>,
        %broadcast_in_dim3A_2071 = arith.constant 45 : i32
        %broadcast_in_dim3A_2072 = vector.broadcast %broadcast_in_dim3A_2071 : i32 to vector<16xi32>
        %gather3A_2073 = tpu.vector_load_idx %arg7[%broadcast_in_dim3A_2072] : memref<48xi32, #tpu.memory_space<vmem>>[vector<16xi32>], vector<16xi32>,
        %add3A_2074 = arith.addi %gather3A_2070, %get3A_2063 : vector<16xi32>
        %sub3A_2075 = arith.constant 1 : i32
        %sub3A_2076 = vector.broadcast %sub3A_2075 : i32 to vector<16xi32>
        %sub3A_2077 = arith.subi %add3A_2074, %sub3A_2076 : vector<16xi32>
        %jit3A_2078 = arith.constant 0 : i32
        %broadcast_in_dim3A_2079 = vector.broadcast %jit3A_2078 : i32 to vector<16xi32>
        %select_n3A_2080 = arith.select %eq3A_2056, %sub3A_2077, %broadcast_in_dim3A_2079 : vector<16xi1>, vector<16xi32>
        %add3A_2081 = arith.addi %gather3A_2073, %sub3A_2067 : vector<16xi32>
        %sub3A_2082 = arith.constant 1 : i32
        %sub3A_2083 = vector.broadcast %sub3A_2082 : i32 to vector<16xi32>
        %sub3A_2084 = arith.subi %add3A_2081, %sub3A_2083 : vector<16xi32>
        %jit3A_2085 = arith.constant 0 : i32
        %broadcast_in_dim3A_2086 = vector.broadcast %jit3A_2085 : i32 to vector<16xi32>
        %select_n3A_2087 = arith.select %not3A_2058, %sub3A_2084, %broadcast_in_dim3A_2086 : vector<16xi1>, vector<16xi32>
        %add3A_2088 = arith.addi %broadcast_in_dim3A_1504, %select_n3A_2080 : vector<16xi32>
        tpu.vector_store_idx %arg8[%add3A_2088], %add3A_2061 masked %eq3A_2056 : memref<4096xi32, #tpu.memory_space<vmem>>[vector<16xi32>], vector<16xi32>, vector<16xi1>
        %add3A_2089 = arith.addi %broadcast_in_dim3A_1504, %select_n3A_2087 : vector<16xi32>
        %add3A_2090 = arith.constant 256 : i32
        %add3A_2091 = vector.broadcast %add3A_2090 : i32 to vector<16xi32>
        %add3A_2092 = arith.addi %add3A_2061, %add3A_2091 : vector<16xi32>
        tpu.vector_store_idx %arg8[%add3A_2089], %add3A_2092 masked %not3A_2058 : memref<4096xi32, #tpu.memory_space<vmem>>[vector<16xi32>], vector<16xi32>, vector<16xi1>
        %get3A_2093 = arith.index_cast %add3A_1284 : i32 to index
        %get3A_2094 = arith.constant 224 : index
        %get3A_2095 = tpu.vector_load %arg5[%get3A_2093, %get3A_2094] {strides = array<i32>} : memref<16x256xi32, #tpu.memory_space<vmem>>, vector<16xi32>,
        %eq3A_2096 = arith.constant 1 : i32
        %eq3A_2097 = vector.broadcast %eq3A_2096 : i32 to vector<16xi32>
        %eq3A_2098 = arith.cmpi eq, %get3A_2095, %eq3A_2097 : vector<16xi32>
        %not3A_2099 = arith.constant dense<true> : vector<16xi1>
        %not3A_2100 = arith.xori %eq3A_2098, %not3A_2099 : vector<16xi1>
        %add3A_2101 = arith.constant 224 : i32
        %add3A_2102 = vector.broadcast %add3A_2101 : i32 to vector<16xi32>
        %add3A_2103 = arith.addi %add3A_2102, %iota3A : vector<16xi32>
        %get3A_2104 = arith.constant 224 : index
        %get3A_2105 = tpu.vector_load %arg6[%get3A_2104] {strides = array<i32>} : memref<256xi32, #tpu.memory_space<vmem>>, vector<16xi32>,
        %add3A_2106 = arith.constant 1 : i32
        %add3A_2107 = vector.broadcast %add3A_2106 : i32 to vector<16xi32>
        %add3A_2108 = arith.addi %iota3A, %add3A_2107 : vector<16xi32>
        %sub3A_2109 = arith.subi %add3A_2108, %get3A_2105 : vector<16xi32>
        %broadcast_in_dim3A_2110 = arith.constant 30 : i32
        %broadcast_in_dim3A_2111 = vector.broadcast %broadcast_in_dim3A_2110 : i32 to vector<16xi32>
        %gather3A_2112 = tpu.vector_load_idx %arg7[%broadcast_in_dim3A_2111] : memref<48xi32, #tpu.memory_space<vmem>>[vector<16xi32>], vector<16xi32>,
        %broadcast_in_dim3A_2113 = arith.constant 46 : i32
        %broadcast_in_dim3A_2114 = vector.broadcast %broadcast_in_dim3A_2113 : i32 to vector<16xi32>
        %gather3A_2115 = tpu.vector_load_idx %arg7[%broadcast_in_dim3A_2114] : memref<48xi32, #tpu.memory_space<vmem>>[vector<16xi32>], vector<16xi32>,
        %add3A_2116 = arith.addi %gather3A_2112, %get3A_2105 : vector<16xi32>
        %sub3A_2117 = arith.constant 1 : i32
        %sub3A_2118 = vector.broadcast %sub3A_2117 : i32 to vector<16xi32>
        %sub3A_2119 = arith.subi %add3A_2116, %sub3A_2118 : vector<16xi32>
        %jit3A_2120 = arith.constant 0 : i32
        %broadcast_in_dim3A_2121 = vector.broadcast %jit3A_2120 : i32 to vector<16xi32>
        %select_n3A_2122 = arith.select %eq3A_2098, %sub3A_2119, %broadcast_in_dim3A_2121 : vector<16xi1>, vector<16xi32>
        %add3A_2123 = arith.addi %gather3A_2115, %sub3A_2109 : vector<16xi32>
        %sub3A_2124 = arith.constant 1 : i32
        %sub3A_2125 = vector.broadcast %sub3A_2124 : i32 to vector<16xi32>
        %sub3A_2126 = arith.subi %add3A_2123, %sub3A_2125 : vector<16xi32>
        %jit3A_2127 = arith.constant 0 : i32
        %broadcast_in_dim3A_2128 = vector.broadcast %jit3A_2127 : i32 to vector<16xi32>
        %select_n3A_2129 = arith.select %not3A_2100, %sub3A_2126, %broadcast_in_dim3A_2128 : vector<16xi1>, vector<16xi32>
        %add3A_2130 = arith.addi %broadcast_in_dim3A_1504, %select_n3A_2122 : vector<16xi32>
        tpu.vector_store_idx %arg8[%add3A_2130], %add3A_2103 masked %eq3A_2098 : memref<4096xi32, #tpu.memory_space<vmem>>[vector<16xi32>], vector<16xi32>, vector<16xi1>
        %add3A_2131 = arith.addi %broadcast_in_dim3A_1504, %select_n3A_2129 : vector<16xi32>
        %add3A_2132 = arith.constant 256 : i32
        %add3A_2133 = vector.broadcast %add3A_2132 : i32 to vector<16xi32>
        %add3A_2134 = arith.addi %add3A_2103, %add3A_2133 : vector<16xi32>
        tpu.vector_store_idx %arg8[%add3A_2131], %add3A_2134 masked %not3A_2100 : memref<4096xi32, #tpu.memory_space<vmem>>[vector<16xi32>], vector<16xi32>, vector<16xi1>
        %get3A_2135 = arith.index_cast %add3A_1284 : i32 to index
        %get3A_2136 = arith.constant 240 : index
        %get3A_2137 = tpu.vector_load %arg5[%get3A_2135, %get3A_2136] {strides = array<i32>} : memref<16x256xi32, #tpu.memory_space<vmem>>, vector<16xi32>,
        %eq3A_2138 = arith.constant 1 : i32
        %eq3A_2139 = vector.broadcast %eq3A_2138 : i32 to vector<16xi32>
        %eq3A_2140 = arith.cmpi eq, %get3A_2137, %eq3A_2139 : vector<16xi32>
        %not3A_2141 = arith.constant dense<true> : vector<16xi1>
        %not3A_2142 = arith.xori %eq3A_2140, %not3A_2141 : vector<16xi1>
        %add3A_2143 = arith.constant 240 : i32
        %add3A_2144 = vector.broadcast %add3A_2143 : i32 to vector<16xi32>
        %add3A_2145 = arith.addi %add3A_2144, %iota3A : vector<16xi32>
        %get3A_2146 = arith.constant 240 : index
        %get3A_2147 = tpu.vector_load %arg6[%get3A_2146] {strides = array<i32>} : memref<256xi32, #tpu.memory_space<vmem>>, vector<16xi32>,
        %add3A_2148 = arith.constant 1 : i32
        %add3A_2149 = vector.broadcast %add3A_2148 : i32 to vector<16xi32>
        %add3A_2150 = arith.addi %iota3A, %add3A_2149 : vector<16xi32>
        %sub3A_2151 = arith.subi %add3A_2150, %get3A_2147 : vector<16xi32>
        %broadcast_in_dim3A_2152 = arith.constant 31 : i32
        %broadcast_in_dim3A_2153 = vector.broadcast %broadcast_in_dim3A_2152 : i32 to vector<16xi32>
        %gather3A_2154 = tpu.vector_load_idx %arg7[%broadcast_in_dim3A_2153] : memref<48xi32, #tpu.memory_space<vmem>>[vector<16xi32>], vector<16xi32>,
        %broadcast_in_dim3A_2155 = arith.constant 47 : i32
        %broadcast_in_dim3A_2156 = vector.broadcast %broadcast_in_dim3A_2155 : i32 to vector<16xi32>
        %gather3A_2157 = tpu.vector_load_idx %arg7[%broadcast_in_dim3A_2156] : memref<48xi32, #tpu.memory_space<vmem>>[vector<16xi32>], vector<16xi32>,
        %add3A_2158 = arith.addi %gather3A_2154, %get3A_2147 : vector<16xi32>
        %sub3A_2159 = arith.constant 1 : i32
        %sub3A_2160 = vector.broadcast %sub3A_2159 : i32 to vector<16xi32>
        %sub3A_2161 = arith.subi %add3A_2158, %sub3A_2160 : vector<16xi32>
        %jit3A_2162 = arith.constant 0 : i32
        %broadcast_in_dim3A_2163 = vector.broadcast %jit3A_2162 : i32 to vector<16xi32>
        %select_n3A_2164 = arith.select %eq3A_2140, %sub3A_2161, %broadcast_in_dim3A_2163 : vector<16xi1>, vector<16xi32>
        %add3A_2165 = arith.addi %gather3A_2157, %sub3A_2151 : vector<16xi32>
        %sub3A_2166 = arith.constant 1 : i32
        %sub3A_2167 = vector.broadcast %sub3A_2166 : i32 to vector<16xi32>
        %sub3A_2168 = arith.subi %add3A_2165, %sub3A_2167 : vector<16xi32>
        %jit3A_2169 = arith.constant 0 : i32
        %broadcast_in_dim3A_2170 = vector.broadcast %jit3A_2169 : i32 to vector<16xi32>
        %select_n3A_2171 = arith.select %not3A_2142, %sub3A_2168, %broadcast_in_dim3A_2170 : vector<16xi1>, vector<16xi32>
        %add3A_2172 = arith.addi %broadcast_in_dim3A_1504, %select_n3A_2164 : vector<16xi32>
        tpu.vector_store_idx %arg8[%add3A_2172], %add3A_2145 masked %eq3A_2140 : memref<4096xi32, #tpu.memory_space<vmem>>[vector<16xi32>], vector<16xi32>, vector<16xi1>
        %add3A_2173 = arith.addi %broadcast_in_dim3A_1504, %select_n3A_2171 : vector<16xi32>
        %add3A_2174 = arith.constant 256 : i32
        %add3A_2175 = vector.broadcast %add3A_2174 : i32 to vector<16xi32>
        %add3A_2176 = arith.addi %add3A_2145, %add3A_2175 : vector<16xi32>
        tpu.vector_store_idx %arg8[%add3A_2173], %add3A_2176 masked %not3A_2142 : memref<4096xi32, #tpu.memory_space<vmem>>[vector<16xi32>], vector<16xi32>, vector<16xi1>
      } else {
      }
      %dma_wait3A_1173 = arith.constant 0 : i32
      %dma_wait3A_1174 = arith.constant 0 : i32
      %dma_wait3A_1175 = tpu.memref_slice %arg4[%dma_wait3A_1173, %dma_wait3A_1174] : memref<131072x512xf32, #tpu.memory_space<hbm>> -> memref<16x512xf32, #tpu.memory_space<hbm>>
      %dma_wait3A_1176 = arith.constant 0 : i32
      %dma_wait3A_1177 = arith.constant 0 : i32
      %dma_wait3A_1178 = tpu.memref_slice %arg4[%dma_wait3A_1176, %dma_wait3A_1177] : memref<131072x512xf32, #tpu.memory_space<hbm>> -> memref<16x512xf32, #tpu.memory_space<hbm>>
      tpu.wait_dma2 semaphore(%arg25 : memref<!tpu.dma_semaphore, #tpu.memory_space<semaphore_mem>>) src(%arg9 : memref<16x512xf32, #tpu.memory_space<vmem>>) dst(%dma_wait3A_1178 : memref<16x512xf32, #tpu.memory_space<hbm>>)
      %lt3A_1179 = arith.constant 31 : i32
      %lt3A_1180 = arith.cmpi slt, %scan3A_1055, %lt3A_1179 : i32
      %convert_element_type3A_1181 = arith.extui %lt3A_1180 : i1 to i32
      %cond3A_1182 = arith.constant 0 : i32
      %cond3A_1183 = arith.cmpi ne, %convert_element_type3A_1181, %cond3A_1182 : i32
      scf.if %cond3A_1183 {
        %add3A_1261 = arith.constant 8 : i32
        %add3A_1262 = arith.addi %mul3A_1057, %add3A_1261 : i32
        %add3A_1263 = arith.constant 0 : i32
        %add3A_1264 = arith.addi %add3A_1262, %add3A_1263 : i32
        %mul3A_1265 = arith.constant 16 : i32
        %mul3A_1266 = arith.muli %add3A_1264, %mul3A_1265 : i32
        %get3A_1267 = arith.index_cast %mul3A_1266 : i32 to index
        %get3A_1268 = tpu.vector_load %arg8[%get3A_1267] {strides = array<i32>} : memref<4096xi32, #tpu.memory_space<vmem>>, vector<16xi32>,
        %ge3A_1269 = arith.constant 0 : i32
        %ge3A_1270 = vector.broadcast %ge3A_1269 : i32 to vector<16xi32>
        %ge3A_1271 = arith.cmpi sge, %get3A_1268, %ge3A_1270 : vector<16xi32>
        %lt3A_1272 = arith.constant 512 : i32
        %lt3A_1273 = vector.broadcast %lt3A_1272 : i32 to vector<16xi32>
        %lt3A_1274 = arith.cmpi slt, %get3A_1268, %lt3A_1273 : vector<16xi32>
        %jit3A_1275 = arith.constant 0 : i32
        %broadcast_in_dim3A_1276 = vector.broadcast %jit3A_1275 : i32 to vector<16xi32>
        %select_n3A_1277 = arith.select %lt3A_1274, %get3A_1268, %broadcast_in_dim3A_1276 : vector<16xi1>, vector<16xi32>
        %jit3A_1278 = arith.constant 0 : i32
        %broadcast_in_dim3A_1279 = vector.broadcast %jit3A_1278 : i32 to vector<16xi32>
        %select_n3A_1280 = arith.select %ge3A_1271, %select_n3A_1277, %broadcast_in_dim3A_1279 : vector<16xi1>, vector<16xi32>
        %dma_start3A_1281 = arith.constant 0 : i32
        %dma_start3A_1282 = arith.constant 0 : i32
        %dma_start3A_1283 = tpu.memref_slice %arg3[%dma_start3A_1281, %dma_start3A_1282] : memref<512x512xf32, #tpu.memory_space<hbm>> -> memref<512x512xf32, #tpu.memory_space<hbm>>
        tpu.enqueue_indirect_dma source(%dma_start3A_1283 : memref<512x512xf32, #tpu.memory_space<hbm>>) target(%arg9 : memref<16x512xf32, #tpu.memory_space<vmem>>) offsets(%select_n3A_1280 : vector<16xi32>) semaphore(%arg17 : memref<!tpu.dma_semaphore, #tpu.memory_space<semaphore_mem>>)
      } else {
      }
      %dma_wait3A_1184 = arith.constant 0 : i32
      %dma_wait3A_1185 = arith.constant 0 : i32
      %dma_wait3A_1186 = tpu.memref_slice %arg4[%dma_wait3A_1184, %dma_wait3A_1185] : memref<131072x512xf32, #tpu.memory_space<hbm>> -> memref<16x512xf32, #tpu.memory_space<hbm>>
      %dma_wait3A_1187 = arith.constant 0 : i32
      %dma_wait3A_1188 = arith.constant 0 : i32
      %dma_wait3A_1189 = tpu.memref_slice %arg4[%dma_wait3A_1187, %dma_wait3A_1188] : memref<131072x512xf32, #tpu.memory_space<hbm>> -> memref<16x512xf32, #tpu.memory_space<hbm>>
      tpu.wait_dma2 semaphore(%arg26 : memref<!tpu.dma_semaphore, #tpu.memory_space<semaphore_mem>>) src(%arg10 : memref<16x512xf32, #tpu.memory_space<vmem>>) dst(%dma_wait3A_1189 : memref<16x512xf32, #tpu.memory_space<hbm>>)
      %lt3A_1190 = arith.constant 31 : i32
      %lt3A_1191 = arith.cmpi slt, %scan3A_1055, %lt3A_1190 : i32
      %convert_element_type3A_1192 = arith.extui %lt3A_1191 : i1 to i32
      %cond3A_1193 = arith.constant 0 : i32
      %cond3A_1194 = arith.cmpi ne, %convert_element_type3A_1192, %cond3A_1193 : i32
      scf.if %cond3A_1194 {
        %add3A_1261 = arith.constant 8 : i32
        %add3A_1262 = arith.addi %mul3A_1057, %add3A_1261 : i32
        %add3A_1263 = arith.constant 1 : i32
        %add3A_1264 = arith.addi %add3A_1262, %add3A_1263 : i32
        %mul3A_1265 = arith.constant 16 : i32
        %mul3A_1266 = arith.muli %add3A_1264, %mul3A_1265 : i32
        %get3A_1267 = arith.index_cast %mul3A_1266 : i32 to index
        %get3A_1268 = tpu.vector_load %arg8[%get3A_1267] {strides = array<i32>} : memref<4096xi32, #tpu.memory_space<vmem>>, vector<16xi32>,
        %ge3A_1269 = arith.constant 0 : i32
        %ge3A_1270 = vector.broadcast %ge3A_1269 : i32 to vector<16xi32>
        %ge3A_1271 = arith.cmpi sge, %get3A_1268, %ge3A_1270 : vector<16xi32>
        %lt3A_1272 = arith.constant 512 : i32
        %lt3A_1273 = vector.broadcast %lt3A_1272 : i32 to vector<16xi32>
        %lt3A_1274 = arith.cmpi slt, %get3A_1268, %lt3A_1273 : vector<16xi32>
        %jit3A_1275 = arith.constant 0 : i32
        %broadcast_in_dim3A_1276 = vector.broadcast %jit3A_1275 : i32 to vector<16xi32>
        %select_n3A_1277 = arith.select %lt3A_1274, %get3A_1268, %broadcast_in_dim3A_1276 : vector<16xi1>, vector<16xi32>
        %jit3A_1278 = arith.constant 0 : i32
        %broadcast_in_dim3A_1279 = vector.broadcast %jit3A_1278 : i32 to vector<16xi32>
        %select_n3A_1280 = arith.select %ge3A_1271, %select_n3A_1277, %broadcast_in_dim3A_1279 : vector<16xi1>, vector<16xi32>
        %dma_start3A_1281 = arith.constant 0 : i32
        %dma_start3A_1282 = arith.constant 0 : i32
        %dma_start3A_1283 = tpu.memref_slice %arg3[%dma_start3A_1281, %dma_start3A_1282] : memref<512x512xf32, #tpu.memory_space<hbm>> -> memref<512x512xf32, #tpu.memory_space<hbm>>
        tpu.enqueue_indirect_dma source(%dma_start3A_1283 : memref<512x512xf32, #tpu.memory_space<hbm>>) target(%arg10 : memref<16x512xf32, #tpu.memory_space<vmem>>) offsets(%select_n3A_1280 : vector<16xi32>) semaphore(%arg18 : memref<!tpu.dma_semaphore, #tpu.memory_space<semaphore_mem>>)
      } else {
      }
      %dma_wait3A_1195 = arith.constant 0 : i32
      %dma_wait3A_1196 = arith.constant 0 : i32
      %dma_wait3A_1197 = tpu.memref_slice %arg4[%dma_wait3A_1195, %dma_wait3A_1196] : memref<131072x512xf32, #tpu.memory_space<hbm>> -> memref<16x512xf32, #tpu.memory_space<hbm>>
      %dma_wait3A_1198 = arith.constant 0 : i32
      %dma_wait3A_1199 = arith.constant 0 : i32
      %dma_wait3A_1200 = tpu.memref_slice %arg4[%dma_wait3A_1198, %dma_wait3A_1199] : memref<131072x512xf32, #tpu.memory_space<hbm>> -> memref<16x512xf32, #tpu.memory_space<hbm>>
      tpu.wait_dma2 semaphore(%arg27 : memref<!tpu.dma_semaphore, #tpu.memory_space<semaphore_mem>>) src(%arg11 : memref<16x512xf32, #tpu.memory_space<vmem>>) dst(%dma_wait3A_1200 : memref<16x512xf32, #tpu.memory_space<hbm>>)
      %lt3A_1201 = arith.constant 31 : i32
      %lt3A_1202 = arith.cmpi slt, %scan3A_1055, %lt3A_1201 : i32
      %convert_element_type3A_1203 = arith.extui %lt3A_1202 : i1 to i32
      %cond3A_1204 = arith.constant 0 : i32
      %cond3A_1205 = arith.cmpi ne, %convert_element_type3A_1203, %cond3A_1204 : i32
      scf.if %cond3A_1205 {
        %add3A_1261 = arith.constant 8 : i32
        %add3A_1262 = arith.addi %mul3A_1057, %add3A_1261 : i32
        %add3A_1263 = arith.constant 2 : i32
        %add3A_1264 = arith.addi %add3A_1262, %add3A_1263 : i32
        %mul3A_1265 = arith.constant 16 : i32
        %mul3A_1266 = arith.muli %add3A_1264, %mul3A_1265 : i32
        %get3A_1267 = arith.index_cast %mul3A_1266 : i32 to index
        %get3A_1268 = tpu.vector_load %arg8[%get3A_1267] {strides = array<i32>} : memref<4096xi32, #tpu.memory_space<vmem>>, vector<16xi32>,
        %ge3A_1269 = arith.constant 0 : i32
        %ge3A_1270 = vector.broadcast %ge3A_1269 : i32 to vector<16xi32>
        %ge3A_1271 = arith.cmpi sge, %get3A_1268, %ge3A_1270 : vector<16xi32>
        %lt3A_1272 = arith.constant 512 : i32
        %lt3A_1273 = vector.broadcast %lt3A_1272 : i32 to vector<16xi32>
        %lt3A_1274 = arith.cmpi slt, %get3A_1268, %lt3A_1273 : vector<16xi32>
        %jit3A_1275 = arith.constant 0 : i32
        %broadcast_in_dim3A_1276 = vector.broadcast %jit3A_1275 : i32 to vector<16xi32>
        %select_n3A_1277 = arith.select %lt3A_1274, %get3A_1268, %broadcast_in_dim3A_1276 : vector<16xi1>, vector<16xi32>
        %jit3A_1278 = arith.constant 0 : i32
        %broadcast_in_dim3A_1279 = vector.broadcast %jit3A_1278 : i32 to vector<16xi32>
        %select_n3A_1280 = arith.select %ge3A_1271, %select_n3A_1277, %broadcast_in_dim3A_1279 : vector<16xi1>, vector<16xi32>
        %dma_start3A_1281 = arith.constant 0 : i32
        %dma_start3A_1282 = arith.constant 0 : i32
        %dma_start3A_1283 = tpu.memref_slice %arg3[%dma_start3A_1281, %dma_start3A_1282] : memref<512x512xf32, #tpu.memory_space<hbm>> -> memref<512x512xf32, #tpu.memory_space<hbm>>
        tpu.enqueue_indirect_dma source(%dma_start3A_1283 : memref<512x512xf32, #tpu.memory_space<hbm>>) target(%arg11 : memref<16x512xf32, #tpu.memory_space<vmem>>) offsets(%select_n3A_1280 : vector<16xi32>) semaphore(%arg19 : memref<!tpu.dma_semaphore, #tpu.memory_space<semaphore_mem>>)
      } else {
      }
      %dma_wait3A_1206 = arith.constant 0 : i32
      %dma_wait3A_1207 = arith.constant 0 : i32
      %dma_wait3A_1208 = tpu.memref_slice %arg4[%dma_wait3A_1206, %dma_wait3A_1207] : memref<131072x512xf32, #tpu.memory_space<hbm>> -> memref<16x512xf32, #tpu.memory_space<hbm>>
      %dma_wait3A_1209 = arith.constant 0 : i32
      %dma_wait3A_1210 = arith.constant 0 : i32
      %dma_wait3A_1211 = tpu.memref_slice %arg4[%dma_wait3A_1209, %dma_wait3A_1210] : memref<131072x512xf32, #tpu.memory_space<hbm>> -> memref<16x512xf32, #tpu.memory_space<hbm>>
      tpu.wait_dma2 semaphore(%arg28 : memref<!tpu.dma_semaphore, #tpu.memory_space<semaphore_mem>>) src(%arg12 : memref<16x512xf32, #tpu.memory_space<vmem>>) dst(%dma_wait3A_1211 : memref<16x512xf32, #tpu.memory_space<hbm>>)
      %lt3A_1212 = arith.constant 31 : i32
      %lt3A_1213 = arith.cmpi slt, %scan3A_1055, %lt3A_1212 : i32
      %convert_element_type3A_1214 = arith.extui %lt3A_1213 : i1 to i32
      %cond3A_1215 = arith.constant 0 : i32
      %cond3A_1216 = arith.cmpi ne, %convert_element_type3A_1214, %cond3A_1215 : i32
      scf.if %cond3A_1216 {
        %add3A_1261 = arith.constant 8 : i32
        %add3A_1262 = arith.addi %mul3A_1057, %add3A_1261 : i32
        %add3A_1263 = arith.constant 3 : i32
        %add3A_1264 = arith.addi %add3A_1262, %add3A_1263 : i32
        %mul3A_1265 = arith.constant 16 : i32
        %mul3A_1266 = arith.muli %add3A_1264, %mul3A_1265 : i32
        %get3A_1267 = arith.index_cast %mul3A_1266 : i32 to index
        %get3A_1268 = tpu.vector_load %arg8[%get3A_1267] {strides = array<i32>} : memref<4096xi32, #tpu.memory_space<vmem>>, vector<16xi32>,
        %ge3A_1269 = arith.constant 0 : i32
        %ge3A_1270 = vector.broadcast %ge3A_1269 : i32 to vector<16xi32>
        %ge3A_1271 = arith.cmpi sge, %get3A_1268, %ge3A_1270 : vector<16xi32>
        %lt3A_1272 = arith.constant 512 : i32
        %lt3A_1273 = vector.broadcast %lt3A_1272 : i32 to vector<16xi32>
        %lt3A_1274 = arith.cmpi slt, %get3A_1268, %lt3A_1273 : vector<16xi32>
        %jit3A_1275 = arith.constant 0 : i32
        %broadcast_in_dim3A_1276 = vector.broadcast %jit3A_1275 : i32 to vector<16xi32>
        %select_n3A_1277 = arith.select %lt3A_1274, %get3A_1268, %broadcast_in_dim3A_1276 : vector<16xi1>, vector<16xi32>
        %jit3A_1278 = arith.constant 0 : i32
        %broadcast_in_dim3A_1279 = vector.broadcast %jit3A_1278 : i32 to vector<16xi32>
        %select_n3A_1280 = arith.select %ge3A_1271, %select_n3A_1277, %broadcast_in_dim3A_1279 : vector<16xi1>, vector<16xi32>
        %dma_start3A_1281 = arith.constant 0 : i32
        %dma_start3A_1282 = arith.constant 0 : i32
        %dma_start3A_1283 = tpu.memref_slice %arg3[%dma_start3A_1281, %dma_start3A_1282] : memref<512x512xf32, #tpu.memory_space<hbm>> -> memref<512x512xf32, #tpu.memory_space<hbm>>
        tpu.enqueue_indirect_dma source(%dma_start3A_1283 : memref<512x512xf32, #tpu.memory_space<hbm>>) target(%arg12 : memref<16x512xf32, #tpu.memory_space<vmem>>) offsets(%select_n3A_1280 : vector<16xi32>) semaphore(%arg20 : memref<!tpu.dma_semaphore, #tpu.memory_space<semaphore_mem>>)
      } else {
      }
      %dma_wait3A_1217 = arith.constant 0 : i32
      %dma_wait3A_1218 = arith.constant 0 : i32
      %dma_wait3A_1219 = tpu.memref_slice %arg4[%dma_wait3A_1217, %dma_wait3A_1218] : memref<131072x512xf32, #tpu.memory_space<hbm>> -> memref<16x512xf32, #tpu.memory_space<hbm>>
      %dma_wait3A_1220 = arith.constant 0 : i32
      %dma_wait3A_1221 = arith.constant 0 : i32
      %dma_wait3A_1222 = tpu.memref_slice %arg4[%dma_wait3A_1220, %dma_wait3A_1221] : memref<131072x512xf32, #tpu.memory_space<hbm>> -> memref<16x512xf32, #tpu.memory_space<hbm>>
      tpu.wait_dma2 semaphore(%arg29 : memref<!tpu.dma_semaphore, #tpu.memory_space<semaphore_mem>>) src(%arg13 : memref<16x512xf32, #tpu.memory_space<vmem>>) dst(%dma_wait3A_1222 : memref<16x512xf32, #tpu.memory_space<hbm>>)
      %lt3A_1223 = arith.constant 31 : i32
      %lt3A_1224 = arith.cmpi slt, %scan3A_1055, %lt3A_1223 : i32
      %convert_element_type3A_1225 = arith.extui %lt3A_1224 : i1 to i32
      %cond3A_1226 = arith.constant 0 : i32
      %cond3A_1227 = arith.cmpi ne, %convert_element_type3A_1225, %cond3A_1226 : i32
      scf.if %cond3A_1227 {
        %add3A_1261 = arith.constant 8 : i32
        %add3A_1262 = arith.addi %mul3A_1057, %add3A_1261 : i32
        %add3A_1263 = arith.constant 4 : i32
        %add3A_1264 = arith.addi %add3A_1262, %add3A_1263 : i32
        %mul3A_1265 = arith.constant 16 : i32
        %mul3A_1266 = arith.muli %add3A_1264, %mul3A_1265 : i32
        %get3A_1267 = arith.index_cast %mul3A_1266 : i32 to index
        %get3A_1268 = tpu.vector_load %arg8[%get3A_1267] {strides = array<i32>} : memref<4096xi32, #tpu.memory_space<vmem>>, vector<16xi32>,
        %ge3A_1269 = arith.constant 0 : i32
        %ge3A_1270 = vector.broadcast %ge3A_1269 : i32 to vector<16xi32>
        %ge3A_1271 = arith.cmpi sge, %get3A_1268, %ge3A_1270 : vector<16xi32>
        %lt3A_1272 = arith.constant 512 : i32
        %lt3A_1273 = vector.broadcast %lt3A_1272 : i32 to vector<16xi32>
        %lt3A_1274 = arith.cmpi slt, %get3A_1268, %lt3A_1273 : vector<16xi32>
        %jit3A_1275 = arith.constant 0 : i32
        %broadcast_in_dim3A_1276 = vector.broadcast %jit3A_1275 : i32 to vector<16xi32>
        %select_n3A_1277 = arith.select %lt3A_1274, %get3A_1268, %broadcast_in_dim3A_1276 : vector<16xi1>, vector<16xi32>
        %jit3A_1278 = arith.constant 0 : i32
        %broadcast_in_dim3A_1279 = vector.broadcast %jit3A_1278 : i32 to vector<16xi32>
        %select_n3A_1280 = arith.select %ge3A_1271, %select_n3A_1277, %broadcast_in_dim3A_1279 : vector<16xi1>, vector<16xi32>
        %dma_start3A_1281 = arith.constant 0 : i32
        %dma_start3A_1282 = arith.constant 0 : i32
        %dma_start3A_1283 = tpu.memref_slice %arg3[%dma_start3A_1281, %dma_start3A_1282] : memref<512x512xf32, #tpu.memory_space<hbm>> -> memref<512x512xf32, #tpu.memory_space<hbm>>
        tpu.enqueue_indirect_dma source(%dma_start3A_1283 : memref<512x512xf32, #tpu.memory_space<hbm>>) target(%arg13 : memref<16x512xf32, #tpu.memory_space<vmem>>) offsets(%select_n3A_1280 : vector<16xi32>) semaphore(%arg21 : memref<!tpu.dma_semaphore, #tpu.memory_space<semaphore_mem>>)
      } else {
      }
      %dma_wait3A_1228 = arith.constant 0 : i32
      %dma_wait3A_1229 = arith.constant 0 : i32
      %dma_wait3A_1230 = tpu.memref_slice %arg4[%dma_wait3A_1228, %dma_wait3A_1229] : memref<131072x512xf32, #tpu.memory_space<hbm>> -> memref<16x512xf32, #tpu.memory_space<hbm>>
      %dma_wait3A_1231 = arith.constant 0 : i32
      %dma_wait3A_1232 = arith.constant 0 : i32
      %dma_wait3A_1233 = tpu.memref_slice %arg4[%dma_wait3A_1231, %dma_wait3A_1232] : memref<131072x512xf32, #tpu.memory_space<hbm>> -> memref<16x512xf32, #tpu.memory_space<hbm>>
      tpu.wait_dma2 semaphore(%arg30 : memref<!tpu.dma_semaphore, #tpu.memory_space<semaphore_mem>>) src(%arg14 : memref<16x512xf32, #tpu.memory_space<vmem>>) dst(%dma_wait3A_1233 : memref<16x512xf32, #tpu.memory_space<hbm>>)
      %lt3A_1234 = arith.constant 31 : i32
      %lt3A_1235 = arith.cmpi slt, %scan3A_1055, %lt3A_1234 : i32
      %convert_element_type3A_1236 = arith.extui %lt3A_1235 : i1 to i32
      %cond3A_1237 = arith.constant 0 : i32
      %cond3A_1238 = arith.cmpi ne, %convert_element_type3A_1236, %cond3A_1237 : i32
      scf.if %cond3A_1238 {
        %add3A_1261 = arith.constant 8 : i32
        %add3A_1262 = arith.addi %mul3A_1057, %add3A_1261 : i32
        %add3A_1263 = arith.constant 5 : i32
        %add3A_1264 = arith.addi %add3A_1262, %add3A_1263 : i32
        %mul3A_1265 = arith.constant 16 : i32
        %mul3A_1266 = arith.muli %add3A_1264, %mul3A_1265 : i32
        %get3A_1267 = arith.index_cast %mul3A_1266 : i32 to index
        %get3A_1268 = tpu.vector_load %arg8[%get3A_1267] {strides = array<i32>} : memref<4096xi32, #tpu.memory_space<vmem>>, vector<16xi32>,
        %ge3A_1269 = arith.constant 0 : i32
        %ge3A_1270 = vector.broadcast %ge3A_1269 : i32 to vector<16xi32>
        %ge3A_1271 = arith.cmpi sge, %get3A_1268, %ge3A_1270 : vector<16xi32>
        %lt3A_1272 = arith.constant 512 : i32
        %lt3A_1273 = vector.broadcast %lt3A_1272 : i32 to vector<16xi32>
        %lt3A_1274 = arith.cmpi slt, %get3A_1268, %lt3A_1273 : vector<16xi32>
        %jit3A_1275 = arith.constant 0 : i32
        %broadcast_in_dim3A_1276 = vector.broadcast %jit3A_1275 : i32 to vector<16xi32>
        %select_n3A_1277 = arith.select %lt3A_1274, %get3A_1268, %broadcast_in_dim3A_1276 : vector<16xi1>, vector<16xi32>
        %jit3A_1278 = arith.constant 0 : i32
        %broadcast_in_dim3A_1279 = vector.broadcast %jit3A_1278 : i32 to vector<16xi32>
        %select_n3A_1280 = arith.select %ge3A_1271, %select_n3A_1277, %broadcast_in_dim3A_1279 : vector<16xi1>, vector<16xi32>
        %dma_start3A_1281 = arith.constant 0 : i32
        %dma_start3A_1282 = arith.constant 0 : i32
        %dma_start3A_1283 = tpu.memref_slice %arg3[%dma_start3A_1281, %dma_start3A_1282] : memref<512x512xf32, #tpu.memory_space<hbm>> -> memref<512x512xf32, #tpu.memory_space<hbm>>
        tpu.enqueue_indirect_dma source(%dma_start3A_1283 : memref<512x512xf32, #tpu.memory_space<hbm>>) target(%arg14 : memref<16x512xf32, #tpu.memory_space<vmem>>) offsets(%select_n3A_1280 : vector<16xi32>) semaphore(%arg22 : memref<!tpu.dma_semaphore, #tpu.memory_space<semaphore_mem>>)
      } else {
      }
      %dma_wait3A_1239 = arith.constant 0 : i32
      %dma_wait3A_1240 = arith.constant 0 : i32
      %dma_wait3A_1241 = tpu.memref_slice %arg4[%dma_wait3A_1239, %dma_wait3A_1240] : memref<131072x512xf32, #tpu.memory_space<hbm>> -> memref<16x512xf32, #tpu.memory_space<hbm>>
      %dma_wait3A_1242 = arith.constant 0 : i32
      %dma_wait3A_1243 = arith.constant 0 : i32
      %dma_wait3A_1244 = tpu.memref_slice %arg4[%dma_wait3A_1242, %dma_wait3A_1243] : memref<131072x512xf32, #tpu.memory_space<hbm>> -> memref<16x512xf32, #tpu.memory_space<hbm>>
      tpu.wait_dma2 semaphore(%arg31 : memref<!tpu.dma_semaphore, #tpu.memory_space<semaphore_mem>>) src(%arg15 : memref<16x512xf32, #tpu.memory_space<vmem>>) dst(%dma_wait3A_1244 : memref<16x512xf32, #tpu.memory_space<hbm>>)
      %lt3A_1245 = arith.constant 31 : i32
      %lt3A_1246 = arith.cmpi slt, %scan3A_1055, %lt3A_1245 : i32
      %convert_element_type3A_1247 = arith.extui %lt3A_1246 : i1 to i32
      %cond3A_1248 = arith.constant 0 : i32
      %cond3A_1249 = arith.cmpi ne, %convert_element_type3A_1247, %cond3A_1248 : i32
      scf.if %cond3A_1249 {
        %add3A_1261 = arith.constant 8 : i32
        %add3A_1262 = arith.addi %mul3A_1057, %add3A_1261 : i32
        %add3A_1263 = arith.constant 6 : i32
        %add3A_1264 = arith.addi %add3A_1262, %add3A_1263 : i32
        %mul3A_1265 = arith.constant 16 : i32
        %mul3A_1266 = arith.muli %add3A_1264, %mul3A_1265 : i32
        %get3A_1267 = arith.index_cast %mul3A_1266 : i32 to index
        %get3A_1268 = tpu.vector_load %arg8[%get3A_1267] {strides = array<i32>} : memref<4096xi32, #tpu.memory_space<vmem>>, vector<16xi32>,
        %ge3A_1269 = arith.constant 0 : i32
        %ge3A_1270 = vector.broadcast %ge3A_1269 : i32 to vector<16xi32>
        %ge3A_1271 = arith.cmpi sge, %get3A_1268, %ge3A_1270 : vector<16xi32>
        %lt3A_1272 = arith.constant 512 : i32
        %lt3A_1273 = vector.broadcast %lt3A_1272 : i32 to vector<16xi32>
        %lt3A_1274 = arith.cmpi slt, %get3A_1268, %lt3A_1273 : vector<16xi32>
        %jit3A_1275 = arith.constant 0 : i32
        %broadcast_in_dim3A_1276 = vector.broadcast %jit3A_1275 : i32 to vector<16xi32>
        %select_n3A_1277 = arith.select %lt3A_1274, %get3A_1268, %broadcast_in_dim3A_1276 : vector<16xi1>, vector<16xi32>
        %jit3A_1278 = arith.constant 0 : i32
        %broadcast_in_dim3A_1279 = vector.broadcast %jit3A_1278 : i32 to vector<16xi32>
        %select_n3A_1280 = arith.select %ge3A_1271, %select_n3A_1277, %broadcast_in_dim3A_1279 : vector<16xi1>, vector<16xi32>
        %dma_start3A_1281 = arith.constant 0 : i32
        %dma_start3A_1282 = arith.constant 0 : i32
        %dma_start3A_1283 = tpu.memref_slice %arg3[%dma_start3A_1281, %dma_start3A_1282] : memref<512x512xf32, #tpu.memory_space<hbm>> -> memref<512x512xf32, #tpu.memory_space<hbm>>
        tpu.enqueue_indirect_dma source(%dma_start3A_1283 : memref<512x512xf32, #tpu.memory_space<hbm>>) target(%arg15 : memref<16x512xf32, #tpu.memory_space<vmem>>) offsets(%select_n3A_1280 : vector<16xi32>) semaphore(%arg23 : memref<!tpu.dma_semaphore, #tpu.memory_space<semaphore_mem>>)
      } else {
      }
      %dma_wait3A_1250 = arith.constant 0 : i32
      %dma_wait3A_1251 = arith.constant 0 : i32
      %dma_wait3A_1252 = tpu.memref_slice %arg4[%dma_wait3A_1250, %dma_wait3A_1251] : memref<131072x512xf32, #tpu.memory_space<hbm>> -> memref<16x512xf32, #tpu.memory_space<hbm>>
      %dma_wait3A_1253 = arith.constant 0 : i32
      %dma_wait3A_1254 = arith.constant 0 : i32
      %dma_wait3A_1255 = tpu.memref_slice %arg4[%dma_wait3A_1253, %dma_wait3A_1254] : memref<131072x512xf32, #tpu.memory_space<hbm>> -> memref<16x512xf32, #tpu.memory_space<hbm>>
      tpu.wait_dma2 semaphore(%arg32 : memref<!tpu.dma_semaphore, #tpu.memory_space<semaphore_mem>>) src(%arg16 : memref<16x512xf32, #tpu.memory_space<vmem>>) dst(%dma_wait3A_1255 : memref<16x512xf32, #tpu.memory_space<hbm>>)
      %lt3A_1256 = arith.constant 31 : i32
      %lt3A_1257 = arith.cmpi slt, %scan3A_1055, %lt3A_1256 : i32
      %convert_element_type3A_1258 = arith.extui %lt3A_1257 : i1 to i32
      %cond3A_1259 = arith.constant 0 : i32
      %cond3A_1260 = arith.cmpi ne, %convert_element_type3A_1258, %cond3A_1259 : i32
      scf.if %cond3A_1260 {
        %add3A_1261 = arith.constant 8 : i32
        %add3A_1262 = arith.addi %mul3A_1057, %add3A_1261 : i32
        %add3A_1263 = arith.constant 7 : i32
        %add3A_1264 = arith.addi %add3A_1262, %add3A_1263 : i32
        %mul3A_1265 = arith.constant 16 : i32
        %mul3A_1266 = arith.muli %add3A_1264, %mul3A_1265 : i32
        %get3A_1267 = arith.index_cast %mul3A_1266 : i32 to index
        %get3A_1268 = tpu.vector_load %arg8[%get3A_1267] {strides = array<i32>} : memref<4096xi32, #tpu.memory_space<vmem>>, vector<16xi32>,
        %ge3A_1269 = arith.constant 0 : i32
        %ge3A_1270 = vector.broadcast %ge3A_1269 : i32 to vector<16xi32>
        %ge3A_1271 = arith.cmpi sge, %get3A_1268, %ge3A_1270 : vector<16xi32>
        %lt3A_1272 = arith.constant 512 : i32
        %lt3A_1273 = vector.broadcast %lt3A_1272 : i32 to vector<16xi32>
        %lt3A_1274 = arith.cmpi slt, %get3A_1268, %lt3A_1273 : vector<16xi32>
        %jit3A_1275 = arith.constant 0 : i32
        %broadcast_in_dim3A_1276 = vector.broadcast %jit3A_1275 : i32 to vector<16xi32>
        %select_n3A_1277 = arith.select %lt3A_1274, %get3A_1268, %broadcast_in_dim3A_1276 : vector<16xi1>, vector<16xi32>
        %jit3A_1278 = arith.constant 0 : i32
        %broadcast_in_dim3A_1279 = vector.broadcast %jit3A_1278 : i32 to vector<16xi32>
        %select_n3A_1280 = arith.select %ge3A_1271, %select_n3A_1277, %broadcast_in_dim3A_1279 : vector<16xi1>, vector<16xi32>
        %dma_start3A_1281 = arith.constant 0 : i32
        %dma_start3A_1282 = arith.constant 0 : i32
        %dma_start3A_1283 = tpu.memref_slice %arg3[%dma_start3A_1281, %dma_start3A_1282] : memref<512x512xf32, #tpu.memory_space<hbm>> -> memref<512x512xf32, #tpu.memory_space<hbm>>
        tpu.enqueue_indirect_dma source(%dma_start3A_1283 : memref<512x512xf32, #tpu.memory_space<hbm>>) target(%arg16 : memref<16x512xf32, #tpu.memory_space<vmem>>) offsets(%select_n3A_1280 : vector<16xi32>) semaphore(%arg24 : memref<!tpu.dma_semaphore, #tpu.memory_space<semaphore_mem>>)
      } else {
      }
    }
    %scan3A_1054 = arith.constant 32 : i32
    return
  }
}

</mosaic_0001>

<sc_bundles>
// kernel: kernel.3.cloned.1.call-start
scs
__scs_entry_jumppad:
0x0: {  	(pc) =	sbr.rel $0x88, $3  }
0x1: {  	(tag) =	ssettag $0x0;
	lr =	simm.s32 $0x1  }
0x2: {  	[smem:$0x3F9E] =	sst lr;
	_ =	strace $0xD0000000  }
0x3: {  	_ = 	snop  }
0x4: {  	_ = 	snop  }
0x5: {  	_ = 	snop  }
0x6: {  	_ = 	snop  }
0x7: {  	_ = 	snop  }
__scs_overlays_trampoline_lowered:
0x8: {  	[smem:$0x3FAD] =	sst s0  }
0x9: {  	[smem:$0x3FAE] =	sst s1  }
0xa: {  	[smem:$0x3FAF] =	sst s2  }
0xb: {  	[smem:$0x3FB0] =	sst s3  }
0xc: {  	[smem:$0x3FB1] =	sst s4  }
0xd: {  	[smem:$0x3FB2] =	sst s5  }
0xe: {  	[smem:$0x3FB3] =	sst s6  }
0xf: {  	[smem:$0x3FB4] =	sst s7  }
0x10: {  	[smem:$0x3FB5] =	sst s8  }
0x11: {  	[smem:$0x3FB6] =	sst s9;
	s0 =	simm.s32 @!p0 $0x0  }
0x12: {  	s1 =	sld [smem:$0x3F9C];
	s0 =	simm.s32 @p0 $0x1  }
0x13: {  	[smem:$0x3FB7] =	sst s0;
	s0 =	simm.s32 @!p1 $0x0  }
0x14: {  	s2 =	sld [smem:$0x3F9B];
	s0 =	simm.s32 @p1 $0x1  }
0x15: {  	[smem:$0x3FB8] =	sst s0;
	s0 =	simm.s32 @!p2 $0x0  }
0x16: {  	s3 =	sld [smem:$0x3FDB];
	s0 =	simm.s32 @p2 $0x1  }
0x17: {  	s4 =	simm.s32 $0x1BF5;
	[smem:$0x3FBA] =	sst s0  }
0x18: {  	s0 =	sld [smem:$0x3F9D];
	_ =	swait.ge [sflag:s4], $0x0  }
0x19: {  	s7 =	sld [smem:$0x3F9E]  }
0x1a: {  	s8 =	sadd.s32 $0xFFFFE003, lr  }
0x1b: {  	s9 =	sadd.s32 $0xFFFFFEF7, lr;
	s5 =	simm.s32 $0xFFFFFFFF;
	p2 =	slt.u32 s8, $0xFFFFF086  }
0x1c: {  	p1 =	slt.u32 s9, $0xF7A;
	s5 =	simm.s32 @!p2 $0x0  }
0x1d: {  	s5 =	simm.s32 @p1 $0x1;
	p0 =	seq.s32 s7, s2  }
0x1e: {  	s7 =	smul.u32 @!p0 $0xF7A, s2;
	p2 =	seq.s32 @!p0 s5, $0x0  }
0x1f: {  	s9 =	smul.u32 $0xF7A, s1;
	s8 =	simm.s32 @!p0 $0x1BF5;
	p2 =	por !p2, p0  }
0x20: {  	[sflag:s8] =	ssyncset.s32 @!p0 $0xFFFFF086;
	s6 =	sadd.s32 @!p0 s3, s7;
	s7 =	simm.s32 @!p0 $0x108  }
0x21: {  	s3 =	sadd.s32 s3, s9;
	s6 =	sadd.s32 @!p0 $0x88, s6;
	s7 =	simm.s32 @p2 $0x1082  }
0x22: {  	[simem:s7], [sflag:s8] =	dma.local @!p0 [hbm:s6], $0xF7A  }
0x23: {  	s9 =	sor.u32 $0xD0000000, s2;
	s6 =	simm.s32 $0x108;
	_ =	swait.ge @!p0 [sflag:s8], $0x0  }
0x24: {  	s3 =	sadd.s32 $0x88, s3;
	s6 =	simm.s32 @!p1 $0x1082;
	[sflag:s4] =	ssyncset.s32 $0xFFFFF086  }
0x25: {  	[simem:s6], [sflag:s4] =	dma.local [hbm:s3], $0xF7A  }
0x26: {  	[smem:$0x3F9E] =	sst s1;
	(tag) =	ssettag s2;
	_ =	strace s9  }
0x27: {  	s1 =	sld [smem:$0x3FAE]  }
0x28: {  	s2 =	sld [smem:$0x3FAF]  }
0x29: {  	s4 =	sld [smem:$0x3FB1]  }
0x2a: {  	p0 =	seq.s32 s5, $0x0;
	s5 =	sld [smem:$0x3FB2]  }
0x2b: {  	s6 =	sld [smem:$0x3FB3]  }
0x2c: {  	s7 =	sld [smem:$0x3FB4]  }
0x2d: {  	s3 =	simm.s32 $0x108;
	s8 =	sld [smem:$0x3FB5]  }
0x2e: {  	s3 =	simm.s32 @!p0 $0x1082;
	s9 =	sld [smem:$0x3FB6]  }
0x2f: {  	lr =	sadd.s32 s0, s3;
	s0 =	sld [smem:$0x3FAD]  }
0x30: {  	s3 =	sld [smem:$0x3FB0]  }
0x31: {  	[smem:$0x3FB9] =	sst s10  }
0x32: {  	s10 =	sld [smem:$0x3FB7];
	_ =	sdelay $0x3  }
0x33: {  	p0 =	seq.s32 s10, $0x1;
	s10 =	sld [smem:$0x3FB9];
	_ =	sdelay $0x3  }
0x34: {  	[smem:$0x3FB9] =	sst s10  }
0x35: {  	s10 =	sld [smem:$0x3FB8];
	_ =	sdelay $0x3  }
0x36: {  	p1 =	seq.s32 s10, $0x1;
	s10 =	sld [smem:$0x3FB9];
	_ =	sdelay $0x3  }
0x37: {  	[smem:$0x3FB9] =	sst s10  }
0x38: {  	s10 =	sld [smem:$0x3FBA]  }
0x39: {  	_ = 	snop;
	(pc) =	sbr.ind lr, $3  }
0x3a: {  	_ = 	snop  }
0x3b: {  	_ = 	snop  }
0x3c: {  	p2 =	seq.s32 s10, $0x1;
	s10 =	sld [smem:$0x3FB9]  }
0x3d: {  	_ =	shalt  }
0x3e: {  	_ =	shalt  }
0x3f: {  	_ =	shalt  }
0x40: {  	_ =	shalt  }
0x41: {  	_ =	shalt  }
0x42: {  	_ =	shalt  }
0x43: {  	_ =	shalt  }
0x44: {  	_ =	shalt  }
0x45: {  	_ =	shalt  }
0x46: {  	_ =	shalt  }
0x47: {  	_ =	shalt  }
0x48: {  	_ =	shalt  }
0x49: {  	_ =	shalt  }
0x4a: {  	_ =	shalt  }
0x4b: {  	_ =	shalt  }
0x4c: {  	_ =	shalt  }
0x4d: {  	_ =	shalt  }
0x4e: {  	_ =	shalt  }
0x4f: {  	_ =	shalt  }
0x50: {  	_ =	shalt  }
0x51: {  	_ =	shalt  }
0x52: {  	_ =	shalt  }
0x53: {  	_ =	shalt  }
0x54: {  	_ =	shalt  }
0x55: {  	_ =	shalt  }
0x56: {  	_ =	shalt  }
0x57: {  	_ =	shalt  }
0x58: {  	_ =	shalt  }
0x59: {  	_ =	shalt  }
0x5a: {  	_ =	shalt  }
0x5b: {  	_ =	shalt  }
0x5c: {  	_ =	shalt  }
0x5d: {  	_ =	shalt  }
0x5e: {  	_ =	shalt  }
0x5f: {  	_ =	shalt  }
0x60: {  	_ =	shalt  }
0x61: {  	_ =	shalt  }
0x62: {  	_ =	shalt  }
0x63: {  	_ =	shalt  }
0x64: {  	_ =	shalt  }
0x65: {  	_ =	shalt  }
0x66: {  	_ =	shalt  }
0x67: {  	_ =	shalt  }
0x68: {  	_ =	shalt  }
0x69: {  	_ =	shalt  }
0x6a: {  	_ =	shalt  }
0x6b: {  	_ =	shalt  }
0x6c: {  	_ =	shalt  }
0x6d: {  	_ =	shalt  }
0x6e: {  	_ =	shalt  }
0x6f: {  	_ =	shalt  }
0x70: {  	_ =	shalt  }
0x71: {  	_ =	shalt  }
0x72: {  	_ =	shalt  }
0x73: {  	_ =	shalt  }
0x74: {  	_ =	shalt  }
0x75: {  	_ =	shalt  }
0x76: {  	_ =	shalt  }
0x77: {  	_ =	shalt  }
0x78: {  	_ =	shalt  }
0x79: {  	_ =	shalt  }
0x7a: {  	_ =	shalt  }
0x7b: {  	_ =	shalt  }
0x7c: {  	_ =	shalt  }
0x7d: {  	_ =	shalt  }
0x7e: {  	_ =	shalt  }
0x7f: {  	_ =	shalt  }
0x80: {  	_ =	shalt  }
0x81: {  	_ =	shalt  }
0x82: {  	_ =	shalt  }
0x83: {  	_ =	shalt  }
0x84: {  	_ =	shalt  }
0x85: {  	_ =	shalt  }
0x86: {  	_ =	shalt  }
0x87: {  	_ =	shalt  }
.Lfunc_end0:
.L_simem_size_0:
called_computation_lowered:
.L_overlay_start_0:
0x88: {  	s2 =	sld [smem:$0x3FD9]  }
0x89: {  	s3 =	sld [smem:$0x3FFE];
	_ =	sdelay $0x1  }
0x8a: {  	s1 =	srdreg.scid  }
0x8b: {  	s0 =	sand.u32 $0x1, s1  }
0x8c: {  	s17 =	sshll.u32 s0, $0xA;
	s2 =	sadd.s32 s3, s2  }
0x8d: {  	s2 =	sadd.s32 s2, s17  }
0x8e: {  	[smem:$0x3FC5] =	sst s2  }
0x8f: {  	_ = 	snop  }
0x90: {  	s2 =	sld [smem:$0x3FC9]  }
0x91: {  	s18 =	sld [smem:$0x3FD0];
	(tm) =	ssettm $0x1  }
0x92: {  	s4 =	sld [smem:$0x3FFB];
	_ =	sdelay $0x3  }
0x93: {  	_ =	strace s4  }
0x94: {  	s4 =	sld [smem:$0x3FFC];
	_ =	sdelay $0x3  }
0x95: {  	_ =	strace s4  }
0x96: {  	s4 =	sld [smem:$0x3FFD];
	_ =	sdelay $0x3  }
0x97: {  	_ =	strace s4  }
0x98: {  	_ =	strace $0x8FFFFFFF  }
0x99: {  	s19 =	sld [smem:$0x3FDB];
	_ =	sdelay $0x1  }
0x9a: {  	s5 =	simm.s32 $_scs_section_size  }
0x9b: {  	s6 =	simm.s32 $_size__tile_overlayer_lowered;
	s7 =	simm.s32 $_tile_overlayer_lowered  }
0x9c: {  	s22 =	simm.s32 $0x1BFF;
	s21 =	sshll.u32 s7, $0x1;
	s4 =	sadd.s32 s5, s19  }
0x9d: {  	s8 =	simm.s32 $0x0;
	s20 =	sshll.u32 s6, $0x1;
	s6 =	sadd.s32 s21, s4  }
0x9e: {  	[timem:s8], [sflag:s22] =	dma.local [hbm:s6], s20  }
0x9f: {  	_ =	swait.ge [sflag:s22], s20  }
0xa0: {  	s5 =	ssub.s32 $0x0, s20;
	[sflag:s22] =	ssyncset.done $0x0  }
0xa1: {  	[sflag:s22] =	ssyncadd.s32 s5;
	_ =	sdelay $0x1  }
0xa2: {  	s23 =	simm.s32 $0x1B8B  }
0xa3: {  	_ =	swait.ge [sflag:s23], $0x1  }
0xa4: {  	[sflag:s23] =	ssyncset.done $0x0  }
0xa5: {  	s25 =	simm.s32 $0x1B8E;
	s24 =	sld [smem:$0x3FFE];
	[sflag:s23] =	ssyncadd.s32 $0xFFFFFFFF  }
0xa6: {  	s26 =	simm.s32 $execute0_lowered;
	[smem:$0x3FD2] =	sst s25  }
0xa7: {  	s6 =	sshll.u32 s26, $0x1;
	_ =	strace $0x80000046;
	[dreg:$0x1] =	wrdreg $0xFFFFFFFF  }
0xa8: {  	s28 =	simm.s32 $_size_execute0_lowered;
	s4 =	sadd.s32 s4, s6;
	[dreg:$0x0] =	wrdreg $0x0  }
0xa9: {  	s6 =	sshll.u32 s28, $0x1;
	[dreg:$0x2] =	wrdreg s4  }
0xaa: {  	[dreg:$0x3] =	wrdreg s6  }
0xab: {  	[dreg:$0x4] =	wrdreg $0xC0  }
0xac: {  	_ =	task [dreg:s8], $0x5FFFF  }
0xad: {  	[dreg:$0x1] =	wrdreg $0xFFFFFFFF  }
0xae: {  	[dreg:$0x0] =	wrdreg $0x60  }
0xaf: {  	[dreg:$0x2] =	wrdreg s2  }
0xb0: {  	[dreg:$0x3] =	wrdreg s24  }
0xb1: {  	[dreg:$0x4] =	wrdreg s18  }
0xb2: {  	[dreg:$0x5] =	wrdreg $0x9  }
0xb3: {  	_ =	task.clear_ibuf [dreg:s8], $0x6FFFF;
	_ =	strace $0x90000046  }
0xb4: {  	s29 =	simm.s32 $0x9;
	_ =	strace $0x80000048  }
0xb5: {  	_ =	swait.ge [sflag:s29], $0x1  }
0xb6: {  	[sflag:s29] =	ssyncadd.s32 $0xFFFFFFFF  }
0xb7: {  	_ =	strace $0x90000048  }
0xb8: {  	_ =	sfence  }
0xb9: {  	s30 =	sld [smem:$0x0];
	_ =	sdelay $0x2  }
0xba: {  	s31 =	sshll.u32 s1, $0xD;
	s1 =	sshrl.u32 s1, $0x2  }
0xbb: {  	s3 =	sand.u32 $0x4000, s31;
	s1 =	sadd.s32 s1, s30  }
0xbc: {  	s0 =	sor.u32 s3, s0;
	s1 =	sshll.u32 s1, $0x11  }
0xbd: {  	s0 =	sor.u32 s1, s0  }
0xbe: {  	s0 =	sadd.s32 $0x8F2B, s0  }
0xbf: {  	[sflag:s0] =	ssyncadd.remote.s32 $0x1  }
0xc0: {  	_ =	sfence.sel $0xFFFF  }
0xc1: {  	[dreg:$0x0] =	wrdreg $0xFFFFFFFF;
	(pc) =	sbr.abs _section_cstart, $3  }
0xc2: {  	[dreg:$0x1] =	wrdreg $0xFFFFFFFF  }
0xc3: {  	_ =	task.clear_ibuf [dreg:s8], $0x2FFFF;
	_ =	strace $0x9FFFFFFF  }
0xc4: {  	(tm) =	ssettm $0x7FFFFFFF  }
0xc5: {  	_ =	shalt  }
tec
execute0_lowered:
.L_overlay_start_1:
0x0: {  	(tag) =	ssettag $0x1  }
0x1: {  	v0 =	vlaneseq.u32;
	v2 =	vimm.s32 $0x0  }
0x2: {  	s0 =	rddreg [dreg:$0x0];
	vm0 =	vmmov $0xffff;
	v24 =	vimm.s32 $0x15;
	v25 =	vimm.s32 $0x25  }
0x3: {  	s2 =	rddreg [dreg:$0x1];
	v28 =	vimm.s32 $0x16;
	v29 =	vimm.s32 $0x26;
	v32 =	vimm.s32 $0x17  }
0x4: {  	s4 =	rddreg [dreg:$0x2];
	v33 =	vimm.s32 $0x27;
	v36 =	vimm.s32 $0x18;
	v37 =	vimm.s32 $0x28  }
0x5: {  	s1 =	simm.s32 $0x0;
	s3 =	srdreg.scid;
	s10 =	stileid.u32;
	v40 =	vimm.s32 $0x19;
	v41 =	vimm.s32 $0x29;
	v44 =	vimm.s32 $0x1A  }
0x6: {  	s11 =	simm.s32 $0x1180;
	s12 =	simm.s32 $0x4180;
	s29 =	simm.s32 $0x6180;
	v45 =	vimm.s32 $0x2A;
	v48 =	vimm.s32 $0x1B;
	v49 =	vimm.s32 $0x2B  }
0x7: {  	s20 =	simm.s32 $0xE180;
	v52 =	vimm.s32 $0x1C;
	v53 =	vimm.s32 $0x2C;
	s28 =	simm.s32 $0x5;
	v56 =	vimm.s32 $0x1D;
	s30 =	simm.s32 $0x6  }
0x8: {  	s31 =	simm.s32 $0x7;
	v57 =	vimm.s32 $0x2D;
	v60 =	vimm.s32 $0x1E;
	v61 =	vimm.s32 $0x2E;
	s13 =	simm.s32 $0xC;
	s14 =	simm.s32 $0xD  }
0x9: {  	s15 =	simm.s32 $0xE;
	v4 =	vimm.s32 $0x1F;
	v5 =	vimm.s32 $0x2F;
	s18 =	simm.s32 $0xF;
	s19 =	simm.s32 $0x10;
	v1 =	vmul.u32 $0x10, v0  }
0xa: {  	[smem:$0x7FF] =	sst s1;
	s6 =	sand.u32 $0x1, s3;
	s8 =	sshll.u32 s10, $0xA;
	v7 =	vor.u32 $0x100, v0;
	v10 =	vor.u32 $0x10, v0;
	v11 =	vor.u32 $0x110, v0  }
0xb: {  	s3 =	sadd.s32 $0x400, s2;
	s24 =	sshll.u32 s10, $0x13;
	v14 =	vor.u32 $0x20, v0;
	s10 =	simm.s32 $0x1100;
	v15 =	vor.u32 $0x120, v0;
	v18 =	vor.u32 $0x30, v0  }
0xc: {  	v19 =	vor.u32 $0x130, v0;
	v22 =	vor.u32 $0x40, v0;
	v23 =	vor.u32 $0x140, v0;
	_ =	strace $0x80000047;
	s5 =	ssub.s32 $0x2, s6;
	s9 =	sshll.u32 s6, $0x9  }
0xd: {  	v26 =	vor.u32 $0x50, v0;
	v27 =	vor.u32 $0x150, v0;
	v30 =	vor.u32 $0x60, v0;
	s26 =	sshll.u32 s6, $0x12;
	s6 =	simm.s32 $0xA;
	s7 =	sshrl.u32 s5, $0x1  }
0xe: {  	v31 =	vor.u32 $0x160, v0;
	v34 =	vor.u32 $0x70, v0;
	v35 =	vor.u32 $0x170, v0;
	s23 =	sor.u32 s9, s8;
	s8 =	simm.s32 $0xB;
	s7 =	ssub.s32 s5, s7  }
.Ltmp0:
0xf: {  	v38 =	vor.u32 $0x80, v0;
	v39 =	vor.u32 $0x180, v0;
	v42 =	vor.u32 $0x90, v0;
	s0 =	sadd.s32 s0, s23;
	s5 =	sadd.s32 $0x500, s2;
	(pc) =	sbr.rel .LBB2_1-.Ltmp0, $4  }
0x10: {  	v43 =	vor.u32 $0x190, v0;
	v46 =	vor.u32 $0xA0, v0;
	v47 =	vor.u32 $0x1A0, v0;
	s23 =	simm.s32 $0x10180;
	s2 =	simm.s32 $0x0;
	[dreg:$0x4] =	wrdreg s0  }
0x11: {  	v50 =	vor.u32 $0xB0, v0;
	v51 =	vor.u32 $0x1B0, v0;
	v54 =	vor.u32 $0xC0, v0;
	s25 =	smax.u32 s7, $0x1;
	s0 =	sadd.s32 s24, s4;
	s24 =	simm.s32 $0x2180  }
0x12: {  	v55 =	vor.u32 $0x1C0, v0;
	v58 =	vor.u32 $0xD0, v0;
	v59 =	vor.u32 $0x1D0, v0;
	s4 =	simm.s32 $0x9;
	[dreg:$0x5] =	wrdreg s25;
	s0 =	sadd.s32 s26, s0  }
0x13: {  	v62 =	vor.u32 $0xE0, v0;
	v63 =	vor.u32 $0x1E0, v0;
	v3 =	vor.u32 $0xF, v1;
	s26 =	simm.s32 $0x4;
	[dreg:$0x6] =	wrdreg s0;
	s0 =	simm.s32 $0x8  }
.LBB2_6:
0x14: {  	_ =	swait.ge [sflag:s6], $0x2000  }
0x15: {  	[sflag:s6] =	ssyncset.done $0x0  }
0x16: {  	[sflag:s6] =	ssyncadd.s32 $0xFFFFE000  }
0x17: {  	_ =	swait.ge [sflag:s8], $0x2000  }
0x18: {  	[sflag:s8] =	ssyncset.done $0x0  }
0x19: {  	[sflag:s8] =	ssyncadd.s32 $0xFFFFE000  }
0x1a: {  	_ =	swait.ge [sflag:s13], $0x2000  }
0x1b: {  	[sflag:s13] =	ssyncset.done $0x0  }
0x1c: {  	[sflag:s13] =	ssyncadd.s32 $0xFFFFE000  }
0x1d: {  	_ =	swait.ge [sflag:s14], $0x2000  }
0x1e: {  	[sflag:s14] =	ssyncset.done $0x0  }
0x1f: {  	[sflag:s14] =	ssyncadd.s32 $0xFFFFE000  }
0x20: {  	_ =	swait.ge [sflag:s15], $0x2000  }
0x21: {  	[sflag:s15] =	ssyncset.done $0x0  }
0x22: {  	[sflag:s15] =	ssyncadd.s32 $0xFFFFE000  }
0x23: {  	_ =	swait.ge [sflag:s18], $0x2000  }
0x24: {  	[sflag:s18] =	ssyncset.done $0x0  }
0x25: {  	[sflag:s18] =	ssyncadd.s32 $0xFFFFE000  }
0x26: {  	_ =	swait.ge [sflag:s19], $0x2000  }
0x27: {  	s2 =	rddreg [dreg:$0x7]  }
0x28: {  	s7 =	rddreg [dreg:$0x5];
	s2 =	sadd.s32 $0x1, s2  }
0x29: {  	p0 =	sne.s32 s2, s7  }
.Ltmp1:
0x2a: {  	_ = 	snop;
	(pc) =	sbr.rel @!p0 .LBB2_7-.Ltmp1, $3  }
0x2b: {  	_ =	sdelay $0x1  }
0x2c: {  	[sflag:s19] =	ssyncset.done $0x0  }
0x2d: {  	s12 =	simm.s32 $0x4180;
	[sflag:s19] =	ssyncadd.s32 $0xFFFFE000  }
.LBB2_1:
0x2e: {  	[dreg:$0x7] =	wrdreg s2  }
0x2f: {  	s7 =	rddreg [dreg:$0x4];
	s22 =	simm.s32 $0x11  }
0x30: {  	[tilespmem:s1], [sflag:$0x11] =	stream.linear.gather [hbm4b:s7+s1], $0x1000, $0x38;
	[tilespmem:$0x12180] =	vst v63  }
0x31: {  	_ =	swait.ge [sflag:s22], $0x1000  }
0x32: {  	[sflag:s22] =	ssyncset.done $0x0  }
0x33: {  	[sflag:s22] =	ssyncadd.s32 $0xFFFFF000  }
0x34: {  	v6 =	vld [tilespmem:$0x0]  }
0x35: {  	v8 =	vld [tilespmem:$0x10]  }
0x36: {  	v9 =	vld [tilespmem:$0x20]  }
0x37: {  	v12 =	vld [tilespmem:$0x30]  }
0x38: {  	v13 =	vld [tilespmem:$0x40]  }
0x39: {  	vm1 =	veq.s32 v6, $0x1;
	v6 =	vld [tilespmem:$0x50]  }
0x3a: {  	v16 =	vsel vm1, $0x1, v2;
	vm1 =	veq.s32 v8, $0x1;
	v8 =	vld [tilespmem:$0x60]  }
0x3b: {  	(xrf0) =	vadd.scan.msk.s32 $0xffff, v16;
	v16 =	vsel vm1, $0x1, v2;
	vm1 =	veq.s32 v9, $0x1;
	v9 =	vld [tilespmem:$0x70]  }
0x3c: {  	(xrf0) =	vadd.scan.msk.s32 $0xffff, v16;
	v16 =	vsel vm1, $0x1, v2;
	vm1 =	veq.s32 v12, $0x1;
	v12 =	vld [tilespmem:$0x400]  }
0x3d: {  	(xrf0) =	vadd.scan.msk.s32 $0xffff, v16;
	v16 =	vsel vm1, $0x1, v2;
	vm1 =	veq.s32 v13, $0x1;
	v13 =	vld [tilespmem:$0x410]  }
0x3e: {  	(xrf0) =	vadd.scan.msk.s32 $0xffff, v16;
	v16 =	vsel vm1, $0x1, v2;
	vm1 =	veq.s32 v6, $0x1;
	v6 =	vld [tilespmem:$0x420]  }
0x3f: {  	(xrf0) =	vadd.scan.msk.s32 $0xffff, v16;
	v16 =	vsel vm1, $0x1, v2;
	vm1 =	veq.s32 v8, $0x1;
	v8 =	vld [tilespmem:$0x430]  }
0x40: {  	(xrf0) =	vadd.scan.msk.s32 $0xffff, v16;
	v16 =	vsel vm1, $0x1, v2;
	vm1 =	veq.s32 v9, $0x1;
	v9 =	vld [tilespmem:$0x440]  }
0x41: {  	v17, _, _ =	vpop (xrf0);
	(xrf0) =	vadd.scan.msk.s32 $0xffff, v16;
	v16 =	vsel vm1, $0x1, v2;
	vm1 =	veq.s32 v12, $0x1;
	v12 =	vld [tilespmem:$0x450]  }
0x42: {  	[tilespmem:$0x1000] =	vst v17;
	v17, _, _ =	vpop (xrf0);
	(xrf0) =	vadd.scan.msk.s32 $0xffff, v16;
	v16 =	vsel vm1, $0x1, v2;
	vm1 =	veq.s32 v13, $0x1;
	v13 =	vld [tilespmem:$0x460]  }
0x43: {  	[tilespmem:$0x1010] =	vst v17;
	v17, _, _ =	vpop (xrf0);
	(xrf0) =	vadd.scan.msk.s32 $0xffff, v16;
	v16 =	vsel vm1, $0x1, v2;
	vm1 =	veq.s32 v6, $0x1;
	v6 =	vld [tilespmem:$0x470]  }
0x44: {  	[tilespmem:$0x1020] =	vst v17;
	v17, _, _ =	vpop (xrf0);
	(xrf0) =	vadd.scan.msk.s32 $0xffff, v16;
	v16 =	vsel vm1, $0x1, v2;
	vm1 =	veq.s32 v8, $0x1  }
0x45: {  	v8, _, _ =	vpop (xrf0);
	(xrf0) =	vadd.scan.msk.s32 $0xffff, v16;
	v16 =	vsel vm1, $0x1, v2;
	vm1 =	veq.s32 v9, $0x1  }
0x46: {  	[tilespmem:$0x1040] =	vst v8;
	v8, _, _ =	vpop (xrf0);
	(xrf0) =	vadd.scan.msk.s32 $0xffff, v16;
	v9 =	vsel vm1, $0x1, v2;
	vm1 =	veq.s32 v12, $0x1  }
0x47: {  	[tilespmem:$0x1050] =	vst v8;
	v8, _, _ =	vpop (xrf0);
	(xrf0) =	vadd.scan.msk.s32 $0xffff, v9;
	v9 =	vsel vm1, $0x1, v2;
	vm1 =	veq.s32 v13, $0x1  }
0x48: {  	[tilespmem:$0x1060] =	vst v8;
	v8, _, _ =	vpop (xrf0);
	(xrf0) =	vadd.scan.msk.s32 $0xffff, v9;
	v9 =	vsel vm1, $0x1, v2;
	vm1 =	veq.s32 v6, $0x1  }
0x49: {  	[tilespmem:$0x1070] =	vst v8;
	v8 =	vsel vm1, $0x1, v2  }
0x4a: {  	[tilespmem:$0x1030] =	vst v17;
	v6, _, _ =	vpop (xrf0);
	(xrf0) =	vadd.scan.msk.s32 $0xffff, v9  }
0x4b: {  	[tilespmem:$0x1080] =	vst v6;
	v6, _, _ =	vpop (xrf0);
	(xrf0) =	vadd.scan.msk.s32 $0xffff, v8  }
0x4c: {  	[tilespmem:$0x1090] =	vst v6;
	v8, _, _ =	vpop (xrf0)  }
0x4d: {  	v6, _, _ =	vpop (xrf0);
	[tilespmem:$0x10A0] =	vst v8  }
0x4e: {  	v8, _, _ =	vpop (xrf0);
	[tilespmem:$0x10B0] =	vst v6  }
0x4f: {  	v6, _, _ =	vpop (xrf0);
	[tilespmem:$0x10C0] =	vst v8  }
0x50: {  	v8, _, _ =	vpop (xrf0);
	[tilespmem:$0x10D0] =	vst v6  }
0x51: {  	[tilespmem:$0x10E0] =	vst v8;
	v6, _, _ =	vpop (xrf0)  }
0x52: {  	s25 =	simm.s32 $0x1000;
	[tilespmem:$0x10F0] =	vst v6  }
0x53: {  	v6 =	vld.idx.msk [tilespmem:v3+s25+$0x0], $0xffff;
	_ =	sdelay $0x4  }
0x54: {  	(xrf0) =	vadd.scan.msk.s32 $0xffff, v6;
	_ =	sdelay $0x2  }
0x55: {  	v9 =	vimm.s32 $0xF;
	_ =	sdelay $0x2  }
0x56: {  	v8, _, _ =	vpop (xrf0)  }
0x57: {  	[tilespmem:$0x1100] =	vst v8  }
0x58: {  	v9 =	vld.idx.msk [tilespmem:v9+s10+$0x0], $0xffff;
	_ =	sdelay $0x3  }
0x59: {  	v6 =	vsub.s32 v8, v6  }
0x5a: {  	v8 =	vsub.s32 v9, v6;
	v9 =	vimm.s32 $0x10  }
0x5b: {  	v12 =	vimm.s32 $0x20;
	_ =	sdelay $0x1  }
0x5c: {  	[tilespmem:$0x1110] =	vst v6;
	v6 =	vadd.s32 v1, v8;
	v8 =	vld [tilespmem:$0x0]  }
0x5d: {  	[tilespmem:$0x1120] =	vst v6;
	v6 =	vld [tilespmem:$0x1000]  }
0x5e: {  	v9 =	vld.idx.msk [tilespmem:v9+s10+$0x0], $0xffff  }
0x5f: {  	v12 =	vld.idx.msk [tilespmem:v12+s10+$0x0], $0xffff;
	_ =	sdelay $0x3  }
0x60: {  	v9 =	vadd.s32 v9, v6  }
0x61: {  	vm1 =	veq.s32 v8, $0x1;
	v6 =	vsub.s32 v12, v6;
	v9 =	vadd.s32 $0xFFFFFFFF, v9  }
0x62: {  	vm2 =	vne.s32 v8, $0x1;
	v6 =	vadd.s32 v0, v6;
	v8 =	vnsel vm1, $0x0, v9  }
0x63: {  	v6 =	vsel vm1, $0x0, v6;
	_ =	sdelay $0x2  }
0x64: {  	v9 =	vimm.s32 $0x11  }
0x65: {  	v12 =	vimm.s32 $0x21;
	[tilespmem:v8+s11+$0x0] =	vst.idx.msk vm1, v0  }
0x66: {  	[tilespmem:v6+s11+$0x0] =	vst.idx.msk vm2, v7  }
0x67: {  	v6 =	vld [tilespmem:$0x10]  }
0x68: {  	v8 =	vld [tilespmem:$0x1010]  }
0x69: {  	v9 =	vld.idx.msk [tilespmem:v9+s10+$0x0], $0xffff  }
0x6a: {  	v12 =	vld.idx.msk [tilespmem:v12+s10+$0x0], $0xffff;
	_ =	sdelay $0x3  }
0x6b: {  	v9 =	vadd.s32 v9, v8  }
0x6c: {  	vm1 =	veq.s32 v6, $0x1;
	v8 =	vsub.s32 v12, v8;
	v9 =	vadd.s32 $0xFFFFFFFF, v9  }
0x6d: {  	vm2 =	vne.s32 v6, $0x1;
	v8 =	vadd.s32 v0, v8;
	v6 =	vnsel vm1, $0x0, v9  }
0x6e: {  	v8 =	vsel vm1, $0x0, v8;
	_ =	sdelay $0x2  }
0x6f: {  	v9 =	vimm.s32 $0x12  }
0x70: {  	v12 =	vimm.s32 $0x22;
	[tilespmem:v6+s11+$0x0] =	vst.idx.msk vm1, v10  }
0x71: {  	[tilespmem:v8+s11+$0x0] =	vst.idx.msk vm2, v11  }
0x72: {  	v6 =	vld [tilespmem:$0x20]  }
0x73: {  	v8 =	vld [tilespmem:$0x1020]  }
0x74: {  	v9 =	vld.idx.msk [tilespmem:v9+s10+$0x0], $0xffff  }
0x75: {  	v12 =	vld.idx.msk [tilespmem:v12+s10+$0x0], $0xffff;
	_ =	sdelay $0x3  }
0x76: {  	v9 =	vadd.s32 v9, v8  }
0x77: {  	vm1 =	veq.s32 v6, $0x1;
	v8 =	vsub.s32 v12, v8;
	v9 =	vadd.s32 $0xFFFFFFFF, v9  }
0x78: {  	vm2 =	vne.s32 v6, $0x1;
	v8 =	vadd.s32 v0, v8;
	v6 =	vnsel vm1, $0x0, v9  }
0x79: {  	v8 =	vsel vm1, $0x0, v8;
	_ =	sdelay $0x2  }
0x7a: {  	v9 =	vimm.s32 $0x13  }
0x7b: {  	v12 =	vimm.s32 $0x23;
	[tilespmem:v6+s11+$0x0] =	vst.idx.msk vm1, v14  }
0x7c: {  	[tilespmem:v8+s11+$0x0] =	vst.idx.msk vm2, v15  }
0x7d: {  	v6 =	vld [tilespmem:$0x30]  }
0x7e: {  	v8 =	vld [tilespmem:$0x1030]  }
0x7f: {  	v9 =	vld.idx.msk [tilespmem:v9+s10+$0x0], $0xffff  }
0x80: {  	v12 =	vld.idx.msk [tilespmem:v12+s10+$0x0], $0xffff;
	_ =	sdelay $0x3  }
0x81: {  	v9 =	vadd.s32 v9, v8  }
0x82: {  	vm1 =	veq.s32 v6, $0x1;
	v8 =	vsub.s32 v12, v8;
	v9 =	vadd.s32 $0xFFFFFFFF, v9  }
0x83: {  	vm2 =	vne.s32 v6, $0x1;
	v8 =	vadd.s32 v0, v8;
	v6 =	vnsel vm1, $0x0, v9  }
0x84: {  	v8 =	vsel vm1, $0x0, v8;
	_ =	sdelay $0x2  }
0x85: {  	v9 =	vimm.s32 $0x14  }
0x86: {  	v12 =	vimm.s32 $0x24;
	[tilespmem:v6+s11+$0x0] =	vst.idx.msk vm1, v18  }
0x87: {  	[tilespmem:v8+s11+$0x0] =	vst.idx.msk vm2, v19  }
0x88: {  	v6 =	vld [tilespmem:$0x40]  }
0x89: {  	v8 =	vld [tilespmem:$0x1040]  }
0x8a: {  	v9 =	vld.idx.msk [tilespmem:v9+s10+$0x0], $0xffff  }
0x8b: {  	v12 =	vld.idx.msk [tilespmem:v12+s10+$0x0], $0xffff;
	_ =	sdelay $0x3  }
0x8c: {  	v9 =	vadd.s32 v9, v8  }
0x8d: {  	vm1 =	veq.s32 v6, $0x1;
	v8 =	vsub.s32 v12, v8;
	v9 =	vadd.s32 $0xFFFFFFFF, v9  }
0x8e: {  	vm2 =	vne.s32 v6, $0x1;
	v8 =	vadd.s32 v0, v8;
	v6 =	vnsel vm1, $0x0, v9  }
0x8f: {  	v8 =	vsel vm1, $0x0, v8;
	_ =	sdelay $0x3  }
0x90: {  	[tilespmem:v6+s11+$0x0] =	vst.idx.msk vm1, v22  }
0x91: {  	[tilespmem:v8+s11+$0x0] =	vst.idx.msk vm2, v23  }
0x92: {  	v6 =	vld [tilespmem:$0x50]  }
0x93: {  	v8 =	vld [tilespmem:$0x1050]  }
0x94: {  	v9 =	vld.idx.msk [tilespmem:v24+s10+$0x0], $0xffff  }
0x95: {  	v12 =	vld.idx.msk [tilespmem:v25+s10+$0x0], $0xffff;
	_ =	sdelay $0x3  }
0x96: {  	v9 =	vadd.s32 v9, v8  }
0x97: {  	vm1 =	veq.s32 v6, $0x1;
	v8 =	vsub.s32 v12, v8;
	v9 =	vadd.s32 $0xFFFFFFFF, v9  }
0x98: {  	vm2 =	vne.s32 v6, $0x1;
	v8 =	vadd.s32 v0, v8;
	v6 =	vnsel vm1, $0x0, v9  }
0x99: {  	v8 =	vsel vm1, $0x0, v8;
	_ =	sdelay $0x3  }
0x9a: {  	[tilespmem:v6+s11+$0x0] =	vst.idx.msk vm1, v26  }
0x9b: {  	[tilespmem:v8+s11+$0x0] =	vst.idx.msk vm2, v27  }
0x9c: {  	v6 =	vld [tilespmem:$0x60]  }
0x9d: {  	v8 =	vld [tilespmem:$0x1060]  }
0x9e: {  	v9 =	vld.idx.msk [tilespmem:v28+s10+$0x0], $0xffff  }
0x9f: {  	v12 =	vld.idx.msk [tilespmem:v29+s10+$0x0], $0xffff;
	_ =	sdelay $0x3  }
0xa0: {  	v9 =	vadd.s32 v9, v8  }
0xa1: {  	vm1 =	veq.s32 v6, $0x1;
	v8 =	vsub.s32 v12, v8;
	v9 =	vadd.s32 $0xFFFFFFFF, v9  }
0xa2: {  	vm2 =	vne.s32 v6, $0x1;
	v8 =	vadd.s32 v0, v8;
	v6 =	vnsel vm1, $0x0, v9  }
0xa3: {  	v8 =	vsel vm1, $0x0, v8;
	_ =	sdelay $0x3  }
0xa4: {  	[tilespmem:v6+s11+$0x0] =	vst.idx.msk vm1, v30  }
0xa5: {  	[tilespmem:v8+s11+$0x0] =	vst.idx.msk vm2, v31  }
0xa6: {  	v6 =	vld [tilespmem:$0x70]  }
0xa7: {  	v8 =	vld [tilespmem:$0x1070]  }
0xa8: {  	v9 =	vld.idx.msk [tilespmem:v32+s10+$0x0], $0xffff  }
0xa9: {  	v12 =	vld.idx.msk [tilespmem:v33+s10+$0x0], $0xffff;
	_ =	sdelay $0x3  }
0xaa: {  	v9 =	vadd.s32 v9, v8  }
0xab: {  	vm1 =	veq.s32 v6, $0x1;
	v8 =	vsub.s32 v12, v8;
	v9 =	vadd.s32 $0xFFFFFFFF, v9  }
0xac: {  	vm2 =	vne.s32 v6, $0x1;
	v8 =	vadd.s32 v0, v8;
	v6 =	vnsel vm1, $0x0, v9  }
0xad: {  	v8 =	vsel vm1, $0x0, v8;
	_ =	sdelay $0x3  }
0xae: {  	[tilespmem:v6+s11+$0x0] =	vst.idx.msk vm1, v34  }
0xaf: {  	[tilespmem:v8+s11+$0x0] =	vst.idx.msk vm2, v35  }
0xb0: {  	v6 =	vld [tilespmem:$0x400]  }
0xb1: {  	v8 =	vld [tilespmem:$0x1080]  }
0xb2: {  	v9 =	vld.idx.msk [tilespmem:v36+s10+$0x0], $0xffff  }
0xb3: {  	v12 =	vld.idx.msk [tilespmem:v37+s10+$0x0], $0xffff;
	_ =	sdelay $0x3  }
0xb4: {  	v9 =	vadd.s32 v9, v8  }
0xb5: {  	vm1 =	veq.s32 v6, $0x1;
	v8 =	vsub.s32 v12, v8;
	v9 =	vadd.s32 $0xFFFFFFFF, v9  }
0xb6: {  	vm2 =	vne.s32 v6, $0x1;
	v8 =	vadd.s32 v0, v8;
	v6 =	vnsel vm1, $0x0, v9  }
0xb7: {  	v8 =	vsel vm1, $0x0, v8;
	_ =	sdelay $0x3  }
0xb8: {  	[tilespmem:v6+s11+$0x0] =	vst.idx.msk vm1, v38  }
0xb9: {  	[tilespmem:v8+s11+$0x0] =	vst.idx.msk vm2, v39  }
0xba: {  	v6 =	vld [tilespmem:$0x410]  }
0xbb: {  	v8 =	vld [tilespmem:$0x1090]  }
0xbc: {  	v9 =	vld.idx.msk [tilespmem:v40+s10+$0x0], $0xffff  }
0xbd: {  	v12 =	vld.idx.msk [tilespmem:v41+s10+$0x0], $0xffff;
	_ =	sdelay $0x3  }
0xbe: {  	v9 =	vadd.s32 v9, v8  }
0xbf: {  	vm1 =	veq.s32 v6, $0x1;
	v8 =	vsub.s32 v12, v8;
	v9 =	vadd.s32 $0xFFFFFFFF, v9  }
0xc0: {  	vm2 =	vne.s32 v6, $0x1;
	v8 =	vadd.s32 v0, v8;
	v6 =	vnsel vm1, $0x0, v9  }
0xc1: {  	v8 =	vsel vm1, $0x0, v8;
	_ =	sdelay $0x3  }
0xc2: {  	[tilespmem:v6+s11+$0x0] =	vst.idx.msk vm1, v42  }
0xc3: {  	[tilespmem:v8+s11+$0x0] =	vst.idx.msk vm2, v43  }
0xc4: {  	v6 =	vld [tilespmem:$0x420]  }
0xc5: {  	v8 =	vld [tilespmem:$0x10A0]  }
0xc6: {  	v9 =	vld.idx.msk [tilespmem:v44+s10+$0x0], $0xffff  }
0xc7: {  	v12 =	vld.idx.msk [tilespmem:v45+s10+$0x0], $0xffff;
	_ =	sdelay $0x3  }
0xc8: {  	v9 =	vadd.s32 v9, v8  }
0xc9: {  	vm1 =	veq.s32 v6, $0x1;
	v8 =	vsub.s32 v12, v8;
	v9 =	vadd.s32 $0xFFFFFFFF, v9  }
0xca: {  	vm2 =	vne.s32 v6, $0x1;
	v8 =	vadd.s32 v0, v8;
	v6 =	vnsel vm1, $0x0, v9  }
0xcb: {  	v8 =	vsel vm1, $0x0, v8;
	_ =	sdelay $0x3  }
0xcc: {  	[tilespmem:v6+s11+$0x0] =	vst.idx.msk vm1, v46  }
0xcd: {  	[tilespmem:v8+s11+$0x0] =	vst.idx.msk vm2, v47  }
0xce: {  	v6 =	vld [tilespmem:$0x430]  }
0xcf: {  	v8 =	vld [tilespmem:$0x10B0]  }
0xd0: {  	v9 =	vld.idx.msk [tilespmem:v48+s10+$0x0], $0xffff  }
0xd1: {  	v12 =	vld.idx.msk [tilespmem:v49+s10+$0x0], $0xffff;
	_ =	sdelay $0x3  }
0xd2: {  	v9 =	vadd.s32 v9, v8  }
0xd3: {  	vm1 =	veq.s32 v6, $0x1;
	v8 =	vsub.s32 v12, v8;
	v9 =	vadd.s32 $0xFFFFFFFF, v9  }
0xd4: {  	vm2 =	vne.s32 v6, $0x1;
	v8 =	vadd.s32 v0, v8;
	v6 =	vnsel vm1, $0x0, v9  }
0xd5: {  	v8 =	vsel vm1, $0x0, v8;
	_ =	sdelay $0x3  }
0xd6: {  	[tilespmem:v6+s11+$0x0] =	vst.idx.msk vm1, v50  }
0xd7: {  	[tilespmem:v8+s11+$0x0] =	vst.idx.msk vm2, v51  }
0xd8: {  	v6 =	vld [tilespmem:$0x440]  }
0xd9: {  	v8 =	vld [tilespmem:$0x10C0]  }
0xda: {  	v9 =	vld.idx.msk [tilespmem:v52+s10+$0x0], $0xffff  }
0xdb: {  	v12 =	vld.idx.msk [tilespmem:v53+s10+$0x0], $0xffff;
	_ =	sdelay $0x3  }
0xdc: {  	v9 =	vadd.s32 v9, v8  }
0xdd: {  	vm1 =	veq.s32 v6, $0x1;
	v8 =	vsub.s32 v12, v8;
	v9 =	vadd.s32 $0xFFFFFFFF, v9  }
0xde: {  	vm2 =	vne.s32 v6, $0x1;
	v8 =	vadd.s32 v0, v8;
	v6 =	vnsel vm1, $0x0, v9  }
0xdf: {  	v8 =	vsel vm1, $0x0, v8;
	_ =	sdelay $0x3  }
0xe0: {  	[tilespmem:v6+s11+$0x0] =	vst.idx.msk vm1, v54  }
0xe1: {  	[tilespmem:v8+s11+$0x0] =	vst.idx.msk vm2, v55  }
0xe2: {  	v6 =	vld [tilespmem:$0x450]  }
0xe3: {  	v8 =	vld [tilespmem:$0x10D0]  }
0xe4: {  	v9 =	vld.idx.msk [tilespmem:v56+s10+$0x0], $0xffff  }
0xe5: {  	v12 =	vld.idx.msk [tilespmem:v57+s10+$0x0], $0xffff;
	_ =	sdelay $0x3  }
0xe6: {  	v9 =	vadd.s32 v9, v8  }
0xe7: {  	vm1 =	veq.s32 v6, $0x1;
	v8 =	vsub.s32 v12, v8;
	v9 =	vadd.s32 $0xFFFFFFFF, v9  }
0xe8: {  	vm2 =	vne.s32 v6, $0x1;
	v8 =	vadd.s32 v0, v8;
	v6 =	vnsel vm1, $0x0, v9  }
0xe9: {  	v8 =	vsel vm1, $0x0, v8;
	_ =	sdelay $0x3  }
0xea: {  	[tilespmem:v6+s11+$0x0] =	vst.idx.msk vm1, v58  }
0xeb: {  	[tilespmem:v8+s11+$0x0] =	vst.idx.msk vm2, v59  }
0xec: {  	v6 =	vld [tilespmem:$0x460]  }
0xed: {  	v8 =	vld [tilespmem:$0x10E0]  }
0xee: {  	v9 =	vld.idx.msk [tilespmem:v60+s10+$0x0], $0xffff  }
0xef: {  	v12 =	vld.idx.msk [tilespmem:v61+s10+$0x0], $0xffff;
	_ =	sdelay $0x3  }
0xf0: {  	v9 =	vadd.s32 v9, v8  }
0xf1: {  	vm1 =	veq.s32 v6, $0x1;
	v8 =	vsub.s32 v12, v8;
	v9 =	vadd.s32 $0xFFFFFFFF, v9  }
0xf2: {  	vm2 =	vne.s32 v6, $0x1;
	v8 =	vadd.s32 v0, v8;
	v6 =	vnsel vm1, $0x0, v9  }
0xf3: {  	v8 =	vsel vm1, $0x0, v8;
	_ =	sdelay $0x3  }
0xf4: {  	[tilespmem:v6+s11+$0x0] =	vst.idx.msk vm1, v62  }
0xf5: {  	[tilespmem:v8+s11+$0x0] =	vst.idx.msk vm2, v63  }
0xf6: {  	v6 =	vld [tilespmem:$0x470]  }
0xf7: {  	v8 =	vld [tilespmem:$0x10F0]  }
0xf8: {  	v9 =	vld.idx.msk [tilespmem:v4+s10+$0x0], $0xffff  }
0xf9: {  	v12 =	vld.idx.msk [tilespmem:v5+s10+$0x0], $0xffff;
	_ =	sdelay $0x3  }
0xfa: {  	v9 =	vadd.s32 v9, v8  }
0xfb: {  	vm1 =	veq.s32 v6, $0x1;
	v8 =	vsub.s32 v12, v8;
	v9 =	vadd.s32 $0xFFFFFFFF, v9  }
0xfc: {  	vm2 =	vne.s32 v6, $0x1;
	v6 =	vadd.s32 v0, v8;
	v9 =	vnsel vm1, $0x0, v9  }
0xfd: {  	v12 =	vsel vm1, $0x0, v6;
	_ =	sdelay $0x2  }
0xfe: {  	v6 =	vor.u32 $0xF0, v0  }
0xff: {  	v8 =	vor.u32 $0x1F0, v0;
	[tilespmem:v9+s11+$0x0] =	vst.idx.msk vm1, v6  }
0x100: {  	[tilespmem:v12+s11+$0x0] =	vst.idx.msk vm2, v8  }
0x101: {  	v9 =	vld [tilespmem:$0x1180];
	_ =	sdelay $0x4  }
0x102: {  	vm1 =	vgt.u32 v9, $0x1FF  }
0x103: {  	v9 =	vsel vm1, $0x0, v9  }
0x104: {  	v12 =	vshll.u32 v9, $0x2  }
0x105: {  	v9 =	vand.u32 $0x7, v9;
	v12 =	vand.u32 $0xFFFFFFE0, v12  }
0x106: {  	v16 =	vor.u32 v9, v12;
	v9 =	vand.u32 $0x7, v0;
	v12 =	vshrl.u32 v0, $0x3  }
0x107: {  	v13 =	vperm.xlane v16, v9;
	v12 =	vmul.u32 $0x8, v12;
	_ =	sdelay $0x1  }
0x108: {  	v17 =	vadd.s32 v12, v13  }
0x109: {  	v13 =	vor.u32 $0x8, v0  }
0x10a: {  	v16 =	vperm.xlane v16, v13;
	_ =	sdelay $0x1  }
0x10b: {  	v16 =	vadd.s32 v12, v16  }
0x10c: {  	[tilespmem:s24], [sflag:$0x1] =	stream.indirect_vreg.gather [hbm4b:s3+s1], $0x80, v17, vm0, $0xb8;
	[tilespmem:$0x12180] =	vst v63  }
0x10d: {  	s2 =	simm.s32 $0x2980  }
0x10e: {  	[tilespmem:s2], [sflag:$0x1] =	stream.indirect_vreg.gather [hbm4b:s5+s1], $0x80, v17, vm0, $0xb8;
	[tilespmem:$0x12180] =	vst v63  }
0x10f: {  	s9 =	simm.s32 $0x3180  }
0x110: {  	[tilespmem:s9], [sflag:$0x1] =	stream.indirect_vreg.gather [hbm4b:s3+s1], $0x80, v16, vm0, $0xb8;
	[tilespmem:$0x12180] =	vst v63  }
0x111: {  	s16 =	simm.s32 $0x3980  }
0x112: {  	[tilespmem:s16], [sflag:$0x1] =	stream.indirect_vreg.gather [hbm4b:s5+s1], $0x80, v16, vm0, $0xb8;
	[tilespmem:$0x12180] =	vst v63  }
0x113: {  	v16 =	vld [tilespmem:$0x1190];
	_ =	sdelay $0x4  }
0x114: {  	vm1 =	vgt.u32 v16, $0x1FF  }
0x115: {  	v16 =	vsel vm1, $0x0, v16  }
0x116: {  	v17 =	vshll.u32 v16, $0x2  }
0x117: {  	v16 =	vand.u32 $0x7, v16;
	v17 =	vand.u32 $0xFFFFFFE0, v17  }
0x118: {  	v16 =	vor.u32 v16, v17  }
0x119: {  	v17 =	vperm.xlane v16, v9;
	_ =	sdelay $0x1  }
0x11a: {  	v17 =	vadd.s32 v12, v17;
	_ =	sdelay $0x1  }
0x11b: {  	v16 =	vperm.xlane v16, v13;
	_ =	sdelay $0x1  }
0x11c: {  	v16 =	vadd.s32 v12, v16  }
0x11d: {  	[tilespmem:s12], [sflag:$0x2] =	stream.indirect_vreg.gather [hbm4b:s3+s1], $0x80, v17, vm0, $0xb8;
	[tilespmem:$0x12180] =	vst v63  }
0x11e: {  	s17 =	simm.s32 $0x4980  }
0x11f: {  	[tilespmem:s17], [sflag:$0x2] =	stream.indirect_vreg.gather [hbm4b:s5+s1], $0x80, v17, vm0, $0xb8;
	[tilespmem:$0x12180] =	vst v63  }
0x120: {  	s21 =	simm.s32 $0x5180  }
0x121: {  	[tilespmem:s21], [sflag:$0x2] =	stream.indirect_vreg.gather [hbm4b:s3+s1], $0x80, v16, vm0, $0xb8;
	[tilespmem:$0x12180] =	vst v63  }
0x122: {  	s22 =	simm.s32 $0x5980  }
0x123: {  	[tilespmem:s22], [sflag:$0x2] =	stream.indirect_vreg.gather [hbm4b:s5+s1], $0x80, v16, vm0, $0xb8;
	[tilespmem:$0x12180] =	vst v63  }
0x124: {  	v16 =	vld [tilespmem:$0x11A0];
	_ =	sdelay $0x4  }
0x125: {  	vm1 =	vgt.u32 v16, $0x1FF  }
0x126: {  	v16 =	vsel vm1, $0x0, v16  }
0x127: {  	v17 =	vshll.u32 v16, $0x2  }
0x128: {  	v16 =	vand.u32 $0x7, v16;
	v17 =	vand.u32 $0xFFFFFFE0, v17  }
0x129: {  	v16 =	vor.u32 v16, v17  }
0x12a: {  	v17 =	vperm.xlane v16, v9;
	_ =	sdelay $0x1  }
0x12b: {  	v17 =	vadd.s32 v12, v17;
	_ =	sdelay $0x1  }
0x12c: {  	v16 =	vperm.xlane v16, v13;
	_ =	sdelay $0x1  }
0x12d: {  	v16 =	vadd.s32 v12, v16  }
0x12e: {  	[tilespmem:s29], [sflag:$0x3] =	stream.indirect_vreg.gather [hbm4b:s3+s1], $0x80, v17, vm0, $0xb8;
	[tilespmem:$0x12180] =	vst v63  }
0x12f: {  	s25 =	simm.s32 $0x6980  }
0x130: {  	[tilespmem:s25], [sflag:$0x3] =	stream.indirect_vreg.gather [hbm4b:s5+s1], $0x80, v17, vm0, $0xb8;
	[tilespmem:$0x12180] =	vst v63  }
0x131: {  	s7 =	simm.s32 $0x7180  }
0x132: {  	[tilespmem:s7], [sflag:$0x3] =	stream.indirect_vreg.gather [hbm4b:s3+s1], $0x80, v16, vm0, $0xb8;
	[tilespmem:$0x12180] =	vst v63  }
0x133: {  	s12 =	simm.s32 $0x7980  }
0x134: {  	[tilespmem:s12], [sflag:$0x3] =	stream.indirect_vreg.gather [hbm4b:s5+s1], $0x80, v16, vm0, $0xb8;
	[tilespmem:$0x12180] =	vst v63  }
0x135: {  	v16 =	vld [tilespmem:$0x11B0];
	_ =	sdelay $0x4  }
0x136: {  	vm1 =	vgt.u32 v16, $0x1FF  }
0x137: {  	v16 =	vsel vm1, $0x0, v16  }
0x138: {  	v17 =	vshll.u32 v16, $0x2  }
0x139: {  	v16 =	vand.u32 $0x7, v16;
	v17 =	vand.u32 $0xFFFFFFE0, v17  }
0x13a: {  	v16 =	vor.u32 v16, v17  }
0x13b: {  	v17 =	vperm.xlane v16, v9;
	_ =	sdelay $0x1  }
0x13c: {  	v17 =	vadd.s32 v12, v17;
	_ =	sdelay $0x1  }
0x13d: {  	v16 =	vperm.xlane v16, v13;
	_ =	sdelay $0x1  }
0x13e: {  	s9 =	simm.s32 $0x8180;
	v16 =	vadd.s32 v12, v16  }
0x13f: {  	[tilespmem:s9], [sflag:$0x4] =	stream.indirect_vreg.gather [hbm4b:s3+s1], $0x80, v17, vm0, $0xb8;
	[tilespmem:$0x12180] =	vst v63  }
0x140: {  	s16 =	simm.s32 $0x8980  }
0x141: {  	[tilespmem:s16], [sflag:$0x4] =	stream.indirect_vreg.gather [hbm4b:s5+s1], $0x80, v17, vm0, $0xb8;
	[tilespmem:$0x12180] =	vst v63  }
0x142: {  	s21 =	simm.s32 $0x9180  }
0x143: {  	[tilespmem:s21], [sflag:$0x4] =	stream.indirect_vreg.gather [hbm4b:s3+s1], $0x80, v16, vm0, $0xb8;
	[tilespmem:$0x12180] =	vst v63  }
0x144: {  	s25 =	simm.s32 $0x9980  }
0x145: {  	[tilespmem:s25], [sflag:$0x4] =	stream.indirect_vreg.gather [hbm4b:s5+s1], $0x80, v16, vm0, $0xb8;
	[tilespmem:$0x12180] =	vst v63  }
0x146: {  	v16 =	vld [tilespmem:$0x11C0];
	_ =	sdelay $0x4  }
0x147: {  	vm1 =	vgt.u32 v16, $0x1FF  }
0x148: {  	v16 =	vsel vm1, $0x0, v16  }
0x149: {  	v17 =	vshll.u32 v16, $0x2  }
0x14a: {  	v16 =	vand.u32 $0x7, v16;
	v17 =	vand.u32 $0xFFFFFFE0, v17  }
0x14b: {  	v16 =	vor.u32 v16, v17  }
0x14c: {  	v17 =	vperm.xlane v16, v9;
	_ =	sdelay $0x1  }
0x14d: {  	v17 =	vadd.s32 v12, v17;
	_ =	sdelay $0x1  }
0x14e: {  	v16 =	vperm.xlane v16, v13;
	_ =	sdelay $0x1  }
0x14f: {  	s17 =	simm.s32 $0xA180;
	v16 =	vadd.s32 v12, v16  }
0x150: {  	[tilespmem:s17], [sflag:$0x5] =	stream.indirect_vreg.gather [hbm4b:s3+s1], $0x80, v17, vm0, $0xb8;
	[tilespmem:$0x12180] =	vst v63  }
0x151: {  	s7 =	simm.s32 $0xA980  }
0x152: {  	[tilespmem:s7], [sflag:$0x5] =	stream.indirect_vreg.gather [hbm4b:s5+s1], $0x80, v17, vm0, $0xb8;
	[tilespmem:$0x12180] =	vst v63  }
0x153: {  	s12 =	simm.s32 $0xB180  }
0x154: {  	[tilespmem:s12], [sflag:$0x5] =	stream.indirect_vreg.gather [hbm4b:s3+s1], $0x80, v16, vm0, $0xb8;
	[tilespmem:$0x12180] =	vst v63  }
0x155: {  	s16 =	simm.s32 $0xB980  }
0x156: {  	[tilespmem:s16], [sflag:$0x5] =	stream.indirect_vreg.gather [hbm4b:s5+s1], $0x80, v16, vm0, $0xb8;
	[tilespmem:$0x12180] =	vst v63  }
0x157: {  	v16 =	vld [tilespmem:$0x11D0];
	_ =	sdelay $0x4  }
0x158: {  	vm1 =	vgt.u32 v16, $0x1FF  }
0x159: {  	v16 =	vsel vm1, $0x0, v16  }
0x15a: {  	v17 =	vshll.u32 v16, $0x2  }
0x15b: {  	v16 =	vand.u32 $0x7, v16;
	v17 =	vand.u32 $0xFFFFFFE0, v17  }
0x15c: {  	v16 =	vor.u32 v16, v17  }
0x15d: {  	v17 =	vperm.xlane v16, v9;
	_ =	sdelay $0x1  }
0x15e: {  	v17 =	vadd.s32 v12, v17;
	_ =	sdelay $0x1  }
0x15f: {  	v16 =	vperm.xlane v16, v13;
	_ =	sdelay $0x1  }
0x160: {  	s22 =	simm.s32 $0xC180;
	v16 =	vadd.s32 v12, v16  }
0x161: {  	[tilespmem:s22], [sflag:$0x6] =	stream.indirect_vreg.gather [hbm4b:s3+s1], $0x80, v17, vm0, $0xb8;
	[tilespmem:$0x12180] =	vst v63  }
0x162: {  	s21 =	simm.s32 $0xC980  }
0x163: {  	[tilespmem:s21], [sflag:$0x6] =	stream.indirect_vreg.gather [hbm4b:s5+s1], $0x80, v17, vm0, $0xb8;
	[tilespmem:$0x12180] =	vst v63  }
0x164: {  	s25 =	simm.s32 $0xD180  }
0x165: {  	[tilespmem:s25], [sflag:$0x6] =	stream.indirect_vreg.gather [hbm4b:s3+s1], $0x80, v16, vm0, $0xb8;
	[tilespmem:$0x12180] =	vst v63  }
0x166: {  	s7 =	simm.s32 $0xD980  }
0x167: {  	[tilespmem:s7], [sflag:$0x6] =	stream.indirect_vreg.gather [hbm4b:s5+s1], $0x80, v16, vm0, $0xb8;
	[tilespmem:$0x12180] =	vst v63  }
0x168: {  	v16 =	vld [tilespmem:$0x11E0];
	_ =	sdelay $0x4  }
0x169: {  	vm1 =	vgt.u32 v16, $0x1FF  }
0x16a: {  	v16 =	vsel vm1, $0x0, v16  }
0x16b: {  	v17 =	vshll.u32 v16, $0x2  }
0x16c: {  	v16 =	vand.u32 $0x7, v16;
	v17 =	vand.u32 $0xFFFFFFE0, v17  }
0x16d: {  	v16 =	vor.u32 v16, v17  }
0x16e: {  	v17 =	vperm.xlane v16, v9;
	_ =	sdelay $0x1  }
0x16f: {  	v17 =	vadd.s32 v12, v17;
	_ =	sdelay $0x1  }
0x170: {  	v16 =	vperm.xlane v16, v13;
	_ =	sdelay $0x1  }
0x171: {  	v16 =	vadd.s32 v12, v16  }
0x172: {  	[tilespmem:s20], [sflag:$0x7] =	stream.indirect_vreg.gather [hbm4b:s3+s1], $0x80, v17, vm0, $0xb8;
	[tilespmem:$0x12180] =	vst v63  }
0x173: {  	s12 =	simm.s32 $0xE980  }
0x174: {  	[tilespmem:s12], [sflag:$0x7] =	stream.indirect_vreg.gather [hbm4b:s5+s1], $0x80, v17, vm0, $0xb8;
	[tilespmem:$0x12180] =	vst v63  }
0x175: {  	s16 =	simm.s32 $0xF180  }
0x176: {  	[tilespmem:s16], [sflag:$0x7] =	stream.indirect_vreg.gather [hbm4b:s3+s1], $0x80, v16, vm0, $0xb8;
	[tilespmem:$0x12180] =	vst v63  }
0x177: {  	s20 =	simm.s32 $0xF980  }
0x178: {  	[tilespmem:s20], [sflag:$0x7] =	stream.indirect_vreg.gather [hbm4b:s5+s1], $0x80, v16, vm0, $0xb8;
	[tilespmem:$0x12180] =	vst v63  }
0x179: {  	v16 =	vld [tilespmem:$0x11F0];
	_ =	sdelay $0x4  }
0x17a: {  	vm1 =	vgt.u32 v16, $0x1FF  }
0x17b: {  	v16 =	vsel vm1, $0x0, v16  }
0x17c: {  	v17 =	vshll.u32 v16, $0x2  }
0x17d: {  	v16 =	vand.u32 $0x7, v16;
	v17 =	vand.u32 $0xFFFFFFE0, v17  }
0x17e: {  	v16 =	vor.u32 v16, v17  }
0x17f: {  	v17 =	vperm.xlane v16, v9;
	_ =	sdelay $0x1  }
0x180: {  	v17 =	vadd.s32 v12, v17;
	_ =	sdelay $0x1  }
0x181: {  	v16 =	vperm.xlane v16, v13;
	_ =	sdelay $0x1  }
0x182: {  	v16 =	vadd.s32 v12, v16  }
0x183: {  	[tilespmem:s23], [sflag:$0x8] =	stream.indirect_vreg.gather [hbm4b:s3+s1], $0x80, v17, vm0, $0xb8;
	[tilespmem:$0x12180] =	vst v63  }
0x184: {  	s21 =	simm.s32 $0x10980  }
0x185: {  	[tilespmem:s21], [sflag:$0x8] =	stream.indirect_vreg.gather [hbm4b:s5+s1], $0x80, v17, vm0, $0xb8;
	[tilespmem:$0x12180] =	vst v63  }
0x186: {  	s2 =	simm.s32 $0x6180;
	s29 =	simm.s32 $0x4180;
	s23 =	simm.s32 $0x11180  }
0x187: {  	[tilespmem:s23], [sflag:$0x8] =	stream.indirect_vreg.gather [hbm4b:s3+s1], $0x80, v16, vm0, $0xb8;
	[tilespmem:$0x12180] =	vst v63  }
0x188: {  	s25 =	simm.s32 $0x11980;
	s7 =	simm.s32 $0x0;
	s12 =	simm.s32 $0x0  }
0x189: {  	[tilespmem:s25], [sflag:$0x8] =	stream.indirect_vreg.gather [hbm4b:s5+s1], $0x80, v16, vm0, $0xb8;
	[tilespmem:$0x12180] =	vst v63  }
0x18a: {  	s21 =	simm.s32 $0x1270;
	s23 =	simm.s32 $0xE180;
	s25 =	simm.s32 $0x10180  }
.LBB2_2:
0x18b: {  	s16 =	simm.s32 $0x1  }
0x18c: {  	_ =	swait.ge [sflag:s16], $0x2000  }
0x18d: {  	[sflag:s16] =	ssyncset.done $0x0;
	s20 =	rddreg [dreg:$0x6]  }
0x18e: {  	[sflag:s16] =	ssyncadd.s32 $0xFFFFE000;
	s16 =	sadd.s32 s7, s20;
	s20 =	simm.s32 $0x2  }
0x18f: {  	[hbm4b:s16+s1] =	stream.linear.scatter [tilespmem:s24], [sflag:$0x9], $0x2000, $0x38;
	[tilespmem:$0x12180] =	vst v63  }
0x190: {  	_ =	swait.ge [sflag:s20], $0x2000  }
0x191: {  	[sflag:s20] =	ssyncset.done $0x0  }
0x192: {  	[sflag:s20] =	ssyncadd.s32 $0xFFFFE000;
	s20 =	sadd.s32 $0x400, s16  }
0x193: {  	[hbm4b:s20+s1] =	stream.linear.scatter [tilespmem:s29], [sflag:$0xA], $0x2000, $0x38;
	[tilespmem:$0x12180] =	vst v63  }
0x194: {  	s20 =	simm.s32 $0x3  }
0x195: {  	_ =	swait.ge [sflag:s20], $0x2000  }
0x196: {  	[sflag:s20] =	ssyncset.done $0x0  }
0x197: {  	[sflag:s20] =	ssyncadd.s32 $0xFFFFE000;
	s20 =	sadd.s32 $0x800, s16  }
0x198: {  	[hbm4b:s20+s1] =	stream.linear.scatter [tilespmem:s2], [sflag:$0xB], $0x2000, $0x38;
	[tilespmem:$0x12180] =	vst v63  }
0x199: {  	_ =	swait.ge [sflag:s26], $0x2000  }
0x19a: {  	[sflag:s26] =	ssyncset.done $0x0  }
0x19b: {  	s2 =	sadd.s32 $0xC00, s16;
	[sflag:s26] =	ssyncadd.s32 $0xFFFFE000  }
0x19c: {  	[hbm4b:s2+s1] =	stream.linear.scatter [tilespmem:s9], [sflag:$0xC], $0x2000, $0x38;
	[tilespmem:$0x12180] =	vst v63  }
0x19d: {  	_ =	swait.ge [sflag:s28], $0x2000  }
0x19e: {  	[sflag:s28] =	ssyncset.done $0x0  }
0x19f: {  	s9 =	sadd.s32 $0x1000, s16;
	[sflag:s28] =	ssyncadd.s32 $0xFFFFE000  }
0x1a0: {  	[hbm4b:s9+s1] =	stream.linear.scatter [tilespmem:s17], [sflag:$0xD], $0x2000, $0x38;
	[tilespmem:$0x12180] =	vst v63  }
0x1a1: {  	_ =	swait.ge [sflag:s30], $0x2000  }
0x1a2: {  	[sflag:s30] =	ssyncset.done $0x0  }
0x1a3: {  	s17 =	sadd.s32 $0x1400, s16;
	[sflag:s30] =	ssyncadd.s32 $0xFFFFE000  }
0x1a4: {  	[hbm4b:s17+s1] =	stream.linear.scatter [tilespmem:s22], [sflag:$0xE], $0x2000, $0x38;
	[tilespmem:$0x12180] =	vst v63  }
0x1a5: {  	_ =	swait.ge [sflag:s31], $0x2000  }
0x1a6: {  	[sflag:s31] =	ssyncset.done $0x0  }
0x1a7: {  	s22 =	sadd.s32 $0x1800, s16;
	[sflag:s31] =	ssyncadd.s32 $0xFFFFE000  }
0x1a8: {  	[hbm4b:s22+s1] =	stream.linear.scatter [tilespmem:s23], [sflag:$0xF], $0x2000, $0x38;
	[tilespmem:$0x12180] =	vst v63  }
0x1a9: {  	_ =	swait.ge [sflag:s0], $0x2000  }
0x1aa: {  	[sflag:s0] =	ssyncset.done $0x0  }
0x1ab: {  	s16 =	sadd.s32 $0x1C00, s16;
	[sflag:s0] =	ssyncadd.s32 $0xFFFFE000  }
0x1ac: {  	[hbm4b:s16+s1] =	stream.linear.scatter [tilespmem:s25], [sflag:$0x10], $0x2000, $0x38;
	[tilespmem:$0x12180] =	vst v63  }
0x1ad: {  	p0 =	sgt.u32 s12, $0x1D;
	s16 =	sand.u32 $0x1, s12  }
0x1ae: {  	p1 =	sne.s32 @!p0 s16, $0x0  }
0x1af: {  	p0 =	por p0, p1  }
.Ltmp2:
0x1b0: {  	_ = 	snop;
	(pc) =	sbr.rel @p0 .LBB2_4-.Ltmp2, $2  }
0x1b1: {  	_ =	sdelay $0x2  }
0x1b2: {  	s29 =	simm.s32 $0x6180;
	s20 =	simm.s32 $0xE180;
	s23 =	simm.s32 $0x10180  }
0x1b3: {  	s16 =	sshrl.u32 s12, $0x1  }
0x1b4: {  	s20 =	sadd.s32 $0x1, s16  }
0x1b5: {  	s16 =	sshll.u32 s20, $0x8;
	s20 =	sshll.u32 s20, $0x7  }
0x1b6: {  	s24 =	sand.u32 $0x1800, s16;
	s20 =	sand.u32 $0x380, s20  }
0x1b7: {  	s20 =	sor.u32 s20, s24  }
0x1b8: {  	v16 =	vld [tilespmem:s20+$0x0];
	_ =	sdelay $0x4  }
0x1b9: {  	vm1 =	veq.s32 v16, $0x1  }
0x1ba: {  	v16 =	vsel vm1, $0x1, v2  }
0x1bb: {  	(xrf0) =	vadd.scan.msk.s32 $0xffff, v16;
	_ =	sdelay $0x5  }
0x1bc: {  	v16, _, _ =	vpop (xrf0)  }
0x1bd: {  	[tilespmem:$0x1000] =	vst v16  }
0x1be: {  	v16 =	vld [tilespmem:s20+$0x10];
	_ =	sdelay $0x4  }
0x1bf: {  	vm1 =	veq.s32 v16, $0x1  }
0x1c0: {  	v16 =	vsel vm1, $0x1, v2  }
0x1c1: {  	(xrf0) =	vadd.scan.msk.s32 $0xffff, v16;
	_ =	sdelay $0x5  }
0x1c2: {  	v16, _, _ =	vpop (xrf0)  }
0x1c3: {  	[tilespmem:$0x1010] =	vst v16  }
0x1c4: {  	v16 =	vld [tilespmem:s20+$0x20];
	_ =	sdelay $0x4  }
0x1c5: {  	vm1 =	veq.s32 v16, $0x1  }
0x1c6: {  	v16 =	vsel vm1, $0x1, v2  }
0x1c7: {  	(xrf0) =	vadd.scan.msk.s32 $0xffff, v16;
	_ =	sdelay $0x5  }
0x1c8: {  	v16, _, _ =	vpop (xrf0)  }
0x1c9: {  	[tilespmem:$0x1020] =	vst v16  }
0x1ca: {  	v16 =	vld [tilespmem:s20+$0x30];
	_ =	sdelay $0x4  }
0x1cb: {  	vm1 =	veq.s32 v16, $0x1  }
0x1cc: {  	v16 =	vsel vm1, $0x1, v2  }
0x1cd: {  	(xrf0) =	vadd.scan.msk.s32 $0xffff, v16;
	_ =	sdelay $0x5  }
0x1ce: {  	v16, _, _ =	vpop (xrf0)  }
0x1cf: {  	[tilespmem:$0x1030] =	vst v16  }
0x1d0: {  	v16 =	vld [tilespmem:s20+$0x40];
	_ =	sdelay $0x4  }
0x1d1: {  	vm1 =	veq.s32 v16, $0x1  }
0x1d2: {  	v16 =	vsel vm1, $0x1, v2  }
0x1d3: {  	(xrf0) =	vadd.scan.msk.s32 $0xffff, v16;
	_ =	sdelay $0x5  }
0x1d4: {  	v16, _, _ =	vpop (xrf0)  }
0x1d5: {  	[tilespmem:$0x1040] =	vst v16  }
0x1d6: {  	v16 =	vld [tilespmem:s20+$0x50];
	_ =	sdelay $0x4  }
0x1d7: {  	vm1 =	veq.s32 v16, $0x1  }
0x1d8: {  	v16 =	vsel vm1, $0x1, v2  }
0x1d9: {  	(xrf0) =	vadd.scan.msk.s32 $0xffff, v16;
	_ =	sdelay $0x5  }
0x1da: {  	v16, _, _ =	vpop (xrf0)  }
0x1db: {  	[tilespmem:$0x1050] =	vst v16  }
0x1dc: {  	v16 =	vld [tilespmem:s20+$0x60];
	_ =	sdelay $0x4  }
0x1dd: {  	vm1 =	veq.s32 v16, $0x1  }
0x1de: {  	v16 =	vsel vm1, $0x1, v2  }
0x1df: {  	(xrf0) =	vadd.scan.msk.s32 $0xffff, v16;
	_ =	sdelay $0x5  }
0x1e0: {  	v16, _, _ =	vpop (xrf0)  }
0x1e1: {  	[tilespmem:$0x1060] =	vst v16  }
0x1e2: {  	v16 =	vld [tilespmem:s20+$0x70];
	_ =	sdelay $0x4  }
0x1e3: {  	vm1 =	veq.s32 v16, $0x1  }
0x1e4: {  	v16 =	vsel vm1, $0x1, v2  }
0x1e5: {  	(xrf0) =	vadd.scan.msk.s32 $0xffff, v16;
	_ =	sdelay $0x5  }
0x1e6: {  	v16, _, _ =	vpop (xrf0)  }
0x1e7: {  	[tilespmem:$0x1070] =	vst v16  }
0x1e8: {  	v16 =	vld [tilespmem:s20+$0x400];
	_ =	sdelay $0x4  }
0x1e9: {  	vm1 =	veq.s32 v16, $0x1  }
0x1ea: {  	v16 =	vsel vm1, $0x1, v2  }
0x1eb: {  	(xrf0) =	vadd.scan.msk.s32 $0xffff, v16;
	_ =	sdelay $0x5  }
0x1ec: {  	v16, _, _ =	vpop (xrf0)  }
0x1ed: {  	[tilespmem:$0x1080] =	vst v16  }
0x1ee: {  	v16 =	vld [tilespmem:s20+$0x410];
	_ =	sdelay $0x4  }
0x1ef: {  	vm1 =	veq.s32 v16, $0x1  }
0x1f0: {  	v16 =	vsel vm1, $0x1, v2  }
0x1f1: {  	(xrf0) =	vadd.scan.msk.s32 $0xffff, v16;
	_ =	sdelay $0x5  }
0x1f2: {  	v16, _, _ =	vpop (xrf0)  }
0x1f3: {  	[tilespmem:$0x1090] =	vst v16  }
0x1f4: {  	v16 =	vld [tilespmem:s20+$0x420];
	_ =	sdelay $0x4  }
0x1f5: {  	vm1 =	veq.s32 v16, $0x1  }
0x1f6: {  	v16 =	vsel vm1, $0x1, v2  }
0x1f7: {  	(xrf0) =	vadd.scan.msk.s32 $0xffff, v16;
	_ =	sdelay $0x5  }
0x1f8: {  	v16, _, _ =	vpop (xrf0)  }
0x1f9: {  	[tilespmem:$0x10A0] =	vst v16  }
0x1fa: {  	v16 =	vld [tilespmem:s20+$0x430];
	_ =	sdelay $0x4  }
0x1fb: {  	vm1 =	veq.s32 v16, $0x1  }
0x1fc: {  	v16 =	vsel vm1, $0x1, v2  }
0x1fd: {  	(xrf0) =	vadd.scan.msk.s32 $0xffff, v16;
	_ =	sdelay $0x5  }
0x1fe: {  	v16, _, _ =	vpop (xrf0)  }
0x1ff: {  	[tilespmem:$0x10B0] =	vst v16  }
0x200: {  	v16 =	vld [tilespmem:s20+$0x440];
	_ =	sdelay $0x4  }
0x201: {  	vm1 =	veq.s32 v16, $0x1  }
0x202: {  	v16 =	vsel vm1, $0x1, v2  }
0x203: {  	(xrf0) =	vadd.scan.msk.s32 $0xffff, v16;
	_ =	sdelay $0x5  }
0x204: {  	v16, _, _ =	vpop (xrf0)  }
0x205: {  	[tilespmem:$0x10C0] =	vst v16  }
0x206: {  	v16 =	vld [tilespmem:s20+$0x450];
	_ =	sdelay $0x4  }
0x207: {  	vm1 =	veq.s32 v16, $0x1  }
0x208: {  	v16 =	vsel vm1, $0x1, v2  }
0x209: {  	(xrf0) =	vadd.scan.msk.s32 $0xffff, v16;
	_ =	sdelay $0x5  }
0x20a: {  	v16, _, _ =	vpop (xrf0)  }
0x20b: {  	[tilespmem:$0x10D0] =	vst v16  }
0x20c: {  	v16 =	vld [tilespmem:s20+$0x460];
	_ =	sdelay $0x4  }
0x20d: {  	vm1 =	veq.s32 v16, $0x1  }
0x20e: {  	v16 =	vsel vm1, $0x1, v2  }
0x20f: {  	(xrf0) =	vadd.scan.msk.s32 $0xffff, v16;
	_ =	sdelay $0x5  }
0x210: {  	v16, _, _ =	vpop (xrf0)  }
0x211: {  	[tilespmem:$0x10E0] =	vst v16  }
0x212: {  	v16 =	vld [tilespmem:s20+$0x470];
	_ =	sdelay $0x4  }
0x213: {  	vm1 =	veq.s32 v16, $0x1  }
0x214: {  	v16 =	vsel vm1, $0x1, v2  }
0x215: {  	(xrf0) =	vadd.scan.msk.s32 $0xffff, v16;
	_ =	sdelay $0x5  }
0x216: {  	v16, _, _ =	vpop (xrf0)  }
0x217: {  	s25 =	simm.s32 $0x1000;
	[tilespmem:$0x10F0] =	vst v16  }
0x218: {  	v16 =	vld.idx.msk [tilespmem:v3+s25+$0x0], $0xffff;
	_ =	sdelay $0x4  }
0x219: {  	(xrf0) =	vadd.scan.msk.s32 $0xffff, v16;
	_ =	sdelay $0x2  }
0x21a: {  	v20 =	vimm.s32 $0xF;
	_ =	sdelay $0x2  }
0x21b: {  	v17, _, _ =	vpop (xrf0)  }
0x21c: {  	[tilespmem:$0x1100] =	vst v17  }
0x21d: {  	v20 =	vld.idx.msk [tilespmem:v20+s10+$0x0], $0xffff;
	_ =	sdelay $0x3  }
0x21e: {  	v16 =	vsub.s32 v17, v16  }
0x21f: {  	v17 =	vsub.s32 v20, v16;
	v20 =	vimm.s32 $0x10  }
0x220: {  	v21 =	vimm.s32 $0x20  }
0x221: {  	[tilespmem:$0x1110] =	vst v16;
	v16 =	vadd.s32 v1, v17  }
0x222: {  	v17 =	vld [tilespmem:$0x1000];
	[tilespmem:$0x1120] =	vst v16  }
0x223: {  	v16 =	vld [tilespmem:s20+$0x0]  }
0x224: {  	v20 =	vld.idx.msk [tilespmem:v20+s10+$0x0], $0xffff  }
0x225: {  	v21 =	vld.idx.msk [tilespmem:v21+s10+$0x0], $0xffff;
	_ =	sdelay $0x3  }
0x226: {  	v20 =	vadd.s32 v20, v17  }
0x227: {  	vm1 =	veq.s32 v16, $0x1;
	v17 =	vsub.s32 v21, v17;
	v20 =	vadd.s32 $0xFFFFFFFF, v20  }
0x228: {  	v17 =	vadd.s32 v0, v17;
	v20 =	vnsel vm1, $0x0, v20  }
0x229: {  	vm2 =	vne.s32 v16, $0x1;
	v16 =	vsel vm1, $0x0, v17;
	v17 =	vadd.s32 s16, v20  }
0x22a: {  	v16 =	vadd.s32 s16, v16;
	_ =	sdelay $0x2  }
0x22b: {  	v20 =	vimm.s32 $0x11  }
0x22c: {  	v21 =	vimm.s32 $0x21;
	[tilespmem:v17+s11+$0x0] =	vst.idx.msk vm1, v0  }
0x22d: {  	[tilespmem:v16+s11+$0x0] =	vst.idx.msk vm2, v7  }
0x22e: {  	v16 =	vld [tilespmem:s20+$0x10]  }
0x22f: {  	v17 =	vld [tilespmem:$0x1010]  }
0x230: {  	v20 =	vld.idx.msk [tilespmem:v20+s10+$0x0], $0xffff  }
0x231: {  	v21 =	vld.idx.msk [tilespmem:v21+s10+$0x0], $0xffff;
	_ =	sdelay $0x3  }
0x232: {  	v20 =	vadd.s32 v20, v17  }
0x233: {  	vm1 =	veq.s32 v16, $0x1;
	v17 =	vsub.s32 v21, v17;
	v20 =	vadd.s32 $0xFFFFFFFF, v20  }
0x234: {  	v17 =	vadd.s32 v0, v17;
	v20 =	vnsel vm1, $0x0, v20  }
0x235: {  	vm2 =	vne.s32 v16, $0x1;
	v16 =	vsel vm1, $0x0, v17;
	v17 =	vadd.s32 s16, v20  }
0x236: {  	v16 =	vadd.s32 s16, v16;
	_ =	sdelay $0x2  }
0x237: {  	v20 =	vimm.s32 $0x12  }
0x238: {  	v21 =	vimm.s32 $0x22;
	[tilespmem:v17+s11+$0x0] =	vst.idx.msk vm1, v10  }
0x239: {  	[tilespmem:v16+s11+$0x0] =	vst.idx.msk vm2, v11  }
0x23a: {  	v16 =	vld [tilespmem:s20+$0x20]  }
0x23b: {  	v17 =	vld [tilespmem:$0x1020]  }
0x23c: {  	v20 =	vld.idx.msk [tilespmem:v20+s10+$0x0], $0xffff  }
0x23d: {  	v21 =	vld.idx.msk [tilespmem:v21+s10+$0x0], $0xffff;
	_ =	sdelay $0x3  }
0x23e: {  	v20 =	vadd.s32 v20, v17  }
0x23f: {  	vm1 =	veq.s32 v16, $0x1;
	v17 =	vsub.s32 v21, v17;
	v20 =	vadd.s32 $0xFFFFFFFF, v20  }
0x240: {  	v17 =	vadd.s32 v0, v17;
	v20 =	vnsel vm1, $0x0, v20  }
0x241: {  	vm2 =	vne.s32 v16, $0x1;
	v16 =	vsel vm1, $0x0, v17;
	v17 =	vadd.s32 s16, v20  }
0x242: {  	v16 =	vadd.s32 s16, v16;
	_ =	sdelay $0x2  }
0x243: {  	v20 =	vimm.s32 $0x13  }
0x244: {  	v21 =	vimm.s32 $0x23;
	[tilespmem:v17+s11+$0x0] =	vst.idx.msk vm1, v14  }
0x245: {  	[tilespmem:v16+s11+$0x0] =	vst.idx.msk vm2, v15  }
0x246: {  	v16 =	vld [tilespmem:s20+$0x30]  }
0x247: {  	v17 =	vld [tilespmem:$0x1030]  }
0x248: {  	v20 =	vld.idx.msk [tilespmem:v20+s10+$0x0], $0xffff  }
0x249: {  	v21 =	vld.idx.msk [tilespmem:v21+s10+$0x0], $0xffff;
	_ =	sdelay $0x3  }
0x24a: {  	v20 =	vadd.s32 v20, v17  }
0x24b: {  	vm1 =	veq.s32 v16, $0x1;
	v17 =	vsub.s32 v21, v17;
	v20 =	vadd.s32 $0xFFFFFFFF, v20  }
0x24c: {  	v17 =	vadd.s32 v0, v17;
	v20 =	vnsel vm1, $0x0, v20  }
0x24d: {  	vm2 =	vne.s32 v16, $0x1;
	v16 =	vsel vm1, $0x0, v17;
	v17 =	vadd.s32 s16, v20  }
0x24e: {  	v16 =	vadd.s32 s16, v16;
	_ =	sdelay $0x2  }
0x24f: {  	v20 =	vimm.s32 $0x14  }
0x250: {  	v21 =	vimm.s32 $0x24;
	[tilespmem:v17+s11+$0x0] =	vst.idx.msk vm1, v18  }
0x251: {  	[tilespmem:v16+s11+$0x0] =	vst.idx.msk vm2, v19  }
0x252: {  	v16 =	vld [tilespmem:s20+$0x40]  }
0x253: {  	v17 =	vld [tilespmem:$0x1040]  }
0x254: {  	v20 =	vld.idx.msk [tilespmem:v20+s10+$0x0], $0xffff  }
0x255: {  	v21 =	vld.idx.msk [tilespmem:v21+s10+$0x0], $0xffff;
	_ =	sdelay $0x3  }
0x256: {  	v20 =	vadd.s32 v20, v17  }
0x257: {  	vm1 =	veq.s32 v16, $0x1;
	v17 =	vsub.s32 v21, v17;
	v20 =	vadd.s32 $0xFFFFFFFF, v20  }
0x258: {  	v17 =	vadd.s32 v0, v17;
	v20 =	vnsel vm1, $0x0, v20  }
0x259: {  	vm2 =	vne.s32 v16, $0x1;
	v16 =	vsel vm1, $0x0, v17;
	v17 =	vadd.s32 s16, v20  }
0x25a: {  	v16 =	vadd.s32 s16, v16;
	_ =	sdelay $0x3  }
0x25b: {  	[tilespmem:v17+s11+$0x0] =	vst.idx.msk vm1, v22  }
0x25c: {  	[tilespmem:v16+s11+$0x0] =	vst.idx.msk vm2, v23  }
0x25d: {  	v16 =	vld [tilespmem:s20+$0x50]  }
0x25e: {  	v17 =	vld [tilespmem:$0x1050]  }
0x25f: {  	v20 =	vld.idx.msk [tilespmem:v24+s10+$0x0], $0xffff  }
0x260: {  	v21 =	vld.idx.msk [tilespmem:v25+s10+$0x0], $0xffff;
	_ =	sdelay $0x3  }
0x261: {  	v20 =	vadd.s32 v20, v17  }
0x262: {  	vm1 =	veq.s32 v16, $0x1;
	v17 =	vsub.s32 v21, v17;
	v20 =	vadd.s32 $0xFFFFFFFF, v20  }
0x263: {  	v17 =	vadd.s32 v0, v17;
	v20 =	vnsel vm1, $0x0, v20  }
0x264: {  	vm2 =	vne.s32 v16, $0x1;
	v16 =	vsel vm1, $0x0, v17;
	v17 =	vadd.s32 s16, v20  }
0x265: {  	v16 =	vadd.s32 s16, v16;
	_ =	sdelay $0x3  }
0x266: {  	[tilespmem:v17+s11+$0x0] =	vst.idx.msk vm1, v26  }
0x267: {  	[tilespmem:v16+s11+$0x0] =	vst.idx.msk vm2, v27  }
0x268: {  	v16 =	vld [tilespmem:s20+$0x60]  }
0x269: {  	v17 =	vld [tilespmem:$0x1060]  }
0x26a: {  	v20 =	vld.idx.msk [tilespmem:v28+s10+$0x0], $0xffff  }
0x26b: {  	v21 =	vld.idx.msk [tilespmem:v29+s10+$0x0], $0xffff;
	_ =	sdelay $0x3  }
0x26c: {  	v20 =	vadd.s32 v20, v17  }
0x26d: {  	vm1 =	veq.s32 v16, $0x1;
	v17 =	vsub.s32 v21, v17;
	v20 =	vadd.s32 $0xFFFFFFFF, v20  }
0x26e: {  	v17 =	vadd.s32 v0, v17;
	v20 =	vnsel vm1, $0x0, v20  }
0x26f: {  	vm2 =	vne.s32 v16, $0x1;
	v16 =	vsel vm1, $0x0, v17;
	v17 =	vadd.s32 s16, v20  }
0x270: {  	v16 =	vadd.s32 s16, v16;
	_ =	sdelay $0x3  }
0x271: {  	[tilespmem:v17+s11+$0x0] =	vst.idx.msk vm1, v30  }
0x272: {  	[tilespmem:v16+s11+$0x0] =	vst.idx.msk vm2, v31  }
0x273: {  	v16 =	vld [tilespmem:s20+$0x70]  }
0x274: {  	v17 =	vld [tilespmem:$0x1070]  }
0x275: {  	v20 =	vld.idx.msk [tilespmem:v32+s10+$0x0], $0xffff  }
0x276: {  	v21 =	vld.idx.msk [tilespmem:v33+s10+$0x0], $0xffff;
	_ =	sdelay $0x3  }
0x277: {  	v20 =	vadd.s32 v20, v17  }
0x278: {  	vm1 =	veq.s32 v16, $0x1;
	v17 =	vsub.s32 v21, v17;
	v20 =	vadd.s32 $0xFFFFFFFF, v20  }
0x279: {  	v17 =	vadd.s32 v0, v17;
	v20 =	vnsel vm1, $0x0, v20  }
0x27a: {  	vm2 =	vne.s32 v16, $0x1;
	v16 =	vsel vm1, $0x0, v17;
	v17 =	vadd.s32 s16, v20  }
0x27b: {  	v16 =	vadd.s32 s16, v16;
	_ =	sdelay $0x3  }
0x27c: {  	[tilespmem:v17+s11+$0x0] =	vst.idx.msk vm1, v34  }
0x27d: {  	[tilespmem:v16+s11+$0x0] =	vst.idx.msk vm2, v35  }
0x27e: {  	v16 =	vld [tilespmem:s20+$0x400]  }
0x27f: {  	v17 =	vld [tilespmem:$0x1080]  }
0x280: {  	v20 =	vld.idx.msk [tilespmem:v36+s10+$0x0], $0xffff  }
0x281: {  	v21 =	vld.idx.msk [tilespmem:v37+s10+$0x0], $0xffff;
	_ =	sdelay $0x3  }
0x282: {  	v20 =	vadd.s32 v20, v17  }
0x283: {  	vm1 =	veq.s32 v16, $0x1;
	v17 =	vsub.s32 v21, v17;
	v20 =	vadd.s32 $0xFFFFFFFF, v20  }
0x284: {  	v17 =	vadd.s32 v0, v17;
	v20 =	vnsel vm1, $0x0, v20  }
0x285: {  	vm2 =	vne.s32 v16, $0x1;
	v16 =	vsel vm1, $0x0, v17;
	v17 =	vadd.s32 s16, v20  }
0x286: {  	v16 =	vadd.s32 s16, v16;
	_ =	sdelay $0x3  }
0x287: {  	[tilespmem:v17+s11+$0x0] =	vst.idx.msk vm1, v38  }
0x288: {  	[tilespmem:v16+s11+$0x0] =	vst.idx.msk vm2, v39  }
0x289: {  	v16 =	vld [tilespmem:s20+$0x410]  }
0x28a: {  	v17 =	vld [tilespmem:$0x1090]  }
0x28b: {  	v20 =	vld.idx.msk [tilespmem:v40+s10+$0x0], $0xffff  }
0x28c: {  	v21 =	vld.idx.msk [tilespmem:v41+s10+$0x0], $0xffff;
	_ =	sdelay $0x3  }
0x28d: {  	v20 =	vadd.s32 v20, v17  }
0x28e: {  	vm1 =	veq.s32 v16, $0x1;
	v17 =	vsub.s32 v21, v17;
	v20 =	vadd.s32 $0xFFFFFFFF, v20  }
0x28f: {  	v17 =	vadd.s32 v0, v17;
	v20 =	vnsel vm1, $0x0, v20  }
0x290: {  	vm2 =	vne.s32 v16, $0x1;
	v16 =	vsel vm1, $0x0, v17;
	v17 =	vadd.s32 s16, v20  }
0x291: {  	v16 =	vadd.s32 s16, v16;
	_ =	sdelay $0x3  }
0x292: {  	[tilespmem:v17+s11+$0x0] =	vst.idx.msk vm1, v42  }
0x293: {  	[tilespmem:v16+s11+$0x0] =	vst.idx.msk vm2, v43  }
0x294: {  	v16 =	vld [tilespmem:s20+$0x420]  }
0x295: {  	v17 =	vld [tilespmem:$0x10A0]  }
0x296: {  	v20 =	vld.idx.msk [tilespmem:v44+s10+$0x0], $0xffff  }
0x297: {  	v21 =	vld.idx.msk [tilespmem:v45+s10+$0x0], $0xffff;
	_ =	sdelay $0x3  }
0x298: {  	v20 =	vadd.s32 v20, v17  }
0x299: {  	vm1 =	veq.s32 v16, $0x1;
	v17 =	vsub.s32 v21, v17;
	v20 =	vadd.s32 $0xFFFFFFFF, v20  }
0x29a: {  	v17 =	vadd.s32 v0, v17;
	v20 =	vnsel vm1, $0x0, v20  }
0x29b: {  	vm2 =	vne.s32 v16, $0x1;
	v16 =	vsel vm1, $0x0, v17;
	v17 =	vadd.s32 s16, v20  }
0x29c: {  	v16 =	vadd.s32 s16, v16;
	_ =	sdelay $0x3  }
0x29d: {  	[tilespmem:v17+s11+$0x0] =	vst.idx.msk vm1, v46  }
0x29e: {  	[tilespmem:v16+s11+$0x0] =	vst.idx.msk vm2, v47  }
0x29f: {  	v16 =	vld [tilespmem:s20+$0x430]  }
0x2a0: {  	v17 =	vld [tilespmem:$0x10B0]  }
0x2a1: {  	v20 =	vld.idx.msk [tilespmem:v48+s10+$0x0], $0xffff  }
0x2a2: {  	v21 =	vld.idx.msk [tilespmem:v49+s10+$0x0], $0xffff;
	_ =	sdelay $0x3  }
0x2a3: {  	v20 =	vadd.s32 v20, v17  }
0x2a4: {  	vm1 =	veq.s32 v16, $0x1;
	v17 =	vsub.s32 v21, v17;
	v20 =	vadd.s32 $0xFFFFFFFF, v20  }
0x2a5: {  	v17 =	vadd.s32 v0, v17;
	v20 =	vnsel vm1, $0x0, v20  }
0x2a6: {  	vm2 =	vne.s32 v16, $0x1;
	v16 =	vsel vm1, $0x0, v17;
	v17 =	vadd.s32 s16, v20  }
0x2a7: {  	v16 =	vadd.s32 s16, v16;
	_ =	sdelay $0x3  }
0x2a8: {  	[tilespmem:v17+s11+$0x0] =	vst.idx.msk vm1, v50  }
0x2a9: {  	[tilespmem:v16+s11+$0x0] =	vst.idx.msk vm2, v51  }
0x2aa: {  	v16 =	vld [tilespmem:s20+$0x440]  }
0x2ab: {  	v17 =	vld [tilespmem:$0x10C0]  }
0x2ac: {  	v20 =	vld.idx.msk [tilespmem:v52+s10+$0x0], $0xffff  }
0x2ad: {  	v21 =	vld.idx.msk [tilespmem:v53+s10+$0x0], $0xffff;
	_ =	sdelay $0x3  }
0x2ae: {  	v20 =	vadd.s32 v20, v17  }
0x2af: {  	vm1 =	veq.s32 v16, $0x1;
	v17 =	vsub.s32 v21, v17;
	v20 =	vadd.s32 $0xFFFFFFFF, v20  }
0x2b0: {  	v17 =	vadd.s32 v0, v17;
	v20 =	vnsel vm1, $0x0, v20  }
0x2b1: {  	vm2 =	vne.s32 v16, $0x1;
	v16 =	vsel vm1, $0x0, v17;
	v17 =	vadd.s32 s16, v20  }
0x2b2: {  	v16 =	vadd.s32 s16, v16;
	_ =	sdelay $0x3  }
0x2b3: {  	[tilespmem:v17+s11+$0x0] =	vst.idx.msk vm1, v54  }
0x2b4: {  	[tilespmem:v16+s11+$0x0] =	vst.idx.msk vm2, v55  }
0x2b5: {  	v16 =	vld [tilespmem:s20+$0x450]  }
0x2b6: {  	v17 =	vld [tilespmem:$0x10D0]  }
0x2b7: {  	v20 =	vld.idx.msk [tilespmem:v56+s10+$0x0], $0xffff  }
0x2b8: {  	v21 =	vld.idx.msk [tilespmem:v57+s10+$0x0], $0xffff;
	_ =	sdelay $0x3  }
0x2b9: {  	v20 =	vadd.s32 v20, v17  }
0x2ba: {  	vm1 =	veq.s32 v16, $0x1;
	v17 =	vsub.s32 v21, v17;
	v20 =	vadd.s32 $0xFFFFFFFF, v20  }
0x2bb: {  	v17 =	vadd.s32 v0, v17;
	v20 =	vnsel vm1, $0x0, v20  }
0x2bc: {  	vm2 =	vne.s32 v16, $0x1;
	v16 =	vsel vm1, $0x0, v17;
	v17 =	vadd.s32 s16, v20  }
0x2bd: {  	v16 =	vadd.s32 s16, v16;
	_ =	sdelay $0x3  }
0x2be: {  	[tilespmem:v17+s11+$0x0] =	vst.idx.msk vm1, v58  }
0x2bf: {  	[tilespmem:v16+s11+$0x0] =	vst.idx.msk vm2, v59  }
0x2c0: {  	v16 =	vld [tilespmem:s20+$0x460]  }
0x2c1: {  	v17 =	vld [tilespmem:$0x10E0]  }
0x2c2: {  	v20 =	vld.idx.msk [tilespmem:v60+s10+$0x0], $0xffff  }
0x2c3: {  	v21 =	vld.idx.msk [tilespmem:v61+s10+$0x0], $0xffff;
	_ =	sdelay $0x3  }
0x2c4: {  	v20 =	vadd.s32 v20, v17  }
0x2c5: {  	vm1 =	veq.s32 v16, $0x1;
	v17 =	vsub.s32 v21, v17;
	v20 =	vadd.s32 $0xFFFFFFFF, v20  }
0x2c6: {  	v17 =	vadd.s32 v0, v17;
	v20 =	vnsel vm1, $0x0, v20  }
0x2c7: {  	vm2 =	vne.s32 v16, $0x1;
	v16 =	vsel vm1, $0x0, v17;
	v17 =	vadd.s32 s16, v20  }
0x2c8: {  	v16 =	vadd.s32 s16, v16;
	_ =	sdelay $0x3  }
0x2c9: {  	[tilespmem:v17+s11+$0x0] =	vst.idx.msk vm1, v62  }
0x2ca: {  	[tilespmem:v16+s11+$0x0] =	vst.idx.msk vm2, v63  }
0x2cb: {  	v16 =	vld [tilespmem:s20+$0x470]  }
0x2cc: {  	v17 =	vld [tilespmem:$0x10F0]  }
0x2cd: {  	v20 =	vld.idx.msk [tilespmem:v4+s10+$0x0], $0xffff  }
0x2ce: {  	v21 =	vld.idx.msk [tilespmem:v5+s10+$0x0], $0xffff;
	_ =	sdelay $0x3  }
0x2cf: {  	v20 =	vadd.s32 v20, v17  }
0x2d0: {  	v17 =	vsub.s32 v21, v17;
	vm1 =	veq.s32 v16, $0x1;
	v20 =	vadd.s32 $0xFFFFFFFF, v20  }
0x2d1: {  	v17 =	vadd.s32 v0, v17;
	v20 =	vnsel vm1, $0x0, v20  }
0x2d2: {  	vm2 =	vne.s32 v16, $0x1;
	v16 =	vsel vm1, $0x0, v17;
	v17 =	vadd.s32 s16, v20  }
0x2d3: {  	v16 =	vadd.s32 s16, v16;
	_ =	sdelay $0x3  }
0x2d4: {  	[tilespmem:v17+s11+$0x0] =	vst.idx.msk vm1, v6  }
0x2d5: {  	s24 =	simm.s32 $0x2180;
	s20 =	simm.s32 $0xE180;
	[tilespmem:v16+s11+$0x0] =	vst.idx.msk vm2, v8  }
.LBB2_4:
0x2d6: {  	p0 =	seq.s32 s7, $0x3E000  }
.Ltmp3:
0x2d7: {  	_ = 	snop;
	(pc) =	sbr.rel @p0 .LBB2_6-.Ltmp3, $4  }
0x2d8: {  	_ = 	snop  }
0x2d9: {  	_ =	swait.ge [sflag:s4], $0x2000  }
0x2da: {  	[sflag:s4] =	ssyncset.done $0x0  }
0x2db: {  	[sflag:s4] =	ssyncadd.s32 $0xFFFFE000  }
0x2dc: {  	v16 =	vld [tilespmem:s21+$0xFFFFFF90];
	_ =	sdelay $0x4  }
0x2dd: {  	vm1 =	vgt.u32 v16, $0x1FF  }
0x2de: {  	v16 =	vsel vm1, $0x0, v16  }
0x2df: {  	v17 =	vshll.u32 v16, $0x2  }
0x2e0: {  	v16 =	vand.u32 $0x7, v16;
	v17 =	vand.u32 $0xFFFFFFE0, v17  }
0x2e1: {  	v16 =	vor.u32 v16, v17  }
0x2e2: {  	v17 =	vperm.xlane v16, v9;
	_ =	sdelay $0x1  }
0x2e3: {  	v17 =	vadd.s32 v12, v17;
	_ =	sdelay $0x1  }
0x2e4: {  	v16 =	vperm.xlane v16, v13;
	_ =	sdelay $0x1  }
0x2e5: {  	v16 =	vadd.s32 v12, v16  }
0x2e6: {  	[tilespmem:s24], [sflag:$0x1] =	stream.indirect_vreg.gather [hbm4b:s3+s1], $0x80, v17, vm0, $0xb8;
	[tilespmem:$0x12180] =	vst v63  }
0x2e7: {  	s16 =	simm.s32 $0x2980  }
0x2e8: {  	[tilespmem:s16], [sflag:$0x1] =	stream.indirect_vreg.gather [hbm4b:s5+s1], $0x80, v17, vm0, $0xb8;
	[tilespmem:$0x12180] =	vst v63  }
0x2e9: {  	s17 =	simm.s32 $0x3180  }
0x2ea: {  	[tilespmem:s17], [sflag:$0x1] =	stream.indirect_vreg.gather [hbm4b:s3+s1], $0x80, v16, vm0, $0xb8;
	[tilespmem:$0x12180] =	vst v63  }
0x2eb: {  	s22 =	simm.s32 $0x3980  }
0x2ec: {  	[tilespmem:s22], [sflag:$0x1] =	stream.indirect_vreg.gather [hbm4b:s5+s1], $0x80, v16, vm0, $0xb8;
	[tilespmem:$0x12180] =	vst v63  }
0x2ed: {  	_ =	swait.ge [sflag:s6], $0x2000  }
0x2ee: {  	[sflag:s6] =	ssyncset.done $0x0  }
0x2ef: {  	[sflag:s6] =	ssyncadd.s32 $0xFFFFE000  }
0x2f0: {  	v16 =	vld [tilespmem:s21+$0xFFFFFFA0];
	_ =	sdelay $0x4  }
0x2f1: {  	vm1 =	vgt.u32 v16, $0x1FF  }
0x2f2: {  	v16 =	vsel vm1, $0x0, v16  }
0x2f3: {  	v17 =	vshll.u32 v16, $0x2  }
0x2f4: {  	v16 =	vand.u32 $0x7, v16;
	v17 =	vand.u32 $0xFFFFFFE0, v17  }
0x2f5: {  	v16 =	vor.u32 v16, v17  }
0x2f6: {  	v17 =	vperm.xlane v16, v9;
	_ =	sdelay $0x1  }
0x2f7: {  	v17 =	vadd.s32 v12, v17;
	_ =	sdelay $0x1  }
0x2f8: {  	v16 =	vperm.xlane v16, v13;
	_ =	sdelay $0x1  }
0x2f9: {  	s29 =	simm.s32 $0x4180;
	v16 =	vadd.s32 v12, v16  }
0x2fa: {  	[tilespmem:s29], [sflag:$0x2] =	stream.indirect_vreg.gather [hbm4b:s3+s1], $0x80, v17, vm0, $0xb8;
	[tilespmem:$0x12180] =	vst v63  }
0x2fb: {  	s25 =	simm.s32 $0x4980  }
0x2fc: {  	[tilespmem:s25], [sflag:$0x2] =	stream.indirect_vreg.gather [hbm4b:s5+s1], $0x80, v17, vm0, $0xb8;
	[tilespmem:$0x12180] =	vst v63  }
0x2fd: {  	s25 =	simm.s32 $0x5180  }
0x2fe: {  	[tilespmem:s25], [sflag:$0x2] =	stream.indirect_vreg.gather [hbm4b:s3+s1], $0x80, v16, vm0, $0xb8;
	[tilespmem:$0x12180] =	vst v63  }
0x2ff: {  	s25 =	simm.s32 $0x5980  }
0x300: {  	[tilespmem:s25], [sflag:$0x2] =	stream.indirect_vreg.gather [hbm4b:s5+s1], $0x80, v16, vm0, $0xb8;
	[tilespmem:$0x12180] =	vst v63  }
0x301: {  	_ =	swait.ge [sflag:s8], $0x2000  }
0x302: {  	[sflag:s8] =	ssyncset.done $0x0  }
0x303: {  	[sflag:s8] =	ssyncadd.s32 $0xFFFFE000  }
0x304: {  	v16 =	vld [tilespmem:s21+$0xFFFFFFB0];
	_ =	sdelay $0x4  }
0x305: {  	vm1 =	vgt.u32 v16, $0x1FF  }
0x306: {  	v16 =	vsel vm1, $0x0, v16  }
0x307: {  	v17 =	vshll.u32 v16, $0x2  }
0x308: {  	v16 =	vand.u32 $0x7, v16;
	v17 =	vand.u32 $0xFFFFFFE0, v17  }
0x309: {  	v16 =	vor.u32 v16, v17  }
0x30a: {  	v17 =	vperm.xlane v16, v9;
	_ =	sdelay $0x1  }
0x30b: {  	v17 =	vadd.s32 v12, v17;
	_ =	sdelay $0x1  }
0x30c: {  	v16 =	vperm.xlane v16, v13;
	_ =	sdelay $0x1  }
0x30d: {  	s2 =	simm.s32 $0x6180;
	v16 =	vadd.s32 v12, v16  }
0x30e: {  	[tilespmem:s2], [sflag:$0x3] =	stream.indirect_vreg.gather [hbm4b:s3+s1], $0x80, v17, vm0, $0xb8;
	[tilespmem:$0x12180] =	vst v63  }
0x30f: {  	s25 =	simm.s32 $0x6980  }
0x310: {  	[tilespmem:s25], [sflag:$0x3] =	stream.indirect_vreg.gather [hbm4b:s5+s1], $0x80, v17, vm0, $0xb8;
	[tilespmem:$0x12180] =	vst v63  }
0x311: {  	s25 =	simm.s32 $0x7180  }
0x312: {  	[tilespmem:s25], [sflag:$0x3] =	stream.indirect_vreg.gather [hbm4b:s3+s1], $0x80, v16, vm0, $0xb8;
	[tilespmem:$0x12180] =	vst v63  }
0x313: {  	s25 =	simm.s32 $0x7980  }
0x314: {  	[tilespmem:s25], [sflag:$0x3] =	stream.indirect_vreg.gather [hbm4b:s5+s1], $0x80, v16, vm0, $0xb8;
	[tilespmem:$0x12180] =	vst v63  }
0x315: {  	_ =	swait.ge [sflag:s13], $0x2000  }
0x316: {  	[sflag:s13] =	ssyncset.done $0x0  }
0x317: {  	[sflag:s13] =	ssyncadd.s32 $0xFFFFE000  }
0x318: {  	v16 =	vld [tilespmem:s21+$0xFFFFFFC0];
	_ =	sdelay $0x4  }
0x319: {  	vm1 =	vgt.u32 v16, $0x1FF  }
0x31a: {  	v16 =	vsel vm1, $0x0, v16  }
0x31b: {  	v17 =	vshll.u32 v16, $0x2  }
0x31c: {  	v16 =	vand.u32 $0x7, v16;
	v17 =	vand.u32 $0xFFFFFFE0, v17  }
0x31d: {  	v16 =	vor.u32 v16, v17  }
0x31e: {  	v17 =	vperm.xlane v16, v9;
	_ =	sdelay $0x1  }
0x31f: {  	v17 =	vadd.s32 v12, v17;
	_ =	sdelay $0x1  }
0x320: {  	v16 =	vperm.xlane v16, v13;
	_ =	sdelay $0x1  }
0x321: {  	s9 =	simm.s32 $0x8180;
	v16 =	vadd.s32 v12, v16  }
0x322: {  	[tilespmem:s9], [sflag:$0x4] =	stream.indirect_vreg.gather [hbm4b:s3+s1], $0x80, v17, vm0, $0xb8;
	[tilespmem:$0x12180] =	vst v63  }
0x323: {  	s25 =	simm.s32 $0x8980  }
0x324: {  	[tilespmem:s25], [sflag:$0x4] =	stream.indirect_vreg.gather [hbm4b:s5+s1], $0x80, v17, vm0, $0xb8;
	[tilespmem:$0x12180] =	vst v63  }
0x325: {  	s25 =	simm.s32 $0x9180  }
0x326: {  	[tilespmem:s25], [sflag:$0x4] =	stream.indirect_vreg.gather [hbm4b:s3+s1], $0x80, v16, vm0, $0xb8;
	[tilespmem:$0x12180] =	vst v63  }
0x327: {  	s25 =	simm.s32 $0x9980  }
0x328: {  	[tilespmem:s25], [sflag:$0x4] =	stream.indirect_vreg.gather [hbm4b:s5+s1], $0x80, v16, vm0, $0xb8;
	[tilespmem:$0x12180] =	vst v63  }
0x329: {  	_ =	swait.ge [sflag:s14], $0x2000  }
0x32a: {  	[sflag:s14] =	ssyncset.done $0x0  }
0x32b: {  	[sflag:s14] =	ssyncadd.s32 $0xFFFFE000  }
0x32c: {  	v16 =	vld [tilespmem:s21+$0xFFFFFFD0];
	_ =	sdelay $0x4  }
0x32d: {  	vm1 =	vgt.u32 v16, $0x1FF  }
0x32e: {  	v16 =	vsel vm1, $0x0, v16  }
0x32f: {  	v17 =	vshll.u32 v16, $0x2  }
0x330: {  	v16 =	vand.u32 $0x7, v16;
	v17 =	vand.u32 $0xFFFFFFE0, v17  }
0x331: {  	v16 =	vor.u32 v16, v17  }
0x332: {  	v17 =	vperm.xlane v16, v9;
	_ =	sdelay $0x1  }
0x333: {  	v17 =	vadd.s32 v12, v17;
	_ =	sdelay $0x1  }
0x334: {  	v16 =	vperm.xlane v16, v13;
	_ =	sdelay $0x1  }
0x335: {  	s17 =	simm.s32 $0xA180;
	v16 =	vadd.s32 v12, v16  }
0x336: {  	[tilespmem:s17], [sflag:$0x5] =	stream.indirect_vreg.gather [hbm4b:s3+s1], $0x80, v17, vm0, $0xb8;
	[tilespmem:$0x12180] =	vst v63  }
0x337: {  	s25 =	simm.s32 $0xA980  }
0x338: {  	[tilespmem:s25], [sflag:$0x5] =	stream.indirect_vreg.gather [hbm4b:s5+s1], $0x80, v17, vm0, $0xb8;
	[tilespmem:$0x12180] =	vst v63  }
0x339: {  	s25 =	simm.s32 $0xB180  }
0x33a: {  	[tilespmem:s25], [sflag:$0x5] =	stream.indirect_vreg.gather [hbm4b:s3+s1], $0x80, v16, vm0, $0xb8;
	[tilespmem:$0x12180] =	vst v63  }
0x33b: {  	s25 =	simm.s32 $0xB980  }
0x33c: {  	[tilespmem:s25], [sflag:$0x5] =	stream.indirect_vreg.gather [hbm4b:s5+s1], $0x80, v16, vm0, $0xb8;
	[tilespmem:$0x12180] =	vst v63  }
0x33d: {  	_ =	swait.ge [sflag:s15], $0x2000  }
0x33e: {  	[sflag:s15] =	ssyncset.done $0x0  }
0x33f: {  	[sflag:s15] =	ssyncadd.s32 $0xFFFFE000  }
0x340: {  	v16 =	vld [tilespmem:s21+$0xFFFFFFE0];
	_ =	sdelay $0x4  }
0x341: {  	vm1 =	vgt.u32 v16, $0x1FF  }
0x342: {  	v16 =	vsel vm1, $0x0, v16  }
0x343: {  	v17 =	vshll.u32 v16, $0x2  }
0x344: {  	v16 =	vand.u32 $0x7, v16;
	v17 =	vand.u32 $0xFFFFFFE0, v17  }
0x345: {  	v16 =	vor.u32 v16, v17  }
0x346: {  	v17 =	vperm.xlane v16, v9;
	_ =	sdelay $0x1  }
0x347: {  	v17 =	vadd.s32 v12, v17;
	_ =	sdelay $0x1  }
0x348: {  	v16 =	vperm.xlane v16, v13;
	_ =	sdelay $0x1  }
0x349: {  	s22 =	simm.s32 $0xC180;
	v16 =	vadd.s32 v12, v16  }
0x34a: {  	[tilespmem:s22], [sflag:$0x6] =	stream.indirect_vreg.gather [hbm4b:s3+s1], $0x80, v17, vm0, $0xb8;
	[tilespmem:$0x12180] =	vst v63  }
0x34b: {  	s25 =	simm.s32 $0xC980  }
0x34c: {  	[tilespmem:s25], [sflag:$0x6] =	stream.indirect_vreg.gather [hbm4b:s5+s1], $0x80, v17, vm0, $0xb8;
	[tilespmem:$0x12180] =	vst v63  }
0x34d: {  	s25 =	simm.s32 $0xD180  }
0x34e: {  	[tilespmem:s25], [sflag:$0x6] =	stream.indirect_vreg.gather [hbm4b:s3+s1], $0x80, v16, vm0, $0xb8;
	[tilespmem:$0x12180] =	vst v63  }
0x34f: {  	s25 =	simm.s32 $0xD980  }
0x350: {  	[tilespmem:s25], [sflag:$0x6] =	stream.indirect_vreg.gather [hbm4b:s5+s1], $0x80, v16, vm0, $0xb8;
	[tilespmem:$0x12180] =	vst v63  }
0x351: {  	_ =	swait.ge [sflag:s18], $0x2000  }
0x352: {  	[sflag:s18] =	ssyncset.done $0x0  }
0x353: {  	[sflag:s18] =	ssyncadd.s32 $0xFFFFE000  }
0x354: {  	v16 =	vld [tilespmem:s21+$0xFFFFFFF0];
	_ =	sdelay $0x4  }
0x355: {  	vm1 =	vgt.u32 v16, $0x1FF  }
0x356: {  	v16 =	vsel vm1, $0x0, v16  }
0x357: {  	v17 =	vshll.u32 v16, $0x2  }
0x358: {  	v16 =	vand.u32 $0x7, v16;
	v17 =	vand.u32 $0xFFFFFFE0, v17  }
0x359: {  	v16 =	vor.u32 v16, v17  }
0x35a: {  	v17 =	vperm.xlane v16, v9;
	_ =	sdelay $0x1  }
0x35b: {  	v17 =	vadd.s32 v12, v17;
	_ =	sdelay $0x1  }
0x35c: {  	v16 =	vperm.xlane v16, v13;
	_ =	sdelay $0x1  }
0x35d: {  	v16 =	vadd.s32 v12, v16  }
0x35e: {  	[tilespmem:s20], [sflag:$0x7] =	stream.indirect_vreg.gather [hbm4b:s3+s1], $0x80, v17, vm0, $0xb8;
	[tilespmem:$0x12180] =	vst v63  }
0x35f: {  	s25 =	simm.s32 $0xE980  }
0x360: {  	[tilespmem:s25], [sflag:$0x7] =	stream.indirect_vreg.gather [hbm4b:s5+s1], $0x80, v17, vm0, $0xb8;
	[tilespmem:$0x12180] =	vst v63  }
0x361: {  	s20 =	simm.s32 $0xF180  }
0x362: {  	[tilespmem:s20], [sflag:$0x7] =	stream.indirect_vreg.gather [hbm4b:s3+s1], $0x80, v16, vm0, $0xb8;
	[tilespmem:$0x12180] =	vst v63  }
0x363: {  	s25 =	simm.s32 $0xF980  }
0x364: {  	[tilespmem:s25], [sflag:$0x7] =	stream.indirect_vreg.gather [hbm4b:s5+s1], $0x80, v16, vm0, $0xb8;
	[tilespmem:$0x12180] =	vst v63  }
0x365: {  	_ =	swait.ge [sflag:s19], $0x2000  }
0x366: {  	[sflag:s19] =	ssyncset.done $0x0  }
0x367: {  	[sflag:s19] =	ssyncadd.s32 $0xFFFFE000  }
0x368: {  	v16 =	vld [tilespmem:s21+$0x0];
	_ =	sdelay $0x4  }
0x369: {  	vm1 =	vgt.u32 v16, $0x1FF  }
0x36a: {  	v16 =	vsel vm1, $0x0, v16  }
0x36b: {  	v17 =	vshll.u32 v16, $0x2  }
0x36c: {  	v16 =	vand.u32 $0x7, v16;
	v17 =	vand.u32 $0xFFFFFFE0, v17  }
0x36d: {  	v16 =	vor.u32 v16, v17  }
0x36e: {  	v17 =	vperm.xlane v16, v9;
	_ =	sdelay $0x1  }
0x36f: {  	v17 =	vadd.s32 v12, v17;
	_ =	sdelay $0x1  }
0x370: {  	v16 =	vperm.xlane v16, v13;
	_ =	sdelay $0x1  }
0x371: {  	v16 =	vadd.s32 v12, v16  }
0x372: {  	[tilespmem:s23], [sflag:$0x8] =	stream.indirect_vreg.gather [hbm4b:s3+s1], $0x80, v17, vm0, $0xb8;
	[tilespmem:$0x12180] =	vst v63  }
0x373: {  	s20 =	simm.s32 $0x10980  }
0x374: {  	[tilespmem:s20], [sflag:$0x8] =	stream.indirect_vreg.gather [hbm4b:s5+s1], $0x80, v17, vm0, $0xb8;
	[tilespmem:$0x12180] =	vst v63  }
.Ltmp4:
0x375: {  	s23 =	simm.s32 $0x11180;
	(pc) =	sbr.rel .LBB2_2-.Ltmp4, $4  }
0x376: {  	[tilespmem:s23], [sflag:$0x8] =	stream.indirect_vreg.gather [hbm4b:s3+s1], $0x80, v16, vm0, $0xb8;
	[tilespmem:$0x12180] =	vst v63  }
0x377: {  	s12 =	sadd.s32 $0x1, s12;
	s7 =	sadd.s32 $0x2000, s7;
	s25 =	simm.s32 $0x11980  }
0x378: {  	[tilespmem:s25], [sflag:$0x8] =	stream.indirect_vreg.gather [hbm4b:s5+s1], $0x80, v16, vm0, $0xb8;
	[tilespmem:$0x12180] =	vst v63  }
0x379: {  	s21 =	sadd.s32 $0x80, s21;
	s23 =	simm.s32 $0xE180;
	s25 =	simm.s32 $0x10180  }
.LBB2_7:
0x37a: {  	_ =	sfence.sel $0x180000  }
0x37b: {  	[bflag:$0x0] =	sbarrier.arrive $0xFFFF  }
0x37c: {  	_ =	strace $0x90000047  }
0x37d: {  	s0 =	stileid.u32;
	[bflag:$0x2] =	sbarrier.arrive $0xFFFF  }
0x37e: {  	p0 =	sne.s32 s0, $0x0;
	s0 =	rddreg [dreg:$0x3]  }
0x37f: {  	s0 =	sadd.s32 @!p0 $0x100000, s0  }
0x380: {  	[sflag:s0] =	ssyncadd.tile.s32 @!p0 $0x1;
	_ =	shalt  }
.Lfunc_end2:
_tile_overlayer_lowered:
.L_overlay_start_2:
0x381: {  	(tag) =	ssettag $0x2  }
0x382: {  	s0 =	rddreg [dreg:$0x0];
	s2 =	stileid.u32  }
0x383: {  	s1 =	rddreg [dreg:$0x1];
	p0 =	sne.s32 s2, $0x0  }
0x384: {  	s3 =	rddreg [dreg:$0x2];
	[bflag:$0x3] =	sbarrier.arrive $0xFFFF;
	s2 =	simm.s32 @!p0 $0x1C11  }
0x385: {  	[timem:s3], [sflag:s2] =	dma.local @!p0 [hbm:s0], s1  }
0x386: {  	s0 =	simm.s32 @!p0 $0x11  }
0x387: {  	_ =	swait.ge @!p0 [sflag:s0], s1  }
0x388: {  	s1 =	ssub.s32 @!p0 $0x0, s1;
	[sflag:s0] =	ssyncset.done @!p0 $0x0  }
0x389: {  	[sflag:s0] =	ssyncadd.s32 @!p0 s1  }
0x38a: {  	[bflag:$0x3] =	sbarrier.arrive $0xFFFF  }
0x38b: {  	_ =	shalt  }

</sc_bundles>
